<compile_context>
chip_gen: v7x
topology: tpu7x:2x2x1
jax: 0.10.2.dev20260603
libtpu: 0.0.44.dev20260713+nightly
codegen_flags: <defaults>
</compile_context>

<pallas_src>
import functools

import jax
import jax.numpy as jnp
from jax import lax
from jax.experimental import pallas as pl
from jax.experimental.pallas import tpu as pltpu
from jax.experimental.pallas import tpu_sc as plsc

B, L, W = 1024, 50, 16
T = B * L
WORD_DIM, CHAR_DIM, POS_DIM, PE_DIM = 128, 32, 32, 50
OUT_DIM = WORD_DIM + 32 + POS_DIM + PE_DIM
NFILT, KSZ = 32, 3
WP = 24
NVALID = W + 4 - KSZ + 1

NC, NS = 2, 16
NW = NC * NS
ROWS_PER_W = T // NW
CHUNK = 800
STREAM = 100
N_STREAM = ROWS_PER_W // STREAM

BLK = 1024
GRID = T // BLK
RB = BLK * W
SPAD = RB + 2 * BLK


def _sc_word_gather(word_table, idx2d):
    mesh = plsc.VectorSubcoreMesh(core_axis_name="c", subcore_axis_name="s")

    @functools.partial(
        pl.kernel,
        out_type=jax.ShapeDtypeStruct((T, WORD_DIM), jnp.float32),
        mesh=mesh,
        compiler_params=pltpu.CompilerParams(use_tc_tiling_on_sc=True),
        scratch_types=[
            pltpu.VMEM((N_STREAM, STREAM), jnp.int32),
            pltpu.VMEM((CHUNK, WORD_DIM), jnp.float32),
            pltpu.SemaphoreType.DMA,
        ],
    )
    def k(table_hbm, idx_hbm, out_hbm, idx_v, rows_v, sem):
        wid = lax.axis_index("s") * NC + lax.axis_index("c")
        base = wid * ROWS_PER_W
        pltpu.sync_copy(idx_hbm.at[pl.ds(wid * N_STREAM, N_STREAM)], idx_v)
        streams_per_chunk = CHUNK // STREAM
        for c in range(ROWS_PER_W // CHUNK):
            descs = []
            for j in range(streams_per_chunk):
                d = pltpu.async_copy(
                    table_hbm.at[idx_v.at[c * streams_per_chunk + j]],
                    rows_v.at[pl.ds(j * STREAM, STREAM)],
                    sem,
                )
                descs.append(d)
            for d in descs:
                d.wait()
            pltpu.sync_copy(rows_v, out_hbm.at[pl.ds(base + c * CHUNK, CHUNK)])

    return k(word_table, idx2d)


def _tc_assemble(word, cp3, pos3, tw_bf16, b2, pos_table, pe50):
    def body(word_ref, cp_ref, pos_ref, tw_ref, b_ref, pt_ref, pe_ref, out_ref):
        i = pl.program_id(0)
        cp = cp_ref[0, 0, :]
        idxs, shs = [], []
        for w in range(W):
            cpw = cp[BLK * w:BLK * (w + 1)]
            idxs.append(jnp.broadcast_to((cpw & 127)[None, :], (NFILT, BLK)))
            shs.append(jnp.broadcast_to(
                jnp.where(cpw < 128, jnp.int32(16), jnp.int32(0))[None, :], (NFILT, BLK)))

        def garm(k, w0):
            w32 = jnp.take_along_axis(tw_ref[pl.ds(NFILT * k, NFILT), :], idxs[w0], axis=1)
            return lax.bitcast_convert_type((w32 << shs[w0]) & jnp.int32(-65536), jnp.float32)

        mt = None
        for t in range(NVALID):
            acc = None
            for k in range(KSZ):
                w0 = t + k - 2
                if 0 <= w0 < W:
                    sl = garm(k, w0)
                    acc = sl if acc is None else acc + sl
            mt = acc if mt is None else jnp.maximum(mt, acc)
        ch = jnp.tanh(mt.T + b_ref[...])
        pidx = pos_ref[0, 0, :]
        ohp = (pidx[:, None] == lax.broadcasted_iota(jnp.int32, (BLK, 64), 1)).astype(jnp.float32)
        pos = jnp.dot(ohp, pt_ref[...], preferred_element_type=jnp.float32)
        li = (lax.broadcasted_iota(jnp.int32, (BLK, PE_DIM), 0) + i * BLK) % L
        ohl = (li == lax.broadcasted_iota(jnp.int32, (BLK, PE_DIM), 1)).astype(jnp.float32)
        pe = jnp.dot(ohl, pe_ref[...], preferred_element_type=jnp.float32)
        out_ref[:, 0:WORD_DIM] = word_ref[...]
        out_ref[:, WORD_DIM:WORD_DIM + 32] = ch
        out_ref[:, WORD_DIM + 32:WORD_DIM + 64] = pos
        out_ref[:, WORD_DIM + 64:OUT_DIM] = pe

    return pl.pallas_call(
        body,
        grid=(GRID,),
        in_specs=[
            pl.BlockSpec((BLK, WORD_DIM), lambda i: (i, 0)),
            pl.BlockSpec((1, 1, RB), lambda i: (i, 0, 0)),
            pl.BlockSpec((1, 1, BLK), lambda i: (i, 0, 0)),
            pl.BlockSpec((KSZ * NFILT, 128), lambda i: (0, 0)),
            pl.BlockSpec((1, 32), lambda i: (0, 0)),
            pl.BlockSpec((64, 32), lambda i: (0, 0)),
            pl.BlockSpec((PE_DIM, PE_DIM), lambda i: (0, 0)),
        ],
        out_specs=pl.BlockSpec((BLK, OUT_DIM), lambda i: (i, 0)),
        out_shape=jax.ShapeDtypeStruct((T, OUT_DIM), jnp.float32),
    )(word, cp3, pos3, tw_bf16, b2, pos_table, pe50)


def kernel(input_word, input_char, input_pos, input_bert, word_table, char_table, pos_table, conv_w, conv_b, position_table):
    del input_bert
    i32 = jnp.int32
    idx2d = input_word.astype(i32).reshape(T // STREAM, STREAM)
    cp3 = input_char.astype(i32).reshape(GRID, BLK, W).transpose(0, 2, 1).reshape(GRID, 1, RB)
    pos3 = input_pos.astype(i32).reshape(GRID, 1, BLK)
    tw = jnp.concatenate([conv_w[:, :, k] @ char_table.T for k in range(KSZ)], axis=0)
    tlo = tw[:, :128].astype(jnp.bfloat16).view(jnp.uint16).astype(jnp.uint32)
    thi = tw[:, 128:].astype(jnp.bfloat16).view(jnp.uint16).astype(jnp.uint32)
    tw = ((thi << 16) | tlo).astype(jnp.int32)
    b2 = conv_b.reshape(1, NFILT)
    pe50 = position_table[:L]
    word = _sc_word_gather(word_table, idx2d)
    out = _tc_assemble(word, cp3, pos3, tw, b2, pos_table, pe50)
    return out.reshape(B, L, OUT_DIM)

# --- scband reference (transcript-rebuilt; emitter-appended) ---
"""Pipeline reference for scband-embedder-33294586478762 (READ-ONLY COPY).

The authoritative reference and input builder live on the scoring server;
editing this copy changes nothing except your own understanding.
"""

import jax, jax.numpy as jnp
import numpy as np


def _sinusoid_table(max_len, dim):
    pe = np.array([[p / np.power(10000, 2 * (j // 2) / dim) for j in range(dim)] if p != 0 else np.zeros(dim) for p in range(max_len)])
    pe[1:, 0::2] = np.sin(pe[1:, 0::2])
    pe[1:, 1::2] = np.cos(pe[1:, 1::2])
    return jnp.asarray(pe, dtype=jnp.float32)


def setup_inputs(seed: int = 0):
    key = jax.random.key(seed)
    ks = jax.random.split(key, 10)
    B, L, W = 1024, 50, 16
    num_words, word_dim = 1000000, 128
    num_chars, char_dim = 256, 32
    num_pos, pos_dim = 64, 32
    num_filters, ksz = 32, 3
    max_sent_length, position_dim = 200, 50
    inp = {}
    inp["input_word"] = jax.random.randint(ks[0], (B, L), 0, num_words)
    inp["input_char"] = jax.random.randint(ks[1], (B, L, W), 0, num_chars)
    inp["input_pos"] = jax.random.randint(ks[2], (B, L), 0, num_pos)
    inp["input_bert"] = jnp.zeros((1,), dtype=jnp.int32)
    inp["word_table"] = jax.random.normal(ks[3], (num_words, word_dim), dtype=jnp.float32) * 0.1
    inp["char_table"] = jax.random.normal(ks[4], (num_chars, char_dim), dtype=jnp.float32) * 0.1
    inp["pos_table"] = jax.random.normal(ks[5], (num_pos, pos_dim), dtype=jnp.float32) * 0.1
    inp["conv_w"] = jax.random.normal(ks[6], (num_filters, char_dim, ksz), dtype=jnp.float32) * (1.0 / np.sqrt(char_dim * ksz))
    inp["conv_b"] = jnp.zeros((num_filters,), dtype=jnp.float32)
    inp["position_table"] = _sinusoid_table(max_sent_length, position_dim)
    return inp


def reference(input_word, input_char, input_pos, input_bert, word_table, char_table, pos_table, conv_w, conv_b, position_table):
    # Dropout2d layers are identity in eval mode.
    word = jnp.take(word_table, input_word, axis=0)  # [B, L, word_dim]
    src = word
    # char branch: embed -> conv1d (padding=k-1) -> max over length -> tanh
    char = jnp.take(char_table, input_char, axis=0)  # [B, L, W, char_dim]
    B, L, W, C = char.shape
    ch = char.reshape(B * L, W, C).transpose(0, 2, 1)  # [B*L, C, W]
    conv = jax.lax.conv_general_dilated(ch, conv_w, window_strides=(1,), padding=[(2, 2)], dimension_numbers=("NCH", "OIH", "NCH"))
    conv = conv + conv_b[None, :, None]
    ch = jnp.tanh(jnp.max(conv, axis=2)).reshape(B, L, -1)  # [B, L, num_filters]
    src = jnp.concatenate([src, ch], axis=2)
    pos = jnp.take(pos_table, input_pos, axis=0)  # [B, L, pos_dim]
    src = jnp.concatenate([src, pos], axis=2)
    positions = jnp.arange(L)
    pe = jnp.take(position_table, positions, axis=0)  # [L, position_dim]
    pe = jnp.broadcast_to(pe[None, :, :], (B, L, pe.shape[-1]))
    src = jnp.concatenate([src, pe], axis=2)  # [B, L, 128+32+32+50]
    return src

if __name__ == "__main__":
    import jax
    _d = setup_inputs()
    print(jax.jit(kernel)(*tuple(_d.values())))

</pallas_src>

<mosaic_0001>
#map = affine_map<(d0, d1) -> (0, 0)>
module attributes {stable_mosaic.version = 14 : i64} {
  func.func @k(%arg0: i32, %arg1: i32, %arg2: memref<1000000x128xf32, #tpu.memory_space<hbm>>, %arg3: memref<512x100xi32, #tpu.memory_space<hbm>>, %arg4: memref<51200x128xf32, #tpu.memory_space<hbm>>, %arg5: memref<16x100xi32, #tpu.memory_space<vmem>>, %arg6: memref<800x128xf32, #tpu.memory_space<vmem>>, %arg7: memref<!tpu.dma_semaphore, #tpu.memory_space<semaphore_mem>>) attributes {dimension_semantics = [#tpu.dimension_semantics<core_parallel>, #tpu.dimension_semantics<subcore_parallel>], iteration_bounds = array<i64: 2, 16>, scalar_prefetch = 0 : i64, scratch_operands = 3 : i64, tpu.core_type = #tpu.core_type<sc_vector_subcore>, window_params = [{transform_indices = #map}, {transform_indices = #map}, {transform_indices = #map}]} {
    %mul3A = arith.constant 2 : i32
    %mul3A_0 = arith.muli %arg1, %mul3A : i32
    %add3A = arith.addi %mul3A_0, %arg0 : i32
    %mul3A_1 = arith.constant 1600 : i32
    %mul3A_2 = arith.muli %add3A, %mul3A_1 : i32
    %mul3A_3 = arith.constant 16 : i32
    %mul3A_4 = arith.muli %add3A, %mul3A_3 : i32
    "tpu.region"() ({
      %run_scoped3A = tpu.sem_alloc : memref<!tpu.dma_semaphore, #tpu.memory_space<semaphore_mem>>
      %dma_start3A_327 = arith.constant 0 : i32
      %dma_start3A_328 = tpu.memref_slice %arg3[%mul3A_4, %dma_start3A_327] : memref<512x100xi32, #tpu.memory_space<hbm>> -> memref<16x100xi32, #tpu.memory_space<hbm>>
      %dma_start3A_329 = arith.constant 0 : i32
      %dma_start3A_330 = tpu.memref_slice %arg3[%mul3A_4, %dma_start3A_329] : memref<512x100xi32, #tpu.memory_space<hbm>> -> memref<16x100xi32, #tpu.memory_space<hbm>>
      tpu.enqueue_dma source(%dma_start3A_330 : memref<16x100xi32, #tpu.memory_space<hbm>>) target(%arg5 : memref<16x100xi32, #tpu.memory_space<vmem>>) target_semaphore(%run_scoped3A : memref<!tpu.dma_semaphore, #tpu.memory_space<semaphore_mem>>)
      %dma_wait3A_331 = arith.constant 0 : i32
      %dma_wait3A_332 = tpu.memref_slice %arg3[%mul3A_4, %dma_wait3A_331] : memref<512x100xi32, #tpu.memory_space<hbm>> -> memref<16x100xi32, #tpu.memory_space<hbm>>
      %dma_wait3A_333 = arith.constant 0 : i32
      %dma_wait3A_334 = tpu.memref_slice %arg3[%mul3A_4, %dma_wait3A_333] : memref<512x100xi32, #tpu.memory_space<hbm>> -> memref<16x100xi32, #tpu.memory_space<hbm>>
      tpu.wait_dma2 semaphore(%run_scoped3A : memref<!tpu.dma_semaphore, #tpu.memory_space<semaphore_mem>>) src(%dma_wait3A_334 : memref<16x100xi32, #tpu.memory_space<hbm>>) dst(%arg5 : memref<16x100xi32, #tpu.memory_space<vmem>>)
      tpu.yield
    }) : () -> ()
    %dma_start3A = arith.constant 0 : i32
    %dma_start3A_5 = arith.constant 0 : i32
    %dma_start3A_6 = arith.constant 0 : i32
    %dma_start3A_7 = tpu.memref_slice %arg6[%dma_start3A_5, %dma_start3A_6] : memref<800x128xf32, #tpu.memory_space<vmem>> -> memref<100x128xf32, #tpu.memory_space<vmem>>
    %dma_start3A_8 = arith.constant 0 : i32
    %dma_start3A_9 = tpu.memref_slice %arg5[%dma_start3A, %dma_start3A_8] : memref<16x100xi32, #tpu.memory_space<vmem>> -> memref<1x100xi32, #tpu.memory_space<vmem>>
    %dma_start3A_10 = tpu.memref_squeeze %dma_start3A_9 : memref<1x100xi32, #tpu.memory_space<vmem>> -> memref<100xi32, #tpu.memory_space<vmem>>
    %dma_start3A_11 = arith.constant 0 : i32
    %dma_start3A_12 = arith.constant 0 : i32
    %dma_start3A_13 = tpu.memref_slice %arg2[%dma_start3A_11, %dma_start3A_12] : memref<1000000x128xf32, #tpu.memory_space<hbm>> -> memref<1000000x128xf32, #tpu.memory_space<hbm>>
    tpu.enqueue_indirect_dma source(%dma_start3A_13 : memref<1000000x128xf32, #tpu.memory_space<hbm>>) target(%dma_start3A_7 : memref<100x128xf32, #tpu.memory_space<vmem>>) offsets(%dma_start3A_10 : memref<100xi32, #tpu.memory_space<vmem>>) semaphore(%arg7 : memref<!tpu.dma_semaphore, #tpu.memory_space<semaphore_mem>>)
    %dma_start3A_14 = arith.constant 1 : i32
    %dma_start3A_15 = arith.constant 100 : i32
    %dma_start3A_16 = arith.constant 0 : i32
    %dma_start3A_17 = tpu.memref_slice %arg6[%dma_start3A_15, %dma_start3A_16] : memref<800x128xf32, #tpu.memory_space<vmem>> -> memref<100x128xf32, #tpu.memory_space<vmem>>
    %dma_start3A_18 = arith.constant 0 : i32
    %dma_start3A_19 = tpu.memref_slice %arg5[%dma_start3A_14, %dma_start3A_18] : memref<16x100xi32, #tpu.memory_space<vmem>> -> memref<1x100xi32, #tpu.memory_space<vmem>>
    %dma_start3A_20 = tpu.memref_squeeze %dma_start3A_19 : memref<1x100xi32, #tpu.memory_space<vmem>> -> memref<100xi32, #tpu.memory_space<vmem>>
    %dma_start3A_21 = arith.constant 0 : i32
    %dma_start3A_22 = arith.constant 0 : i32
    %dma_start3A_23 = tpu.memref_slice %arg2[%dma_start3A_21, %dma_start3A_22] : memref<1000000x128xf32, #tpu.memory_space<hbm>> -> memref<1000000x128xf32, #tpu.memory_space<hbm>>
    tpu.enqueue_indirect_dma source(%dma_start3A_23 : memref<1000000x128xf32, #tpu.memory_space<hbm>>) target(%dma_start3A_17 : memref<100x128xf32, #tpu.memory_space<vmem>>) offsets(%dma_start3A_20 : memref<100xi32, #tpu.memory_space<vmem>>) semaphore(%arg7 : memref<!tpu.dma_semaphore, #tpu.memory_space<semaphore_mem>>)
    %dma_start3A_24 = arith.constant 2 : i32
    %dma_start3A_25 = arith.constant 200 : i32
    %dma_start3A_26 = arith.constant 0 : i32
    %dma_start3A_27 = tpu.memref_slice %arg6[%dma_start3A_25, %dma_start3A_26] : memref<800x128xf32, #tpu.memory_space<vmem>> -> memref<100x128xf32, #tpu.memory_space<vmem>>
    %dma_start3A_28 = arith.constant 0 : i32
    %dma_start3A_29 = tpu.memref_slice %arg5[%dma_start3A_24, %dma_start3A_28] : memref<16x100xi32, #tpu.memory_space<vmem>> -> memref<1x100xi32, #tpu.memory_space<vmem>>
    %dma_start3A_30 = tpu.memref_squeeze %dma_start3A_29 : memref<1x100xi32, #tpu.memory_space<vmem>> -> memref<100xi32, #tpu.memory_space<vmem>>
    %dma_start3A_31 = arith.constant 0 : i32
    %dma_start3A_32 = arith.constant 0 : i32
    %dma_start3A_33 = tpu.memref_slice %arg2[%dma_start3A_31, %dma_start3A_32] : memref<1000000x128xf32, #tpu.memory_space<hbm>> -> memref<1000000x128xf32, #tpu.memory_space<hbm>>
    tpu.enqueue_indirect_dma source(%dma_start3A_33 : memref<1000000x128xf32, #tpu.memory_space<hbm>>) target(%dma_start3A_27 : memref<100x128xf32, #tpu.memory_space<vmem>>) offsets(%dma_start3A_30 : memref<100xi32, #tpu.memory_space<vmem>>) semaphore(%arg7 : memref<!tpu.dma_semaphore, #tpu.memory_space<semaphore_mem>>)
    %dma_start3A_34 = arith.constant 3 : i32
    %dma_start3A_35 = arith.constant 300 : i32
    %dma_start3A_36 = arith.constant 0 : i32
    %dma_start3A_37 = tpu.memref_slice %arg6[%dma_start3A_35, %dma_start3A_36] : memref<800x128xf32, #tpu.memory_space<vmem>> -> memref<100x128xf32, #tpu.memory_space<vmem>>
    %dma_start3A_38 = arith.constant 0 : i32
    %dma_start3A_39 = tpu.memref_slice %arg5[%dma_start3A_34, %dma_start3A_38] : memref<16x100xi32, #tpu.memory_space<vmem>> -> memref<1x100xi32, #tpu.memory_space<vmem>>
    %dma_start3A_40 = tpu.memref_squeeze %dma_start3A_39 : memref<1x100xi32, #tpu.memory_space<vmem>> -> memref<100xi32, #tpu.memory_space<vmem>>
    %dma_start3A_41 = arith.constant 0 : i32
    %dma_start3A_42 = arith.constant 0 : i32
    %dma_start3A_43 = tpu.memref_slice %arg2[%dma_start3A_41, %dma_start3A_42] : memref<1000000x128xf32, #tpu.memory_space<hbm>> -> memref<1000000x128xf32, #tpu.memory_space<hbm>>
    tpu.enqueue_indirect_dma source(%dma_start3A_43 : memref<1000000x128xf32, #tpu.memory_space<hbm>>) target(%dma_start3A_37 : memref<100x128xf32, #tpu.memory_space<vmem>>) offsets(%dma_start3A_40 : memref<100xi32, #tpu.memory_space<vmem>>) semaphore(%arg7 : memref<!tpu.dma_semaphore, #tpu.memory_space<semaphore_mem>>)
    %dma_start3A_44 = arith.constant 4 : i32
    %dma_start3A_45 = arith.constant 400 : i32
    %dma_start3A_46 = arith.constant 0 : i32
    %dma_start3A_47 = tpu.memref_slice %arg6[%dma_start3A_45, %dma_start3A_46] : memref<800x128xf32, #tpu.memory_space<vmem>> -> memref<100x128xf32, #tpu.memory_space<vmem>>
    %dma_start3A_48 = arith.constant 0 : i32
    %dma_start3A_49 = tpu.memref_slice %arg5[%dma_start3A_44, %dma_start3A_48] : memref<16x100xi32, #tpu.memory_space<vmem>> -> memref<1x100xi32, #tpu.memory_space<vmem>>
    %dma_start3A_50 = tpu.memref_squeeze %dma_start3A_49 : memref<1x100xi32, #tpu.memory_space<vmem>> -> memref<100xi32, #tpu.memory_space<vmem>>
    %dma_start3A_51 = arith.constant 0 : i32
    %dma_start3A_52 = arith.constant 0 : i32
    %dma_start3A_53 = tpu.memref_slice %arg2[%dma_start3A_51, %dma_start3A_52] : memref<1000000x128xf32, #tpu.memory_space<hbm>> -> memref<1000000x128xf32, #tpu.memory_space<hbm>>
    tpu.enqueue_indirect_dma source(%dma_start3A_53 : memref<1000000x128xf32, #tpu.memory_space<hbm>>) target(%dma_start3A_47 : memref<100x128xf32, #tpu.memory_space<vmem>>) offsets(%dma_start3A_50 : memref<100xi32, #tpu.memory_space<vmem>>) semaphore(%arg7 : memref<!tpu.dma_semaphore, #tpu.memory_space<semaphore_mem>>)
    %dma_start3A_54 = arith.constant 5 : i32
    %dma_start3A_55 = arith.constant 500 : i32
    %dma_start3A_56 = arith.constant 0 : i32
    %dma_start3A_57 = tpu.memref_slice %arg6[%dma_start3A_55, %dma_start3A_56] : memref<800x128xf32, #tpu.memory_space<vmem>> -> memref<100x128xf32, #tpu.memory_space<vmem>>
    %dma_start3A_58 = arith.constant 0 : i32
    %dma_start3A_59 = tpu.memref_slice %arg5[%dma_start3A_54, %dma_start3A_58] : memref<16x100xi32, #tpu.memory_space<vmem>> -> memref<1x100xi32, #tpu.memory_space<vmem>>
    %dma_start3A_60 = tpu.memref_squeeze %dma_start3A_59 : memref<1x100xi32, #tpu.memory_space<vmem>> -> memref<100xi32, #tpu.memory_space<vmem>>
    %dma_start3A_61 = arith.constant 0 : i32
    %dma_start3A_62 = arith.constant 0 : i32
    %dma_start3A_63 = tpu.memref_slice %arg2[%dma_start3A_61, %dma_start3A_62] : memref<1000000x128xf32, #tpu.memory_space<hbm>> -> memref<1000000x128xf32, #tpu.memory_space<hbm>>
    tpu.enqueue_indirect_dma source(%dma_start3A_63 : memref<1000000x128xf32, #tpu.memory_space<hbm>>) target(%dma_start3A_57 : memref<100x128xf32, #tpu.memory_space<vmem>>) offsets(%dma_start3A_60 : memref<100xi32, #tpu.memory_space<vmem>>) semaphore(%arg7 : memref<!tpu.dma_semaphore, #tpu.memory_space<semaphore_mem>>)
    %dma_start3A_64 = arith.constant 6 : i32
    %dma_start3A_65 = arith.constant 600 : i32
    %dma_start3A_66 = arith.constant 0 : i32
    %dma_start3A_67 = tpu.memref_slice %arg6[%dma_start3A_65, %dma_start3A_66] : memref<800x128xf32, #tpu.memory_space<vmem>> -> memref<100x128xf32, #tpu.memory_space<vmem>>
    %dma_start3A_68 = arith.constant 0 : i32
    %dma_start3A_69 = tpu.memref_slice %arg5[%dma_start3A_64, %dma_start3A_68] : memref<16x100xi32, #tpu.memory_space<vmem>> -> memref<1x100xi32, #tpu.memory_space<vmem>>
    %dma_start3A_70 = tpu.memref_squeeze %dma_start3A_69 : memref<1x100xi32, #tpu.memory_space<vmem>> -> memref<100xi32, #tpu.memory_space<vmem>>
    %dma_start3A_71 = arith.constant 0 : i32
    %dma_start3A_72 = arith.constant 0 : i32
    %dma_start3A_73 = tpu.memref_slice %arg2[%dma_start3A_71, %dma_start3A_72] : memref<1000000x128xf32, #tpu.memory_space<hbm>> -> memref<1000000x128xf32, #tpu.memory_space<hbm>>
    tpu.enqueue_indirect_dma source(%dma_start3A_73 : memref<1000000x128xf32, #tpu.memory_space<hbm>>) target(%dma_start3A_67 : memref<100x128xf32, #tpu.memory_space<vmem>>) offsets(%dma_start3A_70 : memref<100xi32, #tpu.memory_space<vmem>>) semaphore(%arg7 : memref<!tpu.dma_semaphore, #tpu.memory_space<semaphore_mem>>)
    %dma_start3A_74 = arith.constant 7 : i32
    %dma_start3A_75 = arith.constant 700 : i32
    %dma_start3A_76 = arith.constant 0 : i32
    %dma_start3A_77 = tpu.memref_slice %arg6[%dma_start3A_75, %dma_start3A_76] : memref<800x128xf32, #tpu.memory_space<vmem>> -> memref<100x128xf32, #tpu.memory_space<vmem>>
    %dma_start3A_78 = arith.constant 0 : i32
    %dma_start3A_79 = tpu.memref_slice %arg5[%dma_start3A_74, %dma_start3A_78] : memref<16x100xi32, #tpu.memory_space<vmem>> -> memref<1x100xi32, #tpu.memory_space<vmem>>
    %dma_start3A_80 = tpu.memref_squeeze %dma_start3A_79 : memref<1x100xi32, #tpu.memory_space<vmem>> -> memref<100xi32, #tpu.memory_space<vmem>>
    %dma_start3A_81 = arith.constant 0 : i32
    %dma_start3A_82 = arith.constant 0 : i32
    %dma_start3A_83 = tpu.memref_slice %arg2[%dma_start3A_81, %dma_start3A_82] : memref<1000000x128xf32, #tpu.memory_space<hbm>> -> memref<1000000x128xf32, #tpu.memory_space<hbm>>
    tpu.enqueue_indirect_dma source(%dma_start3A_83 : memref<1000000x128xf32, #tpu.memory_space<hbm>>) target(%dma_start3A_77 : memref<100x128xf32, #tpu.memory_space<vmem>>) offsets(%dma_start3A_80 : memref<100xi32, #tpu.memory_space<vmem>>) semaphore(%arg7 : memref<!tpu.dma_semaphore, #tpu.memory_space<semaphore_mem>>)
    %dma_wait3A = arith.constant 0 : i32
    %dma_wait3A_84 = arith.constant 0 : i32
    %dma_wait3A_85 = arith.constant 0 : i32
    %dma_wait3A_86 = tpu.memref_slice %arg6[%dma_wait3A_84, %dma_wait3A_85] : memref<800x128xf32, #tpu.memory_space<vmem>> -> memref<100x128xf32, #tpu.memory_space<vmem>>
    %dma_wait3A_87 = arith.constant 0 : i32
    %dma_wait3A_88 = tpu.memref_slice %arg5[%dma_wait3A, %dma_wait3A_87] : memref<16x100xi32, #tpu.memory_space<vmem>> -> memref<1x100xi32, #tpu.memory_space<vmem>>
    %dma_wait3A_89 = tpu.memref_squeeze %dma_wait3A_88 : memref<1x100xi32, #tpu.memory_space<vmem>> -> memref<100xi32, #tpu.memory_space<vmem>>
    %dma_wait3A_90 = arith.constant 0 : i32
    %dma_wait3A_91 = arith.constant 0 : i32
    %dma_wait3A_92 = tpu.memref_slice %arg2[%dma_wait3A_90, %dma_wait3A_91] : memref<1000000x128xf32, #tpu.memory_space<hbm>> -> memref<1000000x128xf32, #tpu.memory_space<hbm>>
    tpu.wait_indirect_dma semaphore(%arg7 : memref<!tpu.dma_semaphore, #tpu.memory_space<semaphore_mem>>) src(%dma_wait3A_92 : memref<1000000x128xf32, #tpu.memory_space<hbm>>) dst(%dma_wait3A_86 : memref<100x128xf32, #tpu.memory_space<vmem>>)
    %dma_wait3A_93 = arith.constant 1 : i32
    %dma_wait3A_94 = arith.constant 100 : i32
    %dma_wait3A_95 = arith.constant 0 : i32
    %dma_wait3A_96 = tpu.memref_slice %arg6[%dma_wait3A_94, %dma_wait3A_95] : memref<800x128xf32, #tpu.memory_space<vmem>> -> memref<100x128xf32, #tpu.memory_space<vmem>>
    %dma_wait3A_97 = arith.constant 0 : i32
    %dma_wait3A_98 = tpu.memref_slice %arg5[%dma_wait3A_93, %dma_wait3A_97] : memref<16x100xi32, #tpu.memory_space<vmem>> -> memref<1x100xi32, #tpu.memory_space<vmem>>
    %dma_wait3A_99 = tpu.memref_squeeze %dma_wait3A_98 : memref<1x100xi32, #tpu.memory_space<vmem>> -> memref<100xi32, #tpu.memory_space<vmem>>
    %dma_wait3A_100 = arith.constant 0 : i32
    %dma_wait3A_101 = arith.constant 0 : i32
    %dma_wait3A_102 = tpu.memref_slice %arg2[%dma_wait3A_100, %dma_wait3A_101] : memref<1000000x128xf32, #tpu.memory_space<hbm>> -> memref<1000000x128xf32, #tpu.memory_space<hbm>>
    tpu.wait_indirect_dma semaphore(%arg7 : memref<!tpu.dma_semaphore, #tpu.memory_space<semaphore_mem>>) src(%dma_wait3A_102 : memref<1000000x128xf32, #tpu.memory_space<hbm>>) dst(%dma_wait3A_96 : memref<100x128xf32, #tpu.memory_space<vmem>>)
    %dma_wait3A_103 = arith.constant 2 : i32
    %dma_wait3A_104 = arith.constant 200 : i32
    %dma_wait3A_105 = arith.constant 0 : i32
    %dma_wait3A_106 = tpu.memref_slice %arg6[%dma_wait3A_104, %dma_wait3A_105] : memref<800x128xf32, #tpu.memory_space<vmem>> -> memref<100x128xf32, #tpu.memory_space<vmem>>
    %dma_wait3A_107 = arith.constant 0 : i32
    %dma_wait3A_108 = tpu.memref_slice %arg5[%dma_wait3A_103, %dma_wait3A_107] : memref<16x100xi32, #tpu.memory_space<vmem>> -> memref<1x100xi32, #tpu.memory_space<vmem>>
    %dma_wait3A_109 = tpu.memref_squeeze %dma_wait3A_108 : memref<1x100xi32, #tpu.memory_space<vmem>> -> memref<100xi32, #tpu.memory_space<vmem>>
    %dma_wait3A_110 = arith.constant 0 : i32
    %dma_wait3A_111 = arith.constant 0 : i32
    %dma_wait3A_112 = tpu.memref_slice %arg2[%dma_wait3A_110, %dma_wait3A_111] : memref<1000000x128xf32, #tpu.memory_space<hbm>> -> memref<1000000x128xf32, #tpu.memory_space<hbm>>
    tpu.wait_indirect_dma semaphore(%arg7 : memref<!tpu.dma_semaphore, #tpu.memory_space<semaphore_mem>>) src(%dma_wait3A_112 : memref<1000000x128xf32, #tpu.memory_space<hbm>>) dst(%dma_wait3A_106 : memref<100x128xf32, #tpu.memory_space<vmem>>)
    %dma_wait3A_113 = arith.constant 3 : i32
    %dma_wait3A_114 = arith.constant 300 : i32
    %dma_wait3A_115 = arith.constant 0 : i32
    %dma_wait3A_116 = tpu.memref_slice %arg6[%dma_wait3A_114, %dma_wait3A_115] : memref<800x128xf32, #tpu.memory_space<vmem>> -> memref<100x128xf32, #tpu.memory_space<vmem>>
    %dma_wait3A_117 = arith.constant 0 : i32
    %dma_wait3A_118 = tpu.memref_slice %arg5[%dma_wait3A_113, %dma_wait3A_117] : memref<16x100xi32, #tpu.memory_space<vmem>> -> memref<1x100xi32, #tpu.memory_space<vmem>>
    %dma_wait3A_119 = tpu.memref_squeeze %dma_wait3A_118 : memref<1x100xi32, #tpu.memory_space<vmem>> -> memref<100xi32, #tpu.memory_space<vmem>>
    %dma_wait3A_120 = arith.constant 0 : i32
    %dma_wait3A_121 = arith.constant 0 : i32
    %dma_wait3A_122 = tpu.memref_slice %arg2[%dma_wait3A_120, %dma_wait3A_121] : memref<1000000x128xf32, #tpu.memory_space<hbm>> -> memref<1000000x128xf32, #tpu.memory_space<hbm>>
    tpu.wait_indirect_dma semaphore(%arg7 : memref<!tpu.dma_semaphore, #tpu.memory_space<semaphore_mem>>) src(%dma_wait3A_122 : memref<1000000x128xf32, #tpu.memory_space<hbm>>) dst(%dma_wait3A_116 : memref<100x128xf32, #tpu.memory_space<vmem>>)
    %dma_wait3A_123 = arith.constant 4 : i32
    %dma_wait3A_124 = arith.constant 400 : i32
    %dma_wait3A_125 = arith.constant 0 : i32
    %dma_wait3A_126 = tpu.memref_slice %arg6[%dma_wait3A_124, %dma_wait3A_125] : memref<800x128xf32, #tpu.memory_space<vmem>> -> memref<100x128xf32, #tpu.memory_space<vmem>>
    %dma_wait3A_127 = arith.constant 0 : i32
    %dma_wait3A_128 = tpu.memref_slice %arg5[%dma_wait3A_123, %dma_wait3A_127] : memref<16x100xi32, #tpu.memory_space<vmem>> -> memref<1x100xi32, #tpu.memory_space<vmem>>
    %dma_wait3A_129 = tpu.memref_squeeze %dma_wait3A_128 : memref<1x100xi32, #tpu.memory_space<vmem>> -> memref<100xi32, #tpu.memory_space<vmem>>
    %dma_wait3A_130 = arith.constant 0 : i32
    %dma_wait3A_131 = arith.constant 0 : i32
    %dma_wait3A_132 = tpu.memref_slice %arg2[%dma_wait3A_130, %dma_wait3A_131] : memref<1000000x128xf32, #tpu.memory_space<hbm>> -> memref<1000000x128xf32, #tpu.memory_space<hbm>>
    tpu.wait_indirect_dma semaphore(%arg7 : memref<!tpu.dma_semaphore, #tpu.memory_space<semaphore_mem>>) src(%dma_wait3A_132 : memref<1000000x128xf32, #tpu.memory_space<hbm>>) dst(%dma_wait3A_126 : memref<100x128xf32, #tpu.memory_space<vmem>>)
    %dma_wait3A_133 = arith.constant 5 : i32
    %dma_wait3A_134 = arith.constant 500 : i32
    %dma_wait3A_135 = arith.constant 0 : i32
    %dma_wait3A_136 = tpu.memref_slice %arg6[%dma_wait3A_134, %dma_wait3A_135] : memref<800x128xf32, #tpu.memory_space<vmem>> -> memref<100x128xf32, #tpu.memory_space<vmem>>
    %dma_wait3A_137 = arith.constant 0 : i32
    %dma_wait3A_138 = tpu.memref_slice %arg5[%dma_wait3A_133, %dma_wait3A_137] : memref<16x100xi32, #tpu.memory_space<vmem>> -> memref<1x100xi32, #tpu.memory_space<vmem>>
    %dma_wait3A_139 = tpu.memref_squeeze %dma_wait3A_138 : memref<1x100xi32, #tpu.memory_space<vmem>> -> memref<100xi32, #tpu.memory_space<vmem>>
    %dma_wait3A_140 = arith.constant 0 : i32
    %dma_wait3A_141 = arith.constant 0 : i32
    %dma_wait3A_142 = tpu.memref_slice %arg2[%dma_wait3A_140, %dma_wait3A_141] : memref<1000000x128xf32, #tpu.memory_space<hbm>> -> memref<1000000x128xf32, #tpu.memory_space<hbm>>
    tpu.wait_indirect_dma semaphore(%arg7 : memref<!tpu.dma_semaphore, #tpu.memory_space<semaphore_mem>>) src(%dma_wait3A_142 : memref<1000000x128xf32, #tpu.memory_space<hbm>>) dst(%dma_wait3A_136 : memref<100x128xf32, #tpu.memory_space<vmem>>)
    %dma_wait3A_143 = arith.constant 6 : i32
    %dma_wait3A_144 = arith.constant 600 : i32
    %dma_wait3A_145 = arith.constant 0 : i32
    %dma_wait3A_146 = tpu.memref_slice %arg6[%dma_wait3A_144, %dma_wait3A_145] : memref<800x128xf32, #tpu.memory_space<vmem>> -> memref<100x128xf32, #tpu.memory_space<vmem>>
    %dma_wait3A_147 = arith.constant 0 : i32
    %dma_wait3A_148 = tpu.memref_slice %arg5[%dma_wait3A_143, %dma_wait3A_147] : memref<16x100xi32, #tpu.memory_space<vmem>> -> memref<1x100xi32, #tpu.memory_space<vmem>>
    %dma_wait3A_149 = tpu.memref_squeeze %dma_wait3A_148 : memref<1x100xi32, #tpu.memory_space<vmem>> -> memref<100xi32, #tpu.memory_space<vmem>>
    %dma_wait3A_150 = arith.constant 0 : i32
    %dma_wait3A_151 = arith.constant 0 : i32
    %dma_wait3A_152 = tpu.memref_slice %arg2[%dma_wait3A_150, %dma_wait3A_151] : memref<1000000x128xf32, #tpu.memory_space<hbm>> -> memref<1000000x128xf32, #tpu.memory_space<hbm>>
    tpu.wait_indirect_dma semaphore(%arg7 : memref<!tpu.dma_semaphore, #tpu.memory_space<semaphore_mem>>) src(%dma_wait3A_152 : memref<1000000x128xf32, #tpu.memory_space<hbm>>) dst(%dma_wait3A_146 : memref<100x128xf32, #tpu.memory_space<vmem>>)
    %dma_wait3A_153 = arith.constant 7 : i32
    %dma_wait3A_154 = arith.constant 700 : i32
    %dma_wait3A_155 = arith.constant 0 : i32
    %dma_wait3A_156 = tpu.memref_slice %arg6[%dma_wait3A_154, %dma_wait3A_155] : memref<800x128xf32, #tpu.memory_space<vmem>> -> memref<100x128xf32, #tpu.memory_space<vmem>>
    %dma_wait3A_157 = arith.constant 0 : i32
    %dma_wait3A_158 = tpu.memref_slice %arg5[%dma_wait3A_153, %dma_wait3A_157] : memref<16x100xi32, #tpu.memory_space<vmem>> -> memref<1x100xi32, #tpu.memory_space<vmem>>
    %dma_wait3A_159 = tpu.memref_squeeze %dma_wait3A_158 : memref<1x100xi32, #tpu.memory_space<vmem>> -> memref<100xi32, #tpu.memory_space<vmem>>
    %dma_wait3A_160 = arith.constant 0 : i32
    %dma_wait3A_161 = arith.constant 0 : i32
    %dma_wait3A_162 = tpu.memref_slice %arg2[%dma_wait3A_160, %dma_wait3A_161] : memref<1000000x128xf32, #tpu.memory_space<hbm>> -> memref<1000000x128xf32, #tpu.memory_space<hbm>>
    tpu.wait_indirect_dma semaphore(%arg7 : memref<!tpu.dma_semaphore, #tpu.memory_space<semaphore_mem>>) src(%dma_wait3A_162 : memref<1000000x128xf32, #tpu.memory_space<hbm>>) dst(%dma_wait3A_156 : memref<100x128xf32, #tpu.memory_space<vmem>>)
    %add3A_163 = arith.constant 0 : i32
    %add3A_164 = arith.addi %mul3A_2, %add3A_163 : i32
    "tpu.region"() ({
      %run_scoped3A = tpu.sem_alloc : memref<!tpu.dma_semaphore, #tpu.memory_space<semaphore_mem>>
      %dma_start3A_327 = arith.constant 0 : i32
      %dma_start3A_328 = tpu.memref_slice %arg4[%add3A_164, %dma_start3A_327] : memref<51200x128xf32, #tpu.memory_space<hbm>> -> memref<800x128xf32, #tpu.memory_space<hbm>>
      %dma_start3A_329 = arith.constant 0 : i32
      %dma_start3A_330 = tpu.memref_slice %arg4[%add3A_164, %dma_start3A_329] : memref<51200x128xf32, #tpu.memory_space<hbm>> -> memref<800x128xf32, #tpu.memory_space<hbm>>
      tpu.enqueue_dma source(%arg6 : memref<800x128xf32, #tpu.memory_space<vmem>>) target(%dma_start3A_330 : memref<800x128xf32, #tpu.memory_space<hbm>>) target_semaphore(%run_scoped3A : memref<!tpu.dma_semaphore, #tpu.memory_space<semaphore_mem>>)
      %dma_wait3A_331 = arith.constant 0 : i32
      %dma_wait3A_332 = tpu.memref_slice %arg4[%add3A_164, %dma_wait3A_331] : memref<51200x128xf32, #tpu.memory_space<hbm>> -> memref<800x128xf32, #tpu.memory_space<hbm>>
      %dma_wait3A_333 = arith.constant 0 : i32
      %dma_wait3A_334 = tpu.memref_slice %arg4[%add3A_164, %dma_wait3A_333] : memref<51200x128xf32, #tpu.memory_space<hbm>> -> memref<800x128xf32, #tpu.memory_space<hbm>>
      tpu.wait_dma2 semaphore(%run_scoped3A : memref<!tpu.dma_semaphore, #tpu.memory_space<semaphore_mem>>) src(%arg6 : memref<800x128xf32, #tpu.memory_space<vmem>>) dst(%dma_wait3A_334 : memref<800x128xf32, #tpu.memory_space<hbm>>)
      tpu.yield
    }) : () -> ()
    %dma_start3A_165 = arith.constant 8 : i32
    %dma_start3A_166 = arith.constant 0 : i32
    %dma_start3A_167 = arith.constant 0 : i32
    %dma_start3A_168 = tpu.memref_slice %arg6[%dma_start3A_166, %dma_start3A_167] : memref<800x128xf32, #tpu.memory_space<vmem>> -> memref<100x128xf32, #tpu.memory_space<vmem>>
    %dma_start3A_169 = arith.constant 0 : i32
    %dma_start3A_170 = tpu.memref_slice %arg5[%dma_start3A_165, %dma_start3A_169] : memref<16x100xi32, #tpu.memory_space<vmem>> -> memref<1x100xi32, #tpu.memory_space<vmem>>
    %dma_start3A_171 = tpu.memref_squeeze %dma_start3A_170 : memref<1x100xi32, #tpu.memory_space<vmem>> -> memref<100xi32, #tpu.memory_space<vmem>>
    %dma_start3A_172 = arith.constant 0 : i32
    %dma_start3A_173 = arith.constant 0 : i32
    %dma_start3A_174 = tpu.memref_slice %arg2[%dma_start3A_172, %dma_start3A_173] : memref<1000000x128xf32, #tpu.memory_space<hbm>> -> memref<1000000x128xf32, #tpu.memory_space<hbm>>
    tpu.enqueue_indirect_dma source(%dma_start3A_174 : memref<1000000x128xf32, #tpu.memory_space<hbm>>) target(%dma_start3A_168 : memref<100x128xf32, #tpu.memory_space<vmem>>) offsets(%dma_start3A_171 : memref<100xi32, #tpu.memory_space<vmem>>) semaphore(%arg7 : memref<!tpu.dma_semaphore, #tpu.memory_space<semaphore_mem>>)
    %dma_start3A_175 = arith.constant 9 : i32
    %dma_start3A_176 = arith.constant 100 : i32
    %dma_start3A_177 = arith.constant 0 : i32
    %dma_start3A_178 = tpu.memref_slice %arg6[%dma_start3A_176, %dma_start3A_177] : memref<800x128xf32, #tpu.memory_space<vmem>> -> memref<100x128xf32, #tpu.memory_space<vmem>>
    %dma_start3A_179 = arith.constant 0 : i32
    %dma_start3A_180 = tpu.memref_slice %arg5[%dma_start3A_175, %dma_start3A_179] : memref<16x100xi32, #tpu.memory_space<vmem>> -> memref<1x100xi32, #tpu.memory_space<vmem>>
    %dma_start3A_181 = tpu.memref_squeeze %dma_start3A_180 : memref<1x100xi32, #tpu.memory_space<vmem>> -> memref<100xi32, #tpu.memory_space<vmem>>
    %dma_start3A_182 = arith.constant 0 : i32
    %dma_start3A_183 = arith.constant 0 : i32
    %dma_start3A_184 = tpu.memref_slice %arg2[%dma_start3A_182, %dma_start3A_183] : memref<1000000x128xf32, #tpu.memory_space<hbm>> -> memref<1000000x128xf32, #tpu.memory_space<hbm>>
    tpu.enqueue_indirect_dma source(%dma_start3A_184 : memref<1000000x128xf32, #tpu.memory_space<hbm>>) target(%dma_start3A_178 : memref<100x128xf32, #tpu.memory_space<vmem>>) offsets(%dma_start3A_181 : memref<100xi32, #tpu.memory_space<vmem>>) semaphore(%arg7 : memref<!tpu.dma_semaphore, #tpu.memory_space<semaphore_mem>>)
    %dma_start3A_185 = arith.constant 10 : i32
    %dma_start3A_186 = arith.constant 200 : i32
    %dma_start3A_187 = arith.constant 0 : i32
    %dma_start3A_188 = tpu.memref_slice %arg6[%dma_start3A_186, %dma_start3A_187] : memref<800x128xf32, #tpu.memory_space<vmem>> -> memref<100x128xf32, #tpu.memory_space<vmem>>
    %dma_start3A_189 = arith.constant 0 : i32
    %dma_start3A_190 = tpu.memref_slice %arg5[%dma_start3A_185, %dma_start3A_189] : memref<16x100xi32, #tpu.memory_space<vmem>> -> memref<1x100xi32, #tpu.memory_space<vmem>>
    %dma_start3A_191 = tpu.memref_squeeze %dma_start3A_190 : memref<1x100xi32, #tpu.memory_space<vmem>> -> memref<100xi32, #tpu.memory_space<vmem>>
    %dma_start3A_192 = arith.constant 0 : i32
    %dma_start3A_193 = arith.constant 0 : i32
    %dma_start3A_194 = tpu.memref_slice %arg2[%dma_start3A_192, %dma_start3A_193] : memref<1000000x128xf32, #tpu.memory_space<hbm>> -> memref<1000000x128xf32, #tpu.memory_space<hbm>>
    tpu.enqueue_indirect_dma source(%dma_start3A_194 : memref<1000000x128xf32, #tpu.memory_space<hbm>>) target(%dma_start3A_188 : memref<100x128xf32, #tpu.memory_space<vmem>>) offsets(%dma_start3A_191 : memref<100xi32, #tpu.memory_space<vmem>>) semaphore(%arg7 : memref<!tpu.dma_semaphore, #tpu.memory_space<semaphore_mem>>)
    %dma_start3A_195 = arith.constant 11 : i32
    %dma_start3A_196 = arith.constant 300 : i32
    %dma_start3A_197 = arith.constant 0 : i32
    %dma_start3A_198 = tpu.memref_slice %arg6[%dma_start3A_196, %dma_start3A_197] : memref<800x128xf32, #tpu.memory_space<vmem>> -> memref<100x128xf32, #tpu.memory_space<vmem>>
    %dma_start3A_199 = arith.constant 0 : i32
    %dma_start3A_200 = tpu.memref_slice %arg5[%dma_start3A_195, %dma_start3A_199] : memref<16x100xi32, #tpu.memory_space<vmem>> -> memref<1x100xi32, #tpu.memory_space<vmem>>
    %dma_start3A_201 = tpu.memref_squeeze %dma_start3A_200 : memref<1x100xi32, #tpu.memory_space<vmem>> -> memref<100xi32, #tpu.memory_space<vmem>>
    %dma_start3A_202 = arith.constant 0 : i32
    %dma_start3A_203 = arith.constant 0 : i32
    %dma_start3A_204 = tpu.memref_slice %arg2[%dma_start3A_202, %dma_start3A_203] : memref<1000000x128xf32, #tpu.memory_space<hbm>> -> memref<1000000x128xf32, #tpu.memory_space<hbm>>
    tpu.enqueue_indirect_dma source(%dma_start3A_204 : memref<1000000x128xf32, #tpu.memory_space<hbm>>) target(%dma_start3A_198 : memref<100x128xf32, #tpu.memory_space<vmem>>) offsets(%dma_start3A_201 : memref<100xi32, #tpu.memory_space<vmem>>) semaphore(%arg7 : memref<!tpu.dma_semaphore, #tpu.memory_space<semaphore_mem>>)
    %dma_start3A_205 = arith.constant 12 : i32
    %dma_start3A_206 = arith.constant 400 : i32
    %dma_start3A_207 = arith.constant 0 : i32
    %dma_start3A_208 = tpu.memref_slice %arg6[%dma_start3A_206, %dma_start3A_207] : memref<800x128xf32, #tpu.memory_space<vmem>> -> memref<100x128xf32, #tpu.memory_space<vmem>>
    %dma_start3A_209 = arith.constant 0 : i32
    %dma_start3A_210 = tpu.memref_slice %arg5[%dma_start3A_205, %dma_start3A_209] : memref<16x100xi32, #tpu.memory_space<vmem>> -> memref<1x100xi32, #tpu.memory_space<vmem>>
    %dma_start3A_211 = tpu.memref_squeeze %dma_start3A_210 : memref<1x100xi32, #tpu.memory_space<vmem>> -> memref<100xi32, #tpu.memory_space<vmem>>
    %dma_start3A_212 = arith.constant 0 : i32
    %dma_start3A_213 = arith.constant 0 : i32
    %dma_start3A_214 = tpu.memref_slice %arg2[%dma_start3A_212, %dma_start3A_213] : memref<1000000x128xf32, #tpu.memory_space<hbm>> -> memref<1000000x128xf32, #tpu.memory_space<hbm>>
    tpu.enqueue_indirect_dma source(%dma_start3A_214 : memref<1000000x128xf32, #tpu.memory_space<hbm>>) target(%dma_start3A_208 : memref<100x128xf32, #tpu.memory_space<vmem>>) offsets(%dma_start3A_211 : memref<100xi32, #tpu.memory_space<vmem>>) semaphore(%arg7 : memref<!tpu.dma_semaphore, #tpu.memory_space<semaphore_mem>>)
    %dma_start3A_215 = arith.constant 13 : i32
    %dma_start3A_216 = arith.constant 500 : i32
    %dma_start3A_217 = arith.constant 0 : i32
    %dma_start3A_218 = tpu.memref_slice %arg6[%dma_start3A_216, %dma_start3A_217] : memref<800x128xf32, #tpu.memory_space<vmem>> -> memref<100x128xf32, #tpu.memory_space<vmem>>
    %dma_start3A_219 = arith.constant 0 : i32
    %dma_start3A_220 = tpu.memref_slice %arg5[%dma_start3A_215, %dma_start3A_219] : memref<16x100xi32, #tpu.memory_space<vmem>> -> memref<1x100xi32, #tpu.memory_space<vmem>>
    %dma_start3A_221 = tpu.memref_squeeze %dma_start3A_220 : memref<1x100xi32, #tpu.memory_space<vmem>> -> memref<100xi32, #tpu.memory_space<vmem>>
    %dma_start3A_222 = arith.constant 0 : i32
    %dma_start3A_223 = arith.constant 0 : i32
    %dma_start3A_224 = tpu.memref_slice %arg2[%dma_start3A_222, %dma_start3A_223] : memref<1000000x128xf32, #tpu.memory_space<hbm>> -> memref<1000000x128xf32, #tpu.memory_space<hbm>>
    tpu.enqueue_indirect_dma source(%dma_start3A_224 : memref<1000000x128xf32, #tpu.memory_space<hbm>>) target(%dma_start3A_218 : memref<100x128xf32, #tpu.memory_space<vmem>>) offsets(%dma_start3A_221 : memref<100xi32, #tpu.memory_space<vmem>>) semaphore(%arg7 : memref<!tpu.dma_semaphore, #tpu.memory_space<semaphore_mem>>)
    %dma_start3A_225 = arith.constant 14 : i32
    %dma_start3A_226 = arith.constant 600 : i32
    %dma_start3A_227 = arith.constant 0 : i32
    %dma_start3A_228 = tpu.memref_slice %arg6[%dma_start3A_226, %dma_start3A_227] : memref<800x128xf32, #tpu.memory_space<vmem>> -> memref<100x128xf32, #tpu.memory_space<vmem>>
    %dma_start3A_229 = arith.constant 0 : i32
    %dma_start3A_230 = tpu.memref_slice %arg5[%dma_start3A_225, %dma_start3A_229] : memref<16x100xi32, #tpu.memory_space<vmem>> -> memref<1x100xi32, #tpu.memory_space<vmem>>
    %dma_start3A_231 = tpu.memref_squeeze %dma_start3A_230 : memref<1x100xi32, #tpu.memory_space<vmem>> -> memref<100xi32, #tpu.memory_space<vmem>>
    %dma_start3A_232 = arith.constant 0 : i32
    %dma_start3A_233 = arith.constant 0 : i32
    %dma_start3A_234 = tpu.memref_slice %arg2[%dma_start3A_232, %dma_start3A_233] : memref<1000000x128xf32, #tpu.memory_space<hbm>> -> memref<1000000x128xf32, #tpu.memory_space<hbm>>
    tpu.enqueue_indirect_dma source(%dma_start3A_234 : memref<1000000x128xf32, #tpu.memory_space<hbm>>) target(%dma_start3A_228 : memref<100x128xf32, #tpu.memory_space<vmem>>) offsets(%dma_start3A_231 : memref<100xi32, #tpu.memory_space<vmem>>) semaphore(%arg7 : memref<!tpu.dma_semaphore, #tpu.memory_space<semaphore_mem>>)
    %dma_start3A_235 = arith.constant 15 : i32
    %dma_start3A_236 = arith.constant 700 : i32
    %dma_start3A_237 = arith.constant 0 : i32
    %dma_start3A_238 = tpu.memref_slice %arg6[%dma_start3A_236, %dma_start3A_237] : memref<800x128xf32, #tpu.memory_space<vmem>> -> memref<100x128xf32, #tpu.memory_space<vmem>>
    %dma_start3A_239 = arith.constant 0 : i32
    %dma_start3A_240 = tpu.memref_slice %arg5[%dma_start3A_235, %dma_start3A_239] : memref<16x100xi32, #tpu.memory_space<vmem>> -> memref<1x100xi32, #tpu.memory_space<vmem>>
    %dma_start3A_241 = tpu.memref_squeeze %dma_start3A_240 : memref<1x100xi32, #tpu.memory_space<vmem>> -> memref<100xi32, #tpu.memory_space<vmem>>
    %dma_start3A_242 = arith.constant 0 : i32
    %dma_start3A_243 = arith.constant 0 : i32
    %dma_start3A_244 = tpu.memref_slice %arg2[%dma_start3A_242, %dma_start3A_243] : memref<1000000x128xf32, #tpu.memory_space<hbm>> -> memref<1000000x128xf32, #tpu.memory_space<hbm>>
    tpu.enqueue_indirect_dma source(%dma_start3A_244 : memref<1000000x128xf32, #tpu.memory_space<hbm>>) target(%dma_start3A_238 : memref<100x128xf32, #tpu.memory_space<vmem>>) offsets(%dma_start3A_241 : memref<100xi32, #tpu.memory_space<vmem>>) semaphore(%arg7 : memref<!tpu.dma_semaphore, #tpu.memory_space<semaphore_mem>>)
    %dma_wait3A_245 = arith.constant 8 : i32
    %dma_wait3A_246 = arith.constant 0 : i32
    %dma_wait3A_247 = arith.constant 0 : i32
    %dma_wait3A_248 = tpu.memref_slice %arg6[%dma_wait3A_246, %dma_wait3A_247] : memref<800x128xf32, #tpu.memory_space<vmem>> -> memref<100x128xf32, #tpu.memory_space<vmem>>
    %dma_wait3A_249 = arith.constant 0 : i32
    %dma_wait3A_250 = tpu.memref_slice %arg5[%dma_wait3A_245, %dma_wait3A_249] : memref<16x100xi32, #tpu.memory_space<vmem>> -> memref<1x100xi32, #tpu.memory_space<vmem>>
    %dma_wait3A_251 = tpu.memref_squeeze %dma_wait3A_250 : memref<1x100xi32, #tpu.memory_space<vmem>> -> memref<100xi32, #tpu.memory_space<vmem>>
    %dma_wait3A_252 = arith.constant 0 : i32
    %dma_wait3A_253 = arith.constant 0 : i32
    %dma_wait3A_254 = tpu.memref_slice %arg2[%dma_wait3A_252, %dma_wait3A_253] : memref<1000000x128xf32, #tpu.memory_space<hbm>> -> memref<1000000x128xf32, #tpu.memory_space<hbm>>
    tpu.wait_indirect_dma semaphore(%arg7 : memref<!tpu.dma_semaphore, #tpu.memory_space<semaphore_mem>>) src(%dma_wait3A_254 : memref<1000000x128xf32, #tpu.memory_space<hbm>>) dst(%dma_wait3A_248 : memref<100x128xf32, #tpu.memory_space<vmem>>)
    %dma_wait3A_255 = arith.constant 9 : i32
    %dma_wait3A_256 = arith.constant 100 : i32
    %dma_wait3A_257 = arith.constant 0 : i32
    %dma_wait3A_258 = tpu.memref_slice %arg6[%dma_wait3A_256, %dma_wait3A_257] : memref<800x128xf32, #tpu.memory_space<vmem>> -> memref<100x128xf32, #tpu.memory_space<vmem>>
    %dma_wait3A_259 = arith.constant 0 : i32
    %dma_wait3A_260 = tpu.memref_slice %arg5[%dma_wait3A_255, %dma_wait3A_259] : memref<16x100xi32, #tpu.memory_space<vmem>> -> memref<1x100xi32, #tpu.memory_space<vmem>>
    %dma_wait3A_261 = tpu.memref_squeeze %dma_wait3A_260 : memref<1x100xi32, #tpu.memory_space<vmem>> -> memref<100xi32, #tpu.memory_space<vmem>>
    %dma_wait3A_262 = arith.constant 0 : i32
    %dma_wait3A_263 = arith.constant 0 : i32
    %dma_wait3A_264 = tpu.memref_slice %arg2[%dma_wait3A_262, %dma_wait3A_263] : memref<1000000x128xf32, #tpu.memory_space<hbm>> -> memref<1000000x128xf32, #tpu.memory_space<hbm>>
    tpu.wait_indirect_dma semaphore(%arg7 : memref<!tpu.dma_semaphore, #tpu.memory_space<semaphore_mem>>) src(%dma_wait3A_264 : memref<1000000x128xf32, #tpu.memory_space<hbm>>) dst(%dma_wait3A_258 : memref<100x128xf32, #tpu.memory_space<vmem>>)
    %dma_wait3A_265 = arith.constant 10 : i32
    %dma_wait3A_266 = arith.constant 200 : i32
    %dma_wait3A_267 = arith.constant 0 : i32
    %dma_wait3A_268 = tpu.memref_slice %arg6[%dma_wait3A_266, %dma_wait3A_267] : memref<800x128xf32, #tpu.memory_space<vmem>> -> memref<100x128xf32, #tpu.memory_space<vmem>>
    %dma_wait3A_269 = arith.constant 0 : i32
    %dma_wait3A_270 = tpu.memref_slice %arg5[%dma_wait3A_265, %dma_wait3A_269] : memref<16x100xi32, #tpu.memory_space<vmem>> -> memref<1x100xi32, #tpu.memory_space<vmem>>
    %dma_wait3A_271 = tpu.memref_squeeze %dma_wait3A_270 : memref<1x100xi32, #tpu.memory_space<vmem>> -> memref<100xi32, #tpu.memory_space<vmem>>
    %dma_wait3A_272 = arith.constant 0 : i32
    %dma_wait3A_273 = arith.constant 0 : i32
    %dma_wait3A_274 = tpu.memref_slice %arg2[%dma_wait3A_272, %dma_wait3A_273] : memref<1000000x128xf32, #tpu.memory_space<hbm>> -> memref<1000000x128xf32, #tpu.memory_space<hbm>>
    tpu.wait_indirect_dma semaphore(%arg7 : memref<!tpu.dma_semaphore, #tpu.memory_space<semaphore_mem>>) src(%dma_wait3A_274 : memref<1000000x128xf32, #tpu.memory_space<hbm>>) dst(%dma_wait3A_268 : memref<100x128xf32, #tpu.memory_space<vmem>>)
    %dma_wait3A_275 = arith.constant 11 : i32
    %dma_wait3A_276 = arith.constant 300 : i32
    %dma_wait3A_277 = arith.constant 0 : i32
    %dma_wait3A_278 = tpu.memref_slice %arg6[%dma_wait3A_276, %dma_wait3A_277] : memref<800x128xf32, #tpu.memory_space<vmem>> -> memref<100x128xf32, #tpu.memory_space<vmem>>
    %dma_wait3A_279 = arith.constant 0 : i32
    %dma_wait3A_280 = tpu.memref_slice %arg5[%dma_wait3A_275, %dma_wait3A_279] : memref<16x100xi32, #tpu.memory_space<vmem>> -> memref<1x100xi32, #tpu.memory_space<vmem>>
    %dma_wait3A_281 = tpu.memref_squeeze %dma_wait3A_280 : memref<1x100xi32, #tpu.memory_space<vmem>> -> memref<100xi32, #tpu.memory_space<vmem>>
    %dma_wait3A_282 = arith.constant 0 : i32
    %dma_wait3A_283 = arith.constant 0 : i32
    %dma_wait3A_284 = tpu.memref_slice %arg2[%dma_wait3A_282, %dma_wait3A_283] : memref<1000000x128xf32, #tpu.memory_space<hbm>> -> memref<1000000x128xf32, #tpu.memory_space<hbm>>
    tpu.wait_indirect_dma semaphore(%arg7 : memref<!tpu.dma_semaphore, #tpu.memory_space<semaphore_mem>>) src(%dma_wait3A_284 : memref<1000000x128xf32, #tpu.memory_space<hbm>>) dst(%dma_wait3A_278 : memref<100x128xf32, #tpu.memory_space<vmem>>)
    %dma_wait3A_285 = arith.constant 12 : i32
    %dma_wait3A_286 = arith.constant 400 : i32
    %dma_wait3A_287 = arith.constant 0 : i32
    %dma_wait3A_288 = tpu.memref_slice %arg6[%dma_wait3A_286, %dma_wait3A_287] : memref<800x128xf32, #tpu.memory_space<vmem>> -> memref<100x128xf32, #tpu.memory_space<vmem>>
    %dma_wait3A_289 = arith.constant 0 : i32
    %dma_wait3A_290 = tpu.memref_slice %arg5[%dma_wait3A_285, %dma_wait3A_289] : memref<16x100xi32, #tpu.memory_space<vmem>> -> memref<1x100xi32, #tpu.memory_space<vmem>>
    %dma_wait3A_291 = tpu.memref_squeeze %dma_wait3A_290 : memref<1x100xi32, #tpu.memory_space<vmem>> -> memref<100xi32, #tpu.memory_space<vmem>>
    %dma_wait3A_292 = arith.constant 0 : i32
    %dma_wait3A_293 = arith.constant 0 : i32
    %dma_wait3A_294 = tpu.memref_slice %arg2[%dma_wait3A_292, %dma_wait3A_293] : memref<1000000x128xf32, #tpu.memory_space<hbm>> -> memref<1000000x128xf32, #tpu.memory_space<hbm>>
    tpu.wait_indirect_dma semaphore(%arg7 : memref<!tpu.dma_semaphore, #tpu.memory_space<semaphore_mem>>) src(%dma_wait3A_294 : memref<1000000x128xf32, #tpu.memory_space<hbm>>) dst(%dma_wait3A_288 : memref<100x128xf32, #tpu.memory_space<vmem>>)
    %dma_wait3A_295 = arith.constant 13 : i32
    %dma_wait3A_296 = arith.constant 500 : i32
    %dma_wait3A_297 = arith.constant 0 : i32
    %dma_wait3A_298 = tpu.memref_slice %arg6[%dma_wait3A_296, %dma_wait3A_297] : memref<800x128xf32, #tpu.memory_space<vmem>> -> memref<100x128xf32, #tpu.memory_space<vmem>>
    %dma_wait3A_299 = arith.constant 0 : i32
    %dma_wait3A_300 = tpu.memref_slice %arg5[%dma_wait3A_295, %dma_wait3A_299] : memref<16x100xi32, #tpu.memory_space<vmem>> -> memref<1x100xi32, #tpu.memory_space<vmem>>
    %dma_wait3A_301 = tpu.memref_squeeze %dma_wait3A_300 : memref<1x100xi32, #tpu.memory_space<vmem>> -> memref<100xi32, #tpu.memory_space<vmem>>
    %dma_wait3A_302 = arith.constant 0 : i32
    %dma_wait3A_303 = arith.constant 0 : i32
    %dma_wait3A_304 = tpu.memref_slice %arg2[%dma_wait3A_302, %dma_wait3A_303] : memref<1000000x128xf32, #tpu.memory_space<hbm>> -> memref<1000000x128xf32, #tpu.memory_space<hbm>>
    tpu.wait_indirect_dma semaphore(%arg7 : memref<!tpu.dma_semaphore, #tpu.memory_space<semaphore_mem>>) src(%dma_wait3A_304 : memref<1000000x128xf32, #tpu.memory_space<hbm>>) dst(%dma_wait3A_298 : memref<100x128xf32, #tpu.memory_space<vmem>>)
    %dma_wait3A_305 = arith.constant 14 : i32
    %dma_wait3A_306 = arith.constant 600 : i32
    %dma_wait3A_307 = arith.constant 0 : i32
    %dma_wait3A_308 = tpu.memref_slice %arg6[%dma_wait3A_306, %dma_wait3A_307] : memref<800x128xf32, #tpu.memory_space<vmem>> -> memref<100x128xf32, #tpu.memory_space<vmem>>
    %dma_wait3A_309 = arith.constant 0 : i32
    %dma_wait3A_310 = tpu.memref_slice %arg5[%dma_wait3A_305, %dma_wait3A_309] : memref<16x100xi32, #tpu.memory_space<vmem>> -> memref<1x100xi32, #tpu.memory_space<vmem>>
    %dma_wait3A_311 = tpu.memref_squeeze %dma_wait3A_310 : memref<1x100xi32, #tpu.memory_space<vmem>> -> memref<100xi32, #tpu.memory_space<vmem>>
    %dma_wait3A_312 = arith.constant 0 : i32
    %dma_wait3A_313 = arith.constant 0 : i32
    %dma_wait3A_314 = tpu.memref_slice %arg2[%dma_wait3A_312, %dma_wait3A_313] : memref<1000000x128xf32, #tpu.memory_space<hbm>> -> memref<1000000x128xf32, #tpu.memory_space<hbm>>
    tpu.wait_indirect_dma semaphore(%arg7 : memref<!tpu.dma_semaphore, #tpu.memory_space<semaphore_mem>>) src(%dma_wait3A_314 : memref<1000000x128xf32, #tpu.memory_space<hbm>>) dst(%dma_wait3A_308 : memref<100x128xf32, #tpu.memory_space<vmem>>)
    %dma_wait3A_315 = arith.constant 15 : i32
    %dma_wait3A_316 = arith.constant 700 : i32
    %dma_wait3A_317 = arith.constant 0 : i32
    %dma_wait3A_318 = tpu.memref_slice %arg6[%dma_wait3A_316, %dma_wait3A_317] : memref<800x128xf32, #tpu.memory_space<vmem>> -> memref<100x128xf32, #tpu.memory_space<vmem>>
    %dma_wait3A_319 = arith.constant 0 : i32
    %dma_wait3A_320 = tpu.memref_slice %arg5[%dma_wait3A_315, %dma_wait3A_319] : memref<16x100xi32, #tpu.memory_space<vmem>> -> memref<1x100xi32, #tpu.memory_space<vmem>>
    %dma_wait3A_321 = tpu.memref_squeeze %dma_wait3A_320 : memref<1x100xi32, #tpu.memory_space<vmem>> -> memref<100xi32, #tpu.memory_space<vmem>>
    %dma_wait3A_322 = arith.constant 0 : i32
    %dma_wait3A_323 = arith.constant 0 : i32
    %dma_wait3A_324 = tpu.memref_slice %arg2[%dma_wait3A_322, %dma_wait3A_323] : memref<1000000x128xf32, #tpu.memory_space<hbm>> -> memref<1000000x128xf32, #tpu.memory_space<hbm>>
    tpu.wait_indirect_dma semaphore(%arg7 : memref<!tpu.dma_semaphore, #tpu.memory_space<semaphore_mem>>) src(%dma_wait3A_324 : memref<1000000x128xf32, #tpu.memory_space<hbm>>) dst(%dma_wait3A_318 : memref<100x128xf32, #tpu.memory_space<vmem>>)
    %add3A_325 = arith.constant 800 : i32
    %add3A_326 = arith.addi %mul3A_2, %add3A_325 : i32
    "tpu.region"() ({
      %run_scoped3A = tpu.sem_alloc : memref<!tpu.dma_semaphore, #tpu.memory_space<semaphore_mem>>
      %dma_start3A_327 = arith.constant 0 : i32
      %dma_start3A_328 = tpu.memref_slice %arg4[%add3A_326, %dma_start3A_327] : memref<51200x128xf32, #tpu.memory_space<hbm>> -> memref<800x128xf32, #tpu.memory_space<hbm>>
      %dma_start3A_329 = arith.constant 0 : i32
      %dma_start3A_330 = tpu.memref_slice %arg4[%add3A_326, %dma_start3A_329] : memref<51200x128xf32, #tpu.memory_space<hbm>> -> memref<800x128xf32, #tpu.memory_space<hbm>>
      tpu.enqueue_dma source(%arg6 : memref<800x128xf32, #tpu.memory_space<vmem>>) target(%dma_start3A_330 : memref<800x128xf32, #tpu.memory_space<hbm>>) target_semaphore(%run_scoped3A : memref<!tpu.dma_semaphore, #tpu.memory_space<semaphore_mem>>)
      %dma_wait3A_331 = arith.constant 0 : i32
      %dma_wait3A_332 = tpu.memref_slice %arg4[%add3A_326, %dma_wait3A_331] : memref<51200x128xf32, #tpu.memory_space<hbm>> -> memref<800x128xf32, #tpu.memory_space<hbm>>
      %dma_wait3A_333 = arith.constant 0 : i32
      %dma_wait3A_334 = tpu.memref_slice %arg4[%add3A_326, %dma_wait3A_333] : memref<51200x128xf32, #tpu.memory_space<hbm>> -> memref<800x128xf32, #tpu.memory_space<hbm>>
      tpu.wait_dma2 semaphore(%run_scoped3A : memref<!tpu.dma_semaphore, #tpu.memory_space<semaphore_mem>>) src(%arg6 : memref<800x128xf32, #tpu.memory_space<vmem>>) dst(%dma_wait3A_334 : memref<800x128xf32, #tpu.memory_space<hbm>>)
      tpu.yield
    }) : () -> ()
    return
  }
}

module attributes {stable_mosaic.version = 14 : i64} {
  func.func @body(%arg0: i32, %arg1: memref<1024x128xf32, #tpu.memory_space<vmem>>, %arg2: memref<1x1x16384xi32, #tpu.memory_space<vmem>>, %arg3: memref<1x1x1024xi32, #tpu.memory_space<vmem>>, %arg4: memref<96x128xi32, #tpu.memory_space<vmem>>, %arg5: memref<1x32xf32, #tpu.memory_space<vmem>>, %arg6: memref<64x32xf32, #tpu.memory_space<vmem>>, %arg7: memref<50x50xf32, #tpu.memory_space<vmem>>, %arg8: memref<1024x242xf32, #tpu.memory_space<vmem>>) attributes {dimension_semantics = [#tpu.dimension_semantics<arbitrary>], iteration_bounds = array<i64: 50>, scalar_prefetch = 0 : i64, scratch_operands = 0 : i64, tpu.core_type = #tpu.core_type<tc>, window_params = [{transform_indices = @transform_0, window_bounds = array<i64: 1024, 128>}, {transform_indices = @transform_1, window_bounds = array<i64: 1, 1, 16384>}, {transform_indices = @transform_2, window_bounds = array<i64: 1, 1, 1024>}, {pipeline_mode = #tpu.pipeline_mode<synchronous>, transform_indices = @transform_3, window_bounds = array<i64: 96, 128>}, {pipeline_mode = #tpu.pipeline_mode<synchronous>, transform_indices = @transform_4, window_bounds = array<i64: 1, 32>}, {pipeline_mode = #tpu.pipeline_mode<synchronous>, transform_indices = @transform_5, window_bounds = array<i64: 64, 32>}, {pipeline_mode = #tpu.pipeline_mode<synchronous>, transform_indices = @transform_6, window_bounds = array<i64: 50, 50>}, {transform_indices = @transform_7, window_bounds = array<i64: 1024, 242>}]} {
    %get3A = arith.constant 0 : index
    %get3A_0 = arith.constant 0 : index
    %get3A_1 = arith.constant 0 : index
    %get3A_2 = vector.load %arg2[%get3A, %get3A_0, %get3A_1] : memref<1x1x16384xi32, #tpu.memory_space<vmem>>, vector<1x1x16384xi32>
    %get3A_3 = vector.shape_cast %get3A_2 : vector<1x1x16384xi32> to vector<16384xi32>
    %slice3A = vector.extract_strided_slice %get3A_3 {offsets = [0], sizes = [1024], strides = [1]} : vector<16384xi32> to vector<1024xi32>
    %and3A = arith.constant 127 : i32
    %and3A_4 = vector.broadcast %and3A : i32 to vector<1024xi32>
    %and3A_5 = arith.andi %slice3A, %and3A_4 : vector<1024xi32>
    %broadcast_in_dim3A = vector.shape_cast %and3A_5 : vector<1024xi32> to vector<1x1024xi32>
    %broadcast_in_dim3A_6 = vector.shape_cast %broadcast_in_dim3A : vector<1x1024xi32> to vector<1x1024xi32>
    %broadcast_in_dim3A_7 = vector.broadcast %broadcast_in_dim3A_6 : vector<1x1024xi32> to vector<32x1024xi32>
    %lt3A = arith.constant 128 : i32
    %lt3A_8 = vector.broadcast %lt3A : i32 to vector<1024xi32>
    %lt3A_9 = arith.cmpi slt, %slice3A, %lt3A_8 : vector<1024xi32>
    %jit3A = arith.constant 16 : i32
    %jit3A_10 = arith.constant 0 : i32
    %broadcast_in_dim3A_11 = vector.broadcast %jit3A : i32 to vector<1024xi32>
    %broadcast_in_dim3A_12 = vector.broadcast %jit3A_10 : i32 to vector<1024xi32>
    %select_n3A = arith.select %lt3A_9, %broadcast_in_dim3A_11, %broadcast_in_dim3A_12 : vector<1024xi1>, vector<1024xi32>
    %broadcast_in_dim3A_13 = vector.shape_cast %select_n3A : vector<1024xi32> to vector<1x1024xi32>
    %broadcast_in_dim3A_14 = vector.shape_cast %broadcast_in_dim3A_13 : vector<1x1024xi32> to vector<1x1024xi32>
    %broadcast_in_dim3A_15 = vector.broadcast %broadcast_in_dim3A_14 : vector<1x1024xi32> to vector<32x1024xi32>
    %slice3A_16 = vector.extract_strided_slice %get3A_3 {offsets = [1024], sizes = [1024], strides = [1]} : vector<16384xi32> to vector<1024xi32>
    %and3A_17 = arith.constant 127 : i32
    %and3A_18 = vector.broadcast %and3A_17 : i32 to vector<1024xi32>
    %and3A_19 = arith.andi %slice3A_16, %and3A_18 : vector<1024xi32>
    %broadcast_in_dim3A_20 = vector.shape_cast %and3A_19 : vector<1024xi32> to vector<1x1024xi32>
    %broadcast_in_dim3A_21 = vector.shape_cast %broadcast_in_dim3A_20 : vector<1x1024xi32> to vector<1x1024xi32>
    %broadcast_in_dim3A_22 = vector.broadcast %broadcast_in_dim3A_21 : vector<1x1024xi32> to vector<32x1024xi32>
    %lt3A_23 = arith.constant 128 : i32
    %lt3A_24 = vector.broadcast %lt3A_23 : i32 to vector<1024xi32>
    %lt3A_25 = arith.cmpi slt, %slice3A_16, %lt3A_24 : vector<1024xi32>
    %jit3A_26 = arith.constant 16 : i32
    %jit3A_27 = arith.constant 0 : i32
    %broadcast_in_dim3A_28 = vector.broadcast %jit3A_26 : i32 to vector<1024xi32>
    %broadcast_in_dim3A_29 = vector.broadcast %jit3A_27 : i32 to vector<1024xi32>
    %select_n3A_30 = arith.select %lt3A_25, %broadcast_in_dim3A_28, %broadcast_in_dim3A_29 : vector<1024xi1>, vector<1024xi32>
    %broadcast_in_dim3A_31 = vector.shape_cast %select_n3A_30 : vector<1024xi32> to vector<1x1024xi32>
    %broadcast_in_dim3A_32 = vector.shape_cast %broadcast_in_dim3A_31 : vector<1x1024xi32> to vector<1x1024xi32>
    %broadcast_in_dim3A_33 = vector.broadcast %broadcast_in_dim3A_32 : vector<1x1024xi32> to vector<32x1024xi32>
    %slice3A_34 = vector.extract_strided_slice %get3A_3 {offsets = [2048], sizes = [1024], strides = [1]} : vector<16384xi32> to vector<1024xi32>
    %and3A_35 = arith.constant 127 : i32
    %and3A_36 = vector.broadcast %and3A_35 : i32 to vector<1024xi32>
    %and3A_37 = arith.andi %slice3A_34, %and3A_36 : vector<1024xi32>
    %broadcast_in_dim3A_38 = vector.shape_cast %and3A_37 : vector<1024xi32> to vector<1x1024xi32>
    %broadcast_in_dim3A_39 = vector.shape_cast %broadcast_in_dim3A_38 : vector<1x1024xi32> to vector<1x1024xi32>
    %broadcast_in_dim3A_40 = vector.broadcast %broadcast_in_dim3A_39 : vector<1x1024xi32> to vector<32x1024xi32>
    %lt3A_41 = arith.constant 128 : i32
    %lt3A_42 = vector.broadcast %lt3A_41 : i32 to vector<1024xi32>
    %lt3A_43 = arith.cmpi slt, %slice3A_34, %lt3A_42 : vector<1024xi32>
    %jit3A_44 = arith.constant 16 : i32
    %jit3A_45 = arith.constant 0 : i32
    %broadcast_in_dim3A_46 = vector.broadcast %jit3A_44 : i32 to vector<1024xi32>
    %broadcast_in_dim3A_47 = vector.broadcast %jit3A_45 : i32 to vector<1024xi32>
    %select_n3A_48 = arith.select %lt3A_43, %broadcast_in_dim3A_46, %broadcast_in_dim3A_47 : vector<1024xi1>, vector<1024xi32>
    %broadcast_in_dim3A_49 = vector.shape_cast %select_n3A_48 : vector<1024xi32> to vector<1x1024xi32>
    %broadcast_in_dim3A_50 = vector.shape_cast %broadcast_in_dim3A_49 : vector<1x1024xi32> to vector<1x1024xi32>
    %broadcast_in_dim3A_51 = vector.broadcast %broadcast_in_dim3A_50 : vector<1x1024xi32> to vector<32x1024xi32>
    %slice3A_52 = vector.extract_strided_slice %get3A_3 {offsets = [3072], sizes = [1024], strides = [1]} : vector<16384xi32> to vector<1024xi32>
    %and3A_53 = arith.constant 127 : i32
    %and3A_54 = vector.broadcast %and3A_53 : i32 to vector<1024xi32>
    %and3A_55 = arith.andi %slice3A_52, %and3A_54 : vector<1024xi32>
    %broadcast_in_dim3A_56 = vector.shape_cast %and3A_55 : vector<1024xi32> to vector<1x1024xi32>
    %broadcast_in_dim3A_57 = vector.shape_cast %broadcast_in_dim3A_56 : vector<1x1024xi32> to vector<1x1024xi32>
    %broadcast_in_dim3A_58 = vector.broadcast %broadcast_in_dim3A_57 : vector<1x1024xi32> to vector<32x1024xi32>
    %lt3A_59 = arith.constant 128 : i32
    %lt3A_60 = vector.broadcast %lt3A_59 : i32 to vector<1024xi32>
    %lt3A_61 = arith.cmpi slt, %slice3A_52, %lt3A_60 : vector<1024xi32>
    %jit3A_62 = arith.constant 16 : i32
    %jit3A_63 = arith.constant 0 : i32
    %broadcast_in_dim3A_64 = vector.broadcast %jit3A_62 : i32 to vector<1024xi32>
    %broadcast_in_dim3A_65 = vector.broadcast %jit3A_63 : i32 to vector<1024xi32>
    %select_n3A_66 = arith.select %lt3A_61, %broadcast_in_dim3A_64, %broadcast_in_dim3A_65 : vector<1024xi1>, vector<1024xi32>
    %broadcast_in_dim3A_67 = vector.shape_cast %select_n3A_66 : vector<1024xi32> to vector<1x1024xi32>
    %broadcast_in_dim3A_68 = vector.shape_cast %broadcast_in_dim3A_67 : vector<1x1024xi32> to vector<1x1024xi32>
    %broadcast_in_dim3A_69 = vector.broadcast %broadcast_in_dim3A_68 : vector<1x1024xi32> to vector<32x1024xi32>
    %slice3A_70 = vector.extract_strided_slice %get3A_3 {offsets = [4096], sizes = [1024], strides = [1]} : vector<16384xi32> to vector<1024xi32>
    %and3A_71 = arith.constant 127 : i32
    %and3A_72 = vector.broadcast %and3A_71 : i32 to vector<1024xi32>
    %and3A_73 = arith.andi %slice3A_70, %and3A_72 : vector<1024xi32>
    %broadcast_in_dim3A_74 = vector.shape_cast %and3A_73 : vector<1024xi32> to vector<1x1024xi32>
    %broadcast_in_dim3A_75 = vector.shape_cast %broadcast_in_dim3A_74 : vector<1x1024xi32> to vector<1x1024xi32>
    %broadcast_in_dim3A_76 = vector.broadcast %broadcast_in_dim3A_75 : vector<1x1024xi32> to vector<32x1024xi32>
    %lt3A_77 = arith.constant 128 : i32
    %lt3A_78 = vector.broadcast %lt3A_77 : i32 to vector<1024xi32>
    %lt3A_79 = arith.cmpi slt, %slice3A_70, %lt3A_78 : vector<1024xi32>
    %jit3A_80 = arith.constant 16 : i32
    %jit3A_81 = arith.constant 0 : i32
    %broadcast_in_dim3A_82 = vector.broadcast %jit3A_80 : i32 to vector<1024xi32>
    %broadcast_in_dim3A_83 = vector.broadcast %jit3A_81 : i32 to vector<1024xi32>
    %select_n3A_84 = arith.select %lt3A_79, %broadcast_in_dim3A_82, %broadcast_in_dim3A_83 : vector<1024xi1>, vector<1024xi32>
    %broadcast_in_dim3A_85 = vector.shape_cast %select_n3A_84 : vector<1024xi32> to vector<1x1024xi32>
    %broadcast_in_dim3A_86 = vector.shape_cast %broadcast_in_dim3A_85 : vector<1x1024xi32> to vector<1x1024xi32>
    %broadcast_in_dim3A_87 = vector.broadcast %broadcast_in_dim3A_86 : vector<1x1024xi32> to vector<32x1024xi32>
    %slice3A_88 = vector.extract_strided_slice %get3A_3 {offsets = [5120], sizes = [1024], strides = [1]} : vector<16384xi32> to vector<1024xi32>
    %and3A_89 = arith.constant 127 : i32
    %and3A_90 = vector.broadcast %and3A_89 : i32 to vector<1024xi32>
    %and3A_91 = arith.andi %slice3A_88, %and3A_90 : vector<1024xi32>
    %broadcast_in_dim3A_92 = vector.shape_cast %and3A_91 : vector<1024xi32> to vector<1x1024xi32>
    %broadcast_in_dim3A_93 = vector.shape_cast %broadcast_in_dim3A_92 : vector<1x1024xi32> to vector<1x1024xi32>
    %broadcast_in_dim3A_94 = vector.broadcast %broadcast_in_dim3A_93 : vector<1x1024xi32> to vector<32x1024xi32>
    %lt3A_95 = arith.constant 128 : i32
    %lt3A_96 = vector.broadcast %lt3A_95 : i32 to vector<1024xi32>
    %lt3A_97 = arith.cmpi slt, %slice3A_88, %lt3A_96 : vector<1024xi32>
    %jit3A_98 = arith.constant 16 : i32
    %jit3A_99 = arith.constant 0 : i32
    %broadcast_in_dim3A_100 = vector.broadcast %jit3A_98 : i32 to vector<1024xi32>
    %broadcast_in_dim3A_101 = vector.broadcast %jit3A_99 : i32 to vector<1024xi32>
    %select_n3A_102 = arith.select %lt3A_97, %broadcast_in_dim3A_100, %broadcast_in_dim3A_101 : vector<1024xi1>, vector<1024xi32>
    %broadcast_in_dim3A_103 = vector.shape_cast %select_n3A_102 : vector<1024xi32> to vector<1x1024xi32>
    %broadcast_in_dim3A_104 = vector.shape_cast %broadcast_in_dim3A_103 : vector<1x1024xi32> to vector<1x1024xi32>
    %broadcast_in_dim3A_105 = vector.broadcast %broadcast_in_dim3A_104 : vector<1x1024xi32> to vector<32x1024xi32>
    %slice3A_106 = vector.extract_strided_slice %get3A_3 {offsets = [6144], sizes = [1024], strides = [1]} : vector<16384xi32> to vector<1024xi32>
    %and3A_107 = arith.constant 127 : i32
    %and3A_108 = vector.broadcast %and3A_107 : i32 to vector<1024xi32>
    %and3A_109 = arith.andi %slice3A_106, %and3A_108 : vector<1024xi32>
    %broadcast_in_dim3A_110 = vector.shape_cast %and3A_109 : vector<1024xi32> to vector<1x1024xi32>
    %broadcast_in_dim3A_111 = vector.shape_cast %broadcast_in_dim3A_110 : vector<1x1024xi32> to vector<1x1024xi32>
    %broadcast_in_dim3A_112 = vector.broadcast %broadcast_in_dim3A_111 : vector<1x1024xi32> to vector<32x1024xi32>
    %lt3A_113 = arith.constant 128 : i32
    %lt3A_114 = vector.broadcast %lt3A_113 : i32 to vector<1024xi32>
    %lt3A_115 = arith.cmpi slt, %slice3A_106, %lt3A_114 : vector<1024xi32>
    %jit3A_116 = arith.constant 16 : i32
    %jit3A_117 = arith.constant 0 : i32
    %broadcast_in_dim3A_118 = vector.broadcast %jit3A_116 : i32 to vector<1024xi32>
    %broadcast_in_dim3A_119 = vector.broadcast %jit3A_117 : i32 to vector<1024xi32>
    %select_n3A_120 = arith.select %lt3A_115, %broadcast_in_dim3A_118, %broadcast_in_dim3A_119 : vector<1024xi1>, vector<1024xi32>
    %broadcast_in_dim3A_121 = vector.shape_cast %select_n3A_120 : vector<1024xi32> to vector<1x1024xi32>
    %broadcast_in_dim3A_122 = vector.shape_cast %broadcast_in_dim3A_121 : vector<1x1024xi32> to vector<1x1024xi32>
    %broadcast_in_dim3A_123 = vector.broadcast %broadcast_in_dim3A_122 : vector<1x1024xi32> to vector<32x1024xi32>
    %slice3A_124 = vector.extract_strided_slice %get3A_3 {offsets = [7168], sizes = [1024], strides = [1]} : vector<16384xi32> to vector<1024xi32>
    %and3A_125 = arith.constant 127 : i32
    %and3A_126 = vector.broadcast %and3A_125 : i32 to vector<1024xi32>
    %and3A_127 = arith.andi %slice3A_124, %and3A_126 : vector<1024xi32>
    %broadcast_in_dim3A_128 = vector.shape_cast %and3A_127 : vector<1024xi32> to vector<1x1024xi32>
    %broadcast_in_dim3A_129 = vector.shape_cast %broadcast_in_dim3A_128 : vector<1x1024xi32> to vector<1x1024xi32>
    %broadcast_in_dim3A_130 = vector.broadcast %broadcast_in_dim3A_129 : vector<1x1024xi32> to vector<32x1024xi32>
    %lt3A_131 = arith.constant 128 : i32
    %lt3A_132 = vector.broadcast %lt3A_131 : i32 to vector<1024xi32>
    %lt3A_133 = arith.cmpi slt, %slice3A_124, %lt3A_132 : vector<1024xi32>
    %jit3A_134 = arith.constant 16 : i32
    %jit3A_135 = arith.constant 0 : i32
    %broadcast_in_dim3A_136 = vector.broadcast %jit3A_134 : i32 to vector<1024xi32>
    %broadcast_in_dim3A_137 = vector.broadcast %jit3A_135 : i32 to vector<1024xi32>
    %select_n3A_138 = arith.select %lt3A_133, %broadcast_in_dim3A_136, %broadcast_in_dim3A_137 : vector<1024xi1>, vector<1024xi32>
    %broadcast_in_dim3A_139 = vector.shape_cast %select_n3A_138 : vector<1024xi32> to vector<1x1024xi32>
    %broadcast_in_dim3A_140 = vector.shape_cast %broadcast_in_dim3A_139 : vector<1x1024xi32> to vector<1x1024xi32>
    %broadcast_in_dim3A_141 = vector.broadcast %broadcast_in_dim3A_140 : vector<1x1024xi32> to vector<32x1024xi32>
    %slice3A_142 = vector.extract_strided_slice %get3A_3 {offsets = [8192], sizes = [1024], strides = [1]} : vector<16384xi32> to vector<1024xi32>
    %and3A_143 = arith.constant 127 : i32
    %and3A_144 = vector.broadcast %and3A_143 : i32 to vector<1024xi32>
    %and3A_145 = arith.andi %slice3A_142, %and3A_144 : vector<1024xi32>
    %broadcast_in_dim3A_146 = vector.shape_cast %and3A_145 : vector<1024xi32> to vector<1x1024xi32>
    %broadcast_in_dim3A_147 = vector.shape_cast %broadcast_in_dim3A_146 : vector<1x1024xi32> to vector<1x1024xi32>
    %broadcast_in_dim3A_148 = vector.broadcast %broadcast_in_dim3A_147 : vector<1x1024xi32> to vector<32x1024xi32>
    %lt3A_149 = arith.constant 128 : i32
    %lt3A_150 = vector.broadcast %lt3A_149 : i32 to vector<1024xi32>
    %lt3A_151 = arith.cmpi slt, %slice3A_142, %lt3A_150 : vector<1024xi32>
    %jit3A_152 = arith.constant 16 : i32
    %jit3A_153 = arith.constant 0 : i32
    %broadcast_in_dim3A_154 = vector.broadcast %jit3A_152 : i32 to vector<1024xi32>
    %broadcast_in_dim3A_155 = vector.broadcast %jit3A_153 : i32 to vector<1024xi32>
    %select_n3A_156 = arith.select %lt3A_151, %broadcast_in_dim3A_154, %broadcast_in_dim3A_155 : vector<1024xi1>, vector<1024xi32>
    %broadcast_in_dim3A_157 = vector.shape_cast %select_n3A_156 : vector<1024xi32> to vector<1x1024xi32>
    %broadcast_in_dim3A_158 = vector.shape_cast %broadcast_in_dim3A_157 : vector<1x1024xi32> to vector<1x1024xi32>
    %broadcast_in_dim3A_159 = vector.broadcast %broadcast_in_dim3A_158 : vector<1x1024xi32> to vector<32x1024xi32>
    %slice3A_160 = vector.extract_strided_slice %get3A_3 {offsets = [9216], sizes = [1024], strides = [1]} : vector<16384xi32> to vector<1024xi32>
    %and3A_161 = arith.constant 127 : i32
    %and3A_162 = vector.broadcast %and3A_161 : i32 to vector<1024xi32>
    %and3A_163 = arith.andi %slice3A_160, %and3A_162 : vector<1024xi32>
    %broadcast_in_dim3A_164 = vector.shape_cast %and3A_163 : vector<1024xi32> to vector<1x1024xi32>
    %broadcast_in_dim3A_165 = vector.shape_cast %broadcast_in_dim3A_164 : vector<1x1024xi32> to vector<1x1024xi32>
    %broadcast_in_dim3A_166 = vector.broadcast %broadcast_in_dim3A_165 : vector<1x1024xi32> to vector<32x1024xi32>
    %lt3A_167 = arith.constant 128 : i32
    %lt3A_168 = vector.broadcast %lt3A_167 : i32 to vector<1024xi32>
    %lt3A_169 = arith.cmpi slt, %slice3A_160, %lt3A_168 : vector<1024xi32>
    %jit3A_170 = arith.constant 16 : i32
    %jit3A_171 = arith.constant 0 : i32
    %broadcast_in_dim3A_172 = vector.broadcast %jit3A_170 : i32 to vector<1024xi32>
    %broadcast_in_dim3A_173 = vector.broadcast %jit3A_171 : i32 to vector<1024xi32>
    %select_n3A_174 = arith.select %lt3A_169, %broadcast_in_dim3A_172, %broadcast_in_dim3A_173 : vector<1024xi1>, vector<1024xi32>
    %broadcast_in_dim3A_175 = vector.shape_cast %select_n3A_174 : vector<1024xi32> to vector<1x1024xi32>
    %broadcast_in_dim3A_176 = vector.shape_cast %broadcast_in_dim3A_175 : vector<1x1024xi32> to vector<1x1024xi32>
    %broadcast_in_dim3A_177 = vector.broadcast %broadcast_in_dim3A_176 : vector<1x1024xi32> to vector<32x1024xi32>
    %slice3A_178 = vector.extract_strided_slice %get3A_3 {offsets = [10240], sizes = [1024], strides = [1]} : vector<16384xi32> to vector<1024xi32>
    %and3A_179 = arith.constant 127 : i32
    %and3A_180 = vector.broadcast %and3A_179 : i32 to vector<1024xi32>
    %and3A_181 = arith.andi %slice3A_178, %and3A_180 : vector<1024xi32>
    %broadcast_in_dim3A_182 = vector.shape_cast %and3A_181 : vector<1024xi32> to vector<1x1024xi32>
    %broadcast_in_dim3A_183 = vector.shape_cast %broadcast_in_dim3A_182 : vector<1x1024xi32> to vector<1x1024xi32>
    %broadcast_in_dim3A_184 = vector.broadcast %broadcast_in_dim3A_183 : vector<1x1024xi32> to vector<32x1024xi32>
    %lt3A_185 = arith.constant 128 : i32
    %lt3A_186 = vector.broadcast %lt3A_185 : i32 to vector<1024xi32>
    %lt3A_187 = arith.cmpi slt, %slice3A_178, %lt3A_186 : vector<1024xi32>
    %jit3A_188 = arith.constant 16 : i32
    %jit3A_189 = arith.constant 0 : i32
    %broadcast_in_dim3A_190 = vector.broadcast %jit3A_188 : i32 to vector<1024xi32>
    %broadcast_in_dim3A_191 = vector.broadcast %jit3A_189 : i32 to vector<1024xi32>
    %select_n3A_192 = arith.select %lt3A_187, %broadcast_in_dim3A_190, %broadcast_in_dim3A_191 : vector<1024xi1>, vector<1024xi32>
    %broadcast_in_dim3A_193 = vector.shape_cast %select_n3A_192 : vector<1024xi32> to vector<1x1024xi32>
    %broadcast_in_dim3A_194 = vector.shape_cast %broadcast_in_dim3A_193 : vector<1x1024xi32> to vector<1x1024xi32>
    %broadcast_in_dim3A_195 = vector.broadcast %broadcast_in_dim3A_194 : vector<1x1024xi32> to vector<32x1024xi32>
    %slice3A_196 = vector.extract_strided_slice %get3A_3 {offsets = [11264], sizes = [1024], strides = [1]} : vector<16384xi32> to vector<1024xi32>
    %and3A_197 = arith.constant 127 : i32
    %and3A_198 = vector.broadcast %and3A_197 : i32 to vector<1024xi32>
    %and3A_199 = arith.andi %slice3A_196, %and3A_198 : vector<1024xi32>
    %broadcast_in_dim3A_200 = vector.shape_cast %and3A_199 : vector<1024xi32> to vector<1x1024xi32>
    %broadcast_in_dim3A_201 = vector.shape_cast %broadcast_in_dim3A_200 : vector<1x1024xi32> to vector<1x1024xi32>
    %broadcast_in_dim3A_202 = vector.broadcast %broadcast_in_dim3A_201 : vector<1x1024xi32> to vector<32x1024xi32>
    %lt3A_203 = arith.constant 128 : i32
    %lt3A_204 = vector.broadcast %lt3A_203 : i32 to vector<1024xi32>
    %lt3A_205 = arith.cmpi slt, %slice3A_196, %lt3A_204 : vector<1024xi32>
    %jit3A_206 = arith.constant 16 : i32
    %jit3A_207 = arith.constant 0 : i32
    %broadcast_in_dim3A_208 = vector.broadcast %jit3A_206 : i32 to vector<1024xi32>
    %broadcast_in_dim3A_209 = vector.broadcast %jit3A_207 : i32 to vector<1024xi32>
    %select_n3A_210 = arith.select %lt3A_205, %broadcast_in_dim3A_208, %broadcast_in_dim3A_209 : vector<1024xi1>, vector<1024xi32>
    %broadcast_in_dim3A_211 = vector.shape_cast %select_n3A_210 : vector<1024xi32> to vector<1x1024xi32>
    %broadcast_in_dim3A_212 = vector.shape_cast %broadcast_in_dim3A_211 : vector<1x1024xi32> to vector<1x1024xi32>
    %broadcast_in_dim3A_213 = vector.broadcast %broadcast_in_dim3A_212 : vector<1x1024xi32> to vector<32x1024xi32>
    %slice3A_214 = vector.extract_strided_slice %get3A_3 {offsets = [12288], sizes = [1024], strides = [1]} : vector<16384xi32> to vector<1024xi32>
    %and3A_215 = arith.constant 127 : i32
    %and3A_216 = vector.broadcast %and3A_215 : i32 to vector<1024xi32>
    %and3A_217 = arith.andi %slice3A_214, %and3A_216 : vector<1024xi32>
    %broadcast_in_dim3A_218 = vector.shape_cast %and3A_217 : vector<1024xi32> to vector<1x1024xi32>
    %broadcast_in_dim3A_219 = vector.shape_cast %broadcast_in_dim3A_218 : vector<1x1024xi32> to vector<1x1024xi32>
    %broadcast_in_dim3A_220 = vector.broadcast %broadcast_in_dim3A_219 : vector<1x1024xi32> to vector<32x1024xi32>
    %lt3A_221 = arith.constant 128 : i32
    %lt3A_222 = vector.broadcast %lt3A_221 : i32 to vector<1024xi32>
    %lt3A_223 = arith.cmpi slt, %slice3A_214, %lt3A_222 : vector<1024xi32>
    %jit3A_224 = arith.constant 16 : i32
    %jit3A_225 = arith.constant 0 : i32
    %broadcast_in_dim3A_226 = vector.broadcast %jit3A_224 : i32 to vector<1024xi32>
    %broadcast_in_dim3A_227 = vector.broadcast %jit3A_225 : i32 to vector<1024xi32>
    %select_n3A_228 = arith.select %lt3A_223, %broadcast_in_dim3A_226, %broadcast_in_dim3A_227 : vector<1024xi1>, vector<1024xi32>
    %broadcast_in_dim3A_229 = vector.shape_cast %select_n3A_228 : vector<1024xi32> to vector<1x1024xi32>
    %broadcast_in_dim3A_230 = vector.shape_cast %broadcast_in_dim3A_229 : vector<1x1024xi32> to vector<1x1024xi32>
    %broadcast_in_dim3A_231 = vector.broadcast %broadcast_in_dim3A_230 : vector<1x1024xi32> to vector<32x1024xi32>
    %slice3A_232 = vector.extract_strided_slice %get3A_3 {offsets = [13312], sizes = [1024], strides = [1]} : vector<16384xi32> to vector<1024xi32>
    %and3A_233 = arith.constant 127 : i32
    %and3A_234 = vector.broadcast %and3A_233 : i32 to vector<1024xi32>
    %and3A_235 = arith.andi %slice3A_232, %and3A_234 : vector<1024xi32>
    %broadcast_in_dim3A_236 = vector.shape_cast %and3A_235 : vector<1024xi32> to vector<1x1024xi32>
    %broadcast_in_dim3A_237 = vector.shape_cast %broadcast_in_dim3A_236 : vector<1x1024xi32> to vector<1x1024xi32>
    %broadcast_in_dim3A_238 = vector.broadcast %broadcast_in_dim3A_237 : vector<1x1024xi32> to vector<32x1024xi32>
    %lt3A_239 = arith.constant 128 : i32
    %lt3A_240 = vector.broadcast %lt3A_239 : i32 to vector<1024xi32>
    %lt3A_241 = arith.cmpi slt, %slice3A_232, %lt3A_240 : vector<1024xi32>
    %jit3A_242 = arith.constant 16 : i32
    %jit3A_243 = arith.constant 0 : i32
    %broadcast_in_dim3A_244 = vector.broadcast %jit3A_242 : i32 to vector<1024xi32>
    %broadcast_in_dim3A_245 = vector.broadcast %jit3A_243 : i32 to vector<1024xi32>
    %select_n3A_246 = arith.select %lt3A_241, %broadcast_in_dim3A_244, %broadcast_in_dim3A_245 : vector<1024xi1>, vector<1024xi32>
    %broadcast_in_dim3A_247 = vector.shape_cast %select_n3A_246 : vector<1024xi32> to vector<1x1024xi32>
    %broadcast_in_dim3A_248 = vector.shape_cast %broadcast_in_dim3A_247 : vector<1x1024xi32> to vector<1x1024xi32>
    %broadcast_in_dim3A_249 = vector.broadcast %broadcast_in_dim3A_248 : vector<1x1024xi32> to vector<32x1024xi32>
    %slice3A_250 = vector.extract_strided_slice %get3A_3 {offsets = [14336], sizes = [1024], strides = [1]} : vector<16384xi32> to vector<1024xi32>
    %and3A_251 = arith.constant 127 : i32
    %and3A_252 = vector.broadcast %and3A_251 : i32 to vector<1024xi32>
    %and3A_253 = arith.andi %slice3A_250, %and3A_252 : vector<1024xi32>
    %broadcast_in_dim3A_254 = vector.shape_cast %and3A_253 : vector<1024xi32> to vector<1x1024xi32>
    %broadcast_in_dim3A_255 = vector.shape_cast %broadcast_in_dim3A_254 : vector<1x1024xi32> to vector<1x1024xi32>
    %broadcast_in_dim3A_256 = vector.broadcast %broadcast_in_dim3A_255 : vector<1x1024xi32> to vector<32x1024xi32>
    %lt3A_257 = arith.constant 128 : i32
    %lt3A_258 = vector.broadcast %lt3A_257 : i32 to vector<1024xi32>
    %lt3A_259 = arith.cmpi slt, %slice3A_250, %lt3A_258 : vector<1024xi32>
    %jit3A_260 = arith.constant 16 : i32
    %jit3A_261 = arith.constant 0 : i32
    %broadcast_in_dim3A_262 = vector.broadcast %jit3A_260 : i32 to vector<1024xi32>
    %broadcast_in_dim3A_263 = vector.broadcast %jit3A_261 : i32 to vector<1024xi32>
    %select_n3A_264 = arith.select %lt3A_259, %broadcast_in_dim3A_262, %broadcast_in_dim3A_263 : vector<1024xi1>, vector<1024xi32>
    %broadcast_in_dim3A_265 = vector.shape_cast %select_n3A_264 : vector<1024xi32> to vector<1x1024xi32>
    %broadcast_in_dim3A_266 = vector.shape_cast %broadcast_in_dim3A_265 : vector<1x1024xi32> to vector<1x1024xi32>
    %broadcast_in_dim3A_267 = vector.broadcast %broadcast_in_dim3A_266 : vector<1x1024xi32> to vector<32x1024xi32>
    %slice3A_268 = vector.extract_strided_slice %get3A_3 {offsets = [15360], sizes = [1024], strides = [1]} : vector<16384xi32> to vector<1024xi32>
    %and3A_269 = arith.constant 127 : i32
    %and3A_270 = vector.broadcast %and3A_269 : i32 to vector<1024xi32>
    %and3A_271 = arith.andi %slice3A_268, %and3A_270 : vector<1024xi32>
    %broadcast_in_dim3A_272 = vector.shape_cast %and3A_271 : vector<1024xi32> to vector<1x1024xi32>
    %broadcast_in_dim3A_273 = vector.shape_cast %broadcast_in_dim3A_272 : vector<1x1024xi32> to vector<1x1024xi32>
    %broadcast_in_dim3A_274 = vector.broadcast %broadcast_in_dim3A_273 : vector<1x1024xi32> to vector<32x1024xi32>
    %lt3A_275 = arith.constant 128 : i32
    %lt3A_276 = vector.broadcast %lt3A_275 : i32 to vector<1024xi32>
    %lt3A_277 = arith.cmpi slt, %slice3A_268, %lt3A_276 : vector<1024xi32>
    %jit3A_278 = arith.constant 16 : i32
    %jit3A_279 = arith.constant 0 : i32
    %broadcast_in_dim3A_280 = vector.broadcast %jit3A_278 : i32 to vector<1024xi32>
    %broadcast_in_dim3A_281 = vector.broadcast %jit3A_279 : i32 to vector<1024xi32>
    %select_n3A_282 = arith.select %lt3A_277, %broadcast_in_dim3A_280, %broadcast_in_dim3A_281 : vector<1024xi1>, vector<1024xi32>
    %broadcast_in_dim3A_283 = vector.shape_cast %select_n3A_282 : vector<1024xi32> to vector<1x1024xi32>
    %broadcast_in_dim3A_284 = vector.shape_cast %broadcast_in_dim3A_283 : vector<1x1024xi32> to vector<1x1024xi32>
    %broadcast_in_dim3A_285 = vector.broadcast %broadcast_in_dim3A_284 : vector<1x1024xi32> to vector<32x1024xi32>
    %get3A_286 = arith.constant 64 : index
    %get3A_287 = arith.constant 0 : index
    %get3A_288 = vector.load %arg4[%get3A_286, %get3A_287] : memref<96x128xi32, #tpu.memory_space<vmem>>, vector<32x128xi32>
    %lt3A_289 = arith.constant 0 : i32
    %lt3A_290 = vector.broadcast %lt3A_289 : i32 to vector<32x1024xi32>
    %lt3A_291 = arith.cmpi slt, %broadcast_in_dim3A_7, %lt3A_290 : vector<32x1024xi32>
    %add3A = arith.constant 128 : i32
    %add3A_292 = vector.broadcast %add3A : i32 to vector<32x1024xi32>
    %add3A_293 = arith.addi %broadcast_in_dim3A_7, %add3A_292 : vector<32x1024xi32>
    %select_n3A_294 = arith.select %lt3A_291, %add3A_293, %broadcast_in_dim3A_7 : vector<32x1024xi1>, vector<32x1024xi32>
    %reshape3A = vector.shape_cast %select_n3A_294 : vector<32x1024xi32> to vector<32x1024x1xi32>
    %gather3A = vector.shape_cast %reshape3A : vector<32x1024x1xi32> to vector<32x1024xi32>
    %gather3A_295 = tpu.dynamic_gather %get3A_288[%gather3A] in [1] : vector<32x128xi32>, vector<32x1024xi32> -> vector<32x1024xi32>
    %shift_left3A = arith.shli %gather3A_295, %broadcast_in_dim3A_15 : vector<32x1024xi32>
    %and3A_296 = arith.constant -65536 : i32
    %and3A_297 = vector.broadcast %and3A_296 : i32 to vector<32x1024xi32>
    %and3A_298 = arith.andi %shift_left3A, %and3A_297 : vector<32x1024xi32>
    %bitcast_convert_type3A = tpu.bitcast %and3A_298 : vector<32x1024xi32> -> vector<32x1024xf32>
    %get3A_299 = arith.constant 32 : index
    %get3A_300 = arith.constant 0 : index
    %get3A_301 = vector.load %arg4[%get3A_299, %get3A_300] : memref<96x128xi32, #tpu.memory_space<vmem>>, vector<32x128xi32>
    %lt3A_302 = arith.constant 0 : i32
    %lt3A_303 = vector.broadcast %lt3A_302 : i32 to vector<32x1024xi32>
    %lt3A_304 = arith.cmpi slt, %broadcast_in_dim3A_7, %lt3A_303 : vector<32x1024xi32>
    %add3A_305 = arith.constant 128 : i32
    %add3A_306 = vector.broadcast %add3A_305 : i32 to vector<32x1024xi32>
    %add3A_307 = arith.addi %broadcast_in_dim3A_7, %add3A_306 : vector<32x1024xi32>
    %select_n3A_308 = arith.select %lt3A_304, %add3A_307, %broadcast_in_dim3A_7 : vector<32x1024xi1>, vector<32x1024xi32>
    %reshape3A_309 = vector.shape_cast %select_n3A_308 : vector<32x1024xi32> to vector<32x1024x1xi32>
    %gather3A_310 = vector.shape_cast %reshape3A_309 : vector<32x1024x1xi32> to vector<32x1024xi32>
    %gather3A_311 = tpu.dynamic_gather %get3A_301[%gather3A_310] in [1] : vector<32x128xi32>, vector<32x1024xi32> -> vector<32x1024xi32>
    %shift_left3A_312 = arith.shli %gather3A_311, %broadcast_in_dim3A_15 : vector<32x1024xi32>
    %and3A_313 = arith.constant -65536 : i32
    %and3A_314 = vector.broadcast %and3A_313 : i32 to vector<32x1024xi32>
    %and3A_315 = arith.andi %shift_left3A_312, %and3A_314 : vector<32x1024xi32>
    %bitcast_convert_type3A_316 = tpu.bitcast %and3A_315 : vector<32x1024xi32> -> vector<32x1024xf32>
    %get3A_317 = arith.constant 64 : index
    %get3A_318 = arith.constant 0 : index
    %get3A_319 = vector.load %arg4[%get3A_317, %get3A_318] : memref<96x128xi32, #tpu.memory_space<vmem>>, vector<32x128xi32>
    %lt3A_320 = arith.constant 0 : i32
    %lt3A_321 = vector.broadcast %lt3A_320 : i32 to vector<32x1024xi32>
    %lt3A_322 = arith.cmpi slt, %broadcast_in_dim3A_22, %lt3A_321 : vector<32x1024xi32>
    %add3A_323 = arith.constant 128 : i32
    %add3A_324 = vector.broadcast %add3A_323 : i32 to vector<32x1024xi32>
    %add3A_325 = arith.addi %broadcast_in_dim3A_22, %add3A_324 : vector<32x1024xi32>
    %select_n3A_326 = arith.select %lt3A_322, %add3A_325, %broadcast_in_dim3A_22 : vector<32x1024xi1>, vector<32x1024xi32>
    %reshape3A_327 = vector.shape_cast %select_n3A_326 : vector<32x1024xi32> to vector<32x1024x1xi32>
    %gather3A_328 = vector.shape_cast %reshape3A_327 : vector<32x1024x1xi32> to vector<32x1024xi32>
    %gather3A_329 = tpu.dynamic_gather %get3A_319[%gather3A_328] in [1] : vector<32x128xi32>, vector<32x1024xi32> -> vector<32x1024xi32>
    %shift_left3A_330 = arith.shli %gather3A_329, %broadcast_in_dim3A_33 : vector<32x1024xi32>
    %and3A_331 = arith.constant -65536 : i32
    %and3A_332 = vector.broadcast %and3A_331 : i32 to vector<32x1024xi32>
    %and3A_333 = arith.andi %shift_left3A_330, %and3A_332 : vector<32x1024xi32>
    %bitcast_convert_type3A_334 = tpu.bitcast %and3A_333 : vector<32x1024xi32> -> vector<32x1024xf32>
    %add3A_335 = arith.addf %bitcast_convert_type3A_316, %bitcast_convert_type3A_334 : vector<32x1024xf32>
    %max3A = arith.maximumf %bitcast_convert_type3A, %add3A_335 : vector<32x1024xf32>
    %get3A_336 = arith.constant 0 : index
    %get3A_337 = arith.constant 0 : index
    %get3A_338 = vector.load %arg4[%get3A_336, %get3A_337] : memref<96x128xi32, #tpu.memory_space<vmem>>, vector<32x128xi32>
    %lt3A_339 = arith.constant 0 : i32
    %lt3A_340 = vector.broadcast %lt3A_339 : i32 to vector<32x1024xi32>
    %lt3A_341 = arith.cmpi slt, %broadcast_in_dim3A_7, %lt3A_340 : vector<32x1024xi32>
    %add3A_342 = arith.constant 128 : i32
    %add3A_343 = vector.broadcast %add3A_342 : i32 to vector<32x1024xi32>
    %add3A_344 = arith.addi %broadcast_in_dim3A_7, %add3A_343 : vector<32x1024xi32>
    %select_n3A_345 = arith.select %lt3A_341, %add3A_344, %broadcast_in_dim3A_7 : vector<32x1024xi1>, vector<32x1024xi32>
    %reshape3A_346 = vector.shape_cast %select_n3A_345 : vector<32x1024xi32> to vector<32x1024x1xi32>
    %gather3A_347 = vector.shape_cast %reshape3A_346 : vector<32x1024x1xi32> to vector<32x1024xi32>
    %gather3A_348 = tpu.dynamic_gather %get3A_338[%gather3A_347] in [1] : vector<32x128xi32>, vector<32x1024xi32> -> vector<32x1024xi32>
    %shift_left3A_349 = arith.shli %gather3A_348, %broadcast_in_dim3A_15 : vector<32x1024xi32>
    %and3A_350 = arith.constant -65536 : i32
    %and3A_351 = vector.broadcast %and3A_350 : i32 to vector<32x1024xi32>
    %and3A_352 = arith.andi %shift_left3A_349, %and3A_351 : vector<32x1024xi32>
    %bitcast_convert_type3A_353 = tpu.bitcast %and3A_352 : vector<32x1024xi32> -> vector<32x1024xf32>
    %get3A_354 = arith.constant 32 : index
    %get3A_355 = arith.constant 0 : index
    %get3A_356 = vector.load %arg4[%get3A_354, %get3A_355] : memref<96x128xi32, #tpu.memory_space<vmem>>, vector<32x128xi32>
    %lt3A_357 = arith.constant 0 : i32
    %lt3A_358 = vector.broadcast %lt3A_357 : i32 to vector<32x1024xi32>
    %lt3A_359 = arith.cmpi slt, %broadcast_in_dim3A_22, %lt3A_358 : vector<32x1024xi32>
    %add3A_360 = arith.constant 128 : i32
    %add3A_361 = vector.broadcast %add3A_360 : i32 to vector<32x1024xi32>
    %add3A_362 = arith.addi %broadcast_in_dim3A_22, %add3A_361 : vector<32x1024xi32>
    %select_n3A_363 = arith.select %lt3A_359, %add3A_362, %broadcast_in_dim3A_22 : vector<32x1024xi1>, vector<32x1024xi32>
    %reshape3A_364 = vector.shape_cast %select_n3A_363 : vector<32x1024xi32> to vector<32x1024x1xi32>
    %gather3A_365 = vector.shape_cast %reshape3A_364 : vector<32x1024x1xi32> to vector<32x1024xi32>
    %gather3A_366 = tpu.dynamic_gather %get3A_356[%gather3A_365] in [1] : vector<32x128xi32>, vector<32x1024xi32> -> vector<32x1024xi32>
    %shift_left3A_367 = arith.shli %gather3A_366, %broadcast_in_dim3A_33 : vector<32x1024xi32>
    %and3A_368 = arith.constant -65536 : i32
    %and3A_369 = vector.broadcast %and3A_368 : i32 to vector<32x1024xi32>
    %and3A_370 = arith.andi %shift_left3A_367, %and3A_369 : vector<32x1024xi32>
    %bitcast_convert_type3A_371 = tpu.bitcast %and3A_370 : vector<32x1024xi32> -> vector<32x1024xf32>
    %add3A_372 = arith.addf %bitcast_convert_type3A_353, %bitcast_convert_type3A_371 : vector<32x1024xf32>
    %get3A_373 = arith.constant 64 : index
    %get3A_374 = arith.constant 0 : index
    %get3A_375 = vector.load %arg4[%get3A_373, %get3A_374] : memref<96x128xi32, #tpu.memory_space<vmem>>, vector<32x128xi32>
    %lt3A_376 = arith.constant 0 : i32
    %lt3A_377 = vector.broadcast %lt3A_376 : i32 to vector<32x1024xi32>
    %lt3A_378 = arith.cmpi slt, %broadcast_in_dim3A_40, %lt3A_377 : vector<32x1024xi32>
    %add3A_379 = arith.constant 128 : i32
    %add3A_380 = vector.broadcast %add3A_379 : i32 to vector<32x1024xi32>
    %add3A_381 = arith.addi %broadcast_in_dim3A_40, %add3A_380 : vector<32x1024xi32>
    %select_n3A_382 = arith.select %lt3A_378, %add3A_381, %broadcast_in_dim3A_40 : vector<32x1024xi1>, vector<32x1024xi32>
    %reshape3A_383 = vector.shape_cast %select_n3A_382 : vector<32x1024xi32> to vector<32x1024x1xi32>
    %gather3A_384 = vector.shape_cast %reshape3A_383 : vector<32x1024x1xi32> to vector<32x1024xi32>
    %gather3A_385 = tpu.dynamic_gather %get3A_375[%gather3A_384] in [1] : vector<32x128xi32>, vector<32x1024xi32> -> vector<32x1024xi32>
    %shift_left3A_386 = arith.shli %gather3A_385, %broadcast_in_dim3A_51 : vector<32x1024xi32>
    %and3A_387 = arith.constant -65536 : i32
    %and3A_388 = vector.broadcast %and3A_387 : i32 to vector<32x1024xi32>
    %and3A_389 = arith.andi %shift_left3A_386, %and3A_388 : vector<32x1024xi32>
    %bitcast_convert_type3A_390 = tpu.bitcast %and3A_389 : vector<32x1024xi32> -> vector<32x1024xf32>
    %add3A_391 = arith.addf %add3A_372, %bitcast_convert_type3A_390 : vector<32x1024xf32>
    %max3A_392 = arith.maximumf %max3A, %add3A_391 : vector<32x1024xf32>
    %get3A_393 = arith.constant 0 : index
    %get3A_394 = arith.constant 0 : index
    %get3A_395 = vector.load %arg4[%get3A_393, %get3A_394] : memref<96x128xi32, #tpu.memory_space<vmem>>, vector<32x128xi32>
    %lt3A_396 = arith.constant 0 : i32
    %lt3A_397 = vector.broadcast %lt3A_396 : i32 to vector<32x1024xi32>
    %lt3A_398 = arith.cmpi slt, %broadcast_in_dim3A_22, %lt3A_397 : vector<32x1024xi32>
    %add3A_399 = arith.constant 128 : i32
    %add3A_400 = vector.broadcast %add3A_399 : i32 to vector<32x1024xi32>
    %add3A_401 = arith.addi %broadcast_in_dim3A_22, %add3A_400 : vector<32x1024xi32>
    %select_n3A_402 = arith.select %lt3A_398, %add3A_401, %broadcast_in_dim3A_22 : vector<32x1024xi1>, vector<32x1024xi32>
    %reshape3A_403 = vector.shape_cast %select_n3A_402 : vector<32x1024xi32> to vector<32x1024x1xi32>
    %gather3A_404 = vector.shape_cast %reshape3A_403 : vector<32x1024x1xi32> to vector<32x1024xi32>
    %gather3A_405 = tpu.dynamic_gather %get3A_395[%gather3A_404] in [1] : vector<32x128xi32>, vector<32x1024xi32> -> vector<32x1024xi32>
    %shift_left3A_406 = arith.shli %gather3A_405, %broadcast_in_dim3A_33 : vector<32x1024xi32>
    %and3A_407 = arith.constant -65536 : i32
    %and3A_408 = vector.broadcast %and3A_407 : i32 to vector<32x1024xi32>
    %and3A_409 = arith.andi %shift_left3A_406, %and3A_408 : vector<32x1024xi32>
    %bitcast_convert_type3A_410 = tpu.bitcast %and3A_409 : vector<32x1024xi32> -> vector<32x1024xf32>
    %get3A_411 = arith.constant 32 : index
    %get3A_412 = arith.constant 0 : index
    %get3A_413 = vector.load %arg4[%get3A_411, %get3A_412] : memref<96x128xi32, #tpu.memory_space<vmem>>, vector<32x128xi32>
    %lt3A_414 = arith.constant 0 : i32
    %lt3A_415 = vector.broadcast %lt3A_414 : i32 to vector<32x1024xi32>
    %lt3A_416 = arith.cmpi slt, %broadcast_in_dim3A_40, %lt3A_415 : vector<32x1024xi32>
    %add3A_417 = arith.constant 128 : i32
    %add3A_418 = vector.broadcast %add3A_417 : i32 to vector<32x1024xi32>
    %add3A_419 = arith.addi %broadcast_in_dim3A_40, %add3A_418 : vector<32x1024xi32>
    %select_n3A_420 = arith.select %lt3A_416, %add3A_419, %broadcast_in_dim3A_40 : vector<32x1024xi1>, vector<32x1024xi32>
    %reshape3A_421 = vector.shape_cast %select_n3A_420 : vector<32x1024xi32> to vector<32x1024x1xi32>
    %gather3A_422 = vector.shape_cast %reshape3A_421 : vector<32x1024x1xi32> to vector<32x1024xi32>
    %gather3A_423 = tpu.dynamic_gather %get3A_413[%gather3A_422] in [1] : vector<32x128xi32>, vector<32x1024xi32> -> vector<32x1024xi32>
    %shift_left3A_424 = arith.shli %gather3A_423, %broadcast_in_dim3A_51 : vector<32x1024xi32>
    %and3A_425 = arith.constant -65536 : i32
    %and3A_426 = vector.broadcast %and3A_425 : i32 to vector<32x1024xi32>
    %and3A_427 = arith.andi %shift_left3A_424, %and3A_426 : vector<32x1024xi32>
    %bitcast_convert_type3A_428 = tpu.bitcast %and3A_427 : vector<32x1024xi32> -> vector<32x1024xf32>
    %add3A_429 = arith.addf %bitcast_convert_type3A_410, %bitcast_convert_type3A_428 : vector<32x1024xf32>
    %get3A_430 = arith.constant 64 : index
    %get3A_431 = arith.constant 0 : index
    %get3A_432 = vector.load %arg4[%get3A_430, %get3A_431] : memref<96x128xi32, #tpu.memory_space<vmem>>, vector<32x128xi32>
    %lt3A_433 = arith.constant 0 : i32
    %lt3A_434 = vector.broadcast %lt3A_433 : i32 to vector<32x1024xi32>
    %lt3A_435 = arith.cmpi slt, %broadcast_in_dim3A_58, %lt3A_434 : vector<32x1024xi32>
    %add3A_436 = arith.constant 128 : i32
    %add3A_437 = vector.broadcast %add3A_436 : i32 to vector<32x1024xi32>
    %add3A_438 = arith.addi %broadcast_in_dim3A_58, %add3A_437 : vector<32x1024xi32>
    %select_n3A_439 = arith.select %lt3A_435, %add3A_438, %broadcast_in_dim3A_58 : vector<32x1024xi1>, vector<32x1024xi32>
    %reshape3A_440 = vector.shape_cast %select_n3A_439 : vector<32x1024xi32> to vector<32x1024x1xi32>
    %gather3A_441 = vector.shape_cast %reshape3A_440 : vector<32x1024x1xi32> to vector<32x1024xi32>
    %gather3A_442 = tpu.dynamic_gather %get3A_432[%gather3A_441] in [1] : vector<32x128xi32>, vector<32x1024xi32> -> vector<32x1024xi32>
    %shift_left3A_443 = arith.shli %gather3A_442, %broadcast_in_dim3A_69 : vector<32x1024xi32>
    %and3A_444 = arith.constant -65536 : i32
    %and3A_445 = vector.broadcast %and3A_444 : i32 to vector<32x1024xi32>
    %and3A_446 = arith.andi %shift_left3A_443, %and3A_445 : vector<32x1024xi32>
    %bitcast_convert_type3A_447 = tpu.bitcast %and3A_446 : vector<32x1024xi32> -> vector<32x1024xf32>
    %add3A_448 = arith.addf %add3A_429, %bitcast_convert_type3A_447 : vector<32x1024xf32>
    %max3A_449 = arith.maximumf %max3A_392, %add3A_448 : vector<32x1024xf32>
    %get3A_450 = arith.constant 0 : index
    %get3A_451 = arith.constant 0 : index
    %get3A_452 = vector.load %arg4[%get3A_450, %get3A_451] : memref<96x128xi32, #tpu.memory_space<vmem>>, vector<32x128xi32>
    %lt3A_453 = arith.constant 0 : i32
    %lt3A_454 = vector.broadcast %lt3A_453 : i32 to vector<32x1024xi32>
    %lt3A_455 = arith.cmpi slt, %broadcast_in_dim3A_40, %lt3A_454 : vector<32x1024xi32>
    %add3A_456 = arith.constant 128 : i32
    %add3A_457 = vector.broadcast %add3A_456 : i32 to vector<32x1024xi32>
    %add3A_458 = arith.addi %broadcast_in_dim3A_40, %add3A_457 : vector<32x1024xi32>
    %select_n3A_459 = arith.select %lt3A_455, %add3A_458, %broadcast_in_dim3A_40 : vector<32x1024xi1>, vector<32x1024xi32>
    %reshape3A_460 = vector.shape_cast %select_n3A_459 : vector<32x1024xi32> to vector<32x1024x1xi32>
    %gather3A_461 = vector.shape_cast %reshape3A_460 : vector<32x1024x1xi32> to vector<32x1024xi32>
    %gather3A_462 = tpu.dynamic_gather %get3A_452[%gather3A_461] in [1] : vector<32x128xi32>, vector<32x1024xi32> -> vector<32x1024xi32>
    %shift_left3A_463 = arith.shli %gather3A_462, %broadcast_in_dim3A_51 : vector<32x1024xi32>
    %and3A_464 = arith.constant -65536 : i32
    %and3A_465 = vector.broadcast %and3A_464 : i32 to vector<32x1024xi32>
    %and3A_466 = arith.andi %shift_left3A_463, %and3A_465 : vector<32x1024xi32>
    %bitcast_convert_type3A_467 = tpu.bitcast %and3A_466 : vector<32x1024xi32> -> vector<32x1024xf32>
    %get3A_468 = arith.constant 32 : index
    %get3A_469 = arith.constant 0 : index
    %get3A_470 = vector.load %arg4[%get3A_468, %get3A_469] : memref<96x128xi32, #tpu.memory_space<vmem>>, vector<32x128xi32>
    %lt3A_471 = arith.constant 0 : i32
    %lt3A_472 = vector.broadcast %lt3A_471 : i32 to vector<32x1024xi32>
    %lt3A_473 = arith.cmpi slt, %broadcast_in_dim3A_58, %lt3A_472 : vector<32x1024xi32>
    %add3A_474 = arith.constant 128 : i32
    %add3A_475 = vector.broadcast %add3A_474 : i32 to vector<32x1024xi32>
    %add3A_476 = arith.addi %broadcast_in_dim3A_58, %add3A_475 : vector<32x1024xi32>
    %select_n3A_477 = arith.select %lt3A_473, %add3A_476, %broadcast_in_dim3A_58 : vector<32x1024xi1>, vector<32x1024xi32>
    %reshape3A_478 = vector.shape_cast %select_n3A_477 : vector<32x1024xi32> to vector<32x1024x1xi32>
    %gather3A_479 = vector.shape_cast %reshape3A_478 : vector<32x1024x1xi32> to vector<32x1024xi32>
    %gather3A_480 = tpu.dynamic_gather %get3A_470[%gather3A_479] in [1] : vector<32x128xi32>, vector<32x1024xi32> -> vector<32x1024xi32>
    %shift_left3A_481 = arith.shli %gather3A_480, %broadcast_in_dim3A_69 : vector<32x1024xi32>
    %and3A_482 = arith.constant -65536 : i32
    %and3A_483 = vector.broadcast %and3A_482 : i32 to vector<32x1024xi32>
    %and3A_484 = arith.andi %shift_left3A_481, %and3A_483 : vector<32x1024xi32>
    %bitcast_convert_type3A_485 = tpu.bitcast %and3A_484 : vector<32x1024xi32> -> vector<32x1024xf32>
    %add3A_486 = arith.addf %bitcast_convert_type3A_467, %bitcast_convert_type3A_485 : vector<32x1024xf32>
    %get3A_487 = arith.constant 64 : index
    %get3A_488 = arith.constant 0 : index
    %get3A_489 = vector.load %arg4[%get3A_487, %get3A_488] : memref<96x128xi32, #tpu.memory_space<vmem>>, vector<32x128xi32>
    %lt3A_490 = arith.constant 0 : i32
    %lt3A_491 = vector.broadcast %lt3A_490 : i32 to vector<32x1024xi32>
    %lt3A_492 = arith.cmpi slt, %broadcast_in_dim3A_76, %lt3A_491 : vector<32x1024xi32>
    %add3A_493 = arith.constant 128 : i32
    %add3A_494 = vector.broadcast %add3A_493 : i32 to vector<32x1024xi32>
    %add3A_495 = arith.addi %broadcast_in_dim3A_76, %add3A_494 : vector<32x1024xi32>
    %select_n3A_496 = arith.select %lt3A_492, %add3A_495, %broadcast_in_dim3A_76 : vector<32x1024xi1>, vector<32x1024xi32>
    %reshape3A_497 = vector.shape_cast %select_n3A_496 : vector<32x1024xi32> to vector<32x1024x1xi32>
    %gather3A_498 = vector.shape_cast %reshape3A_497 : vector<32x1024x1xi32> to vector<32x1024xi32>
    %gather3A_499 = tpu.dynamic_gather %get3A_489[%gather3A_498] in [1] : vector<32x128xi32>, vector<32x1024xi32> -> vector<32x1024xi32>
    %shift_left3A_500 = arith.shli %gather3A_499, %broadcast_in_dim3A_87 : vector<32x1024xi32>
    %and3A_501 = arith.constant -65536 : i32
    %and3A_502 = vector.broadcast %and3A_501 : i32 to vector<32x1024xi32>
    %and3A_503 = arith.andi %shift_left3A_500, %and3A_502 : vector<32x1024xi32>
    %bitcast_convert_type3A_504 = tpu.bitcast %and3A_503 : vector<32x1024xi32> -> vector<32x1024xf32>
    %add3A_505 = arith.addf %add3A_486, %bitcast_convert_type3A_504 : vector<32x1024xf32>
    %max3A_506 = arith.maximumf %max3A_449, %add3A_505 : vector<32x1024xf32>
    %get3A_507 = arith.constant 0 : index
    %get3A_508 = arith.constant 0 : index
    %get3A_509 = vector.load %arg4[%get3A_507, %get3A_508] : memref<96x128xi32, #tpu.memory_space<vmem>>, vector<32x128xi32>
    %lt3A_510 = arith.constant 0 : i32
    %lt3A_511 = vector.broadcast %lt3A_510 : i32 to vector<32x1024xi32>
    %lt3A_512 = arith.cmpi slt, %broadcast_in_dim3A_58, %lt3A_511 : vector<32x1024xi32>
    %add3A_513 = arith.constant 128 : i32
    %add3A_514 = vector.broadcast %add3A_513 : i32 to vector<32x1024xi32>
    %add3A_515 = arith.addi %broadcast_in_dim3A_58, %add3A_514 : vector<32x1024xi32>
    %select_n3A_516 = arith.select %lt3A_512, %add3A_515, %broadcast_in_dim3A_58 : vector<32x1024xi1>, vector<32x1024xi32>
    %reshape3A_517 = vector.shape_cast %select_n3A_516 : vector<32x1024xi32> to vector<32x1024x1xi32>
    %gather3A_518 = vector.shape_cast %reshape3A_517 : vector<32x1024x1xi32> to vector<32x1024xi32>
    %gather3A_519 = tpu.dynamic_gather %get3A_509[%gather3A_518] in [1] : vector<32x128xi32>, vector<32x1024xi32> -> vector<32x1024xi32>
    %shift_left3A_520 = arith.shli %gather3A_519, %broadcast_in_dim3A_69 : vector<32x1024xi32>
    %and3A_521 = arith.constant -65536 : i32
    %and3A_522 = vector.broadcast %and3A_521 : i32 to vector<32x1024xi32>
    %and3A_523 = arith.andi %shift_left3A_520, %and3A_522 : vector<32x1024xi32>
    %bitcast_convert_type3A_524 = tpu.bitcast %and3A_523 : vector<32x1024xi32> -> vector<32x1024xf32>
    %get3A_525 = arith.constant 32 : index
    %get3A_526 = arith.constant 0 : index
    %get3A_527 = vector.load %arg4[%get3A_525, %get3A_526] : memref<96x128xi32, #tpu.memory_space<vmem>>, vector<32x128xi32>
    %lt3A_528 = arith.constant 0 : i32
    %lt3A_529 = vector.broadcast %lt3A_528 : i32 to vector<32x1024xi32>
    %lt3A_530 = arith.cmpi slt, %broadcast_in_dim3A_76, %lt3A_529 : vector<32x1024xi32>
    %add3A_531 = arith.constant 128 : i32
    %add3A_532 = vector.broadcast %add3A_531 : i32 to vector<32x1024xi32>
    %add3A_533 = arith.addi %broadcast_in_dim3A_76, %add3A_532 : vector<32x1024xi32>
    %select_n3A_534 = arith.select %lt3A_530, %add3A_533, %broadcast_in_dim3A_76 : vector<32x1024xi1>, vector<32x1024xi32>
    %reshape3A_535 = vector.shape_cast %select_n3A_534 : vector<32x1024xi32> to vector<32x1024x1xi32>
    %gather3A_536 = vector.shape_cast %reshape3A_535 : vector<32x1024x1xi32> to vector<32x1024xi32>
    %gather3A_537 = tpu.dynamic_gather %get3A_527[%gather3A_536] in [1] : vector<32x128xi32>, vector<32x1024xi32> -> vector<32x1024xi32>
    %shift_left3A_538 = arith.shli %gather3A_537, %broadcast_in_dim3A_87 : vector<32x1024xi32>
    %and3A_539 = arith.constant -65536 : i32
    %and3A_540 = vector.broadcast %and3A_539 : i32 to vector<32x1024xi32>
    %and3A_541 = arith.andi %shift_left3A_538, %and3A_540 : vector<32x1024xi32>
    %bitcast_convert_type3A_542 = tpu.bitcast %and3A_541 : vector<32x1024xi32> -> vector<32x1024xf32>
    %add3A_543 = arith.addf %bitcast_convert_type3A_524, %bitcast_convert_type3A_542 : vector<32x1024xf32>
    %get3A_544 = arith.constant 64 : index
    %get3A_545 = arith.constant 0 : index
    %get3A_546 = vector.load %arg4[%get3A_544, %get3A_545] : memref<96x128xi32, #tpu.memory_space<vmem>>, vector<32x128xi32>
    %lt3A_547 = arith.constant 0 : i32
    %lt3A_548 = vector.broadcast %lt3A_547 : i32 to vector<32x1024xi32>
    %lt3A_549 = arith.cmpi slt, %broadcast_in_dim3A_94, %lt3A_548 : vector<32x1024xi32>
    %add3A_550 = arith.constant 128 : i32
    %add3A_551 = vector.broadcast %add3A_550 : i32 to vector<32x1024xi32>
    %add3A_552 = arith.addi %broadcast_in_dim3A_94, %add3A_551 : vector<32x1024xi32>
    %select_n3A_553 = arith.select %lt3A_549, %add3A_552, %broadcast_in_dim3A_94 : vector<32x1024xi1>, vector<32x1024xi32>
    %reshape3A_554 = vector.shape_cast %select_n3A_553 : vector<32x1024xi32> to vector<32x1024x1xi32>
    %gather3A_555 = vector.shape_cast %reshape3A_554 : vector<32x1024x1xi32> to vector<32x1024xi32>
    %gather3A_556 = tpu.dynamic_gather %get3A_546[%gather3A_555] in [1] : vector<32x128xi32>, vector<32x1024xi32> -> vector<32x1024xi32>
    %shift_left3A_557 = arith.shli %gather3A_556, %broadcast_in_dim3A_105 : vector<32x1024xi32>
    %and3A_558 = arith.constant -65536 : i32
    %and3A_559 = vector.broadcast %and3A_558 : i32 to vector<32x1024xi32>
    %and3A_560 = arith.andi %shift_left3A_557, %and3A_559 : vector<32x1024xi32>
    %bitcast_convert_type3A_561 = tpu.bitcast %and3A_560 : vector<32x1024xi32> -> vector<32x1024xf32>
    %add3A_562 = arith.addf %add3A_543, %bitcast_convert_type3A_561 : vector<32x1024xf32>
    %max3A_563 = arith.maximumf %max3A_506, %add3A_562 : vector<32x1024xf32>
    %get3A_564 = arith.constant 0 : index
    %get3A_565 = arith.constant 0 : index
    %get3A_566 = vector.load %arg4[%get3A_564, %get3A_565] : memref<96x128xi32, #tpu.memory_space<vmem>>, vector<32x128xi32>
    %lt3A_567 = arith.constant 0 : i32
    %lt3A_568 = vector.broadcast %lt3A_567 : i32 to vector<32x1024xi32>
    %lt3A_569 = arith.cmpi slt, %broadcast_in_dim3A_76, %lt3A_568 : vector<32x1024xi32>
    %add3A_570 = arith.constant 128 : i32
    %add3A_571 = vector.broadcast %add3A_570 : i32 to vector<32x1024xi32>
    %add3A_572 = arith.addi %broadcast_in_dim3A_76, %add3A_571 : vector<32x1024xi32>
    %select_n3A_573 = arith.select %lt3A_569, %add3A_572, %broadcast_in_dim3A_76 : vector<32x1024xi1>, vector<32x1024xi32>
    %reshape3A_574 = vector.shape_cast %select_n3A_573 : vector<32x1024xi32> to vector<32x1024x1xi32>
    %gather3A_575 = vector.shape_cast %reshape3A_574 : vector<32x1024x1xi32> to vector<32x1024xi32>
    %gather3A_576 = tpu.dynamic_gather %get3A_566[%gather3A_575] in [1] : vector<32x128xi32>, vector<32x1024xi32> -> vector<32x1024xi32>
    %shift_left3A_577 = arith.shli %gather3A_576, %broadcast_in_dim3A_87 : vector<32x1024xi32>
    %and3A_578 = arith.constant -65536 : i32
    %and3A_579 = vector.broadcast %and3A_578 : i32 to vector<32x1024xi32>
    %and3A_580 = arith.andi %shift_left3A_577, %and3A_579 : vector<32x1024xi32>
    %bitcast_convert_type3A_581 = tpu.bitcast %and3A_580 : vector<32x1024xi32> -> vector<32x1024xf32>
    %get3A_582 = arith.constant 32 : index
    %get3A_583 = arith.constant 0 : index
    %get3A_584 = vector.load %arg4[%get3A_582, %get3A_583] : memref<96x128xi32, #tpu.memory_space<vmem>>, vector<32x128xi32>
    %lt3A_585 = arith.constant 0 : i32
    %lt3A_586 = vector.broadcast %lt3A_585 : i32 to vector<32x1024xi32>
    %lt3A_587 = arith.cmpi slt, %broadcast_in_dim3A_94, %lt3A_586 : vector<32x1024xi32>
    %add3A_588 = arith.constant 128 : i32
    %add3A_589 = vector.broadcast %add3A_588 : i32 to vector<32x1024xi32>
    %add3A_590 = arith.addi %broadcast_in_dim3A_94, %add3A_589 : vector<32x1024xi32>
    %select_n3A_591 = arith.select %lt3A_587, %add3A_590, %broadcast_in_dim3A_94 : vector<32x1024xi1>, vector<32x1024xi32>
    %reshape3A_592 = vector.shape_cast %select_n3A_591 : vector<32x1024xi32> to vector<32x1024x1xi32>
    %gather3A_593 = vector.shape_cast %reshape3A_592 : vector<32x1024x1xi32> to vector<32x1024xi32>
    %gather3A_594 = tpu.dynamic_gather %get3A_584[%gather3A_593] in [1] : vector<32x128xi32>, vector<32x1024xi32> -> vector<32x1024xi32>
    %shift_left3A_595 = arith.shli %gather3A_594, %broadcast_in_dim3A_105 : vector<32x1024xi32>
    %and3A_596 = arith.constant -65536 : i32
    %and3A_597 = vector.broadcast %and3A_596 : i32 to vector<32x1024xi32>
    %and3A_598 = arith.andi %shift_left3A_595, %and3A_597 : vector<32x1024xi32>
    %bitcast_convert_type3A_599 = tpu.bitcast %and3A_598 : vector<32x1024xi32> -> vector<32x1024xf32>
    %add3A_600 = arith.addf %bitcast_convert_type3A_581, %bitcast_convert_type3A_599 : vector<32x1024xf32>
    %get3A_601 = arith.constant 64 : index
    %get3A_602 = arith.constant 0 : index
    %get3A_603 = vector.load %arg4[%get3A_601, %get3A_602] : memref<96x128xi32, #tpu.memory_space<vmem>>, vector<32x128xi32>
    %lt3A_604 = arith.constant 0 : i32
    %lt3A_605 = vector.broadcast %lt3A_604 : i32 to vector<32x1024xi32>
    %lt3A_606 = arith.cmpi slt, %broadcast_in_dim3A_112, %lt3A_605 : vector<32x1024xi32>
    %add3A_607 = arith.constant 128 : i32
    %add3A_608 = vector.broadcast %add3A_607 : i32 to vector<32x1024xi32>
    %add3A_609 = arith.addi %broadcast_in_dim3A_112, %add3A_608 : vector<32x1024xi32>
    %select_n3A_610 = arith.select %lt3A_606, %add3A_609, %broadcast_in_dim3A_112 : vector<32x1024xi1>, vector<32x1024xi32>
    %reshape3A_611 = vector.shape_cast %select_n3A_610 : vector<32x1024xi32> to vector<32x1024x1xi32>
    %gather3A_612 = vector.shape_cast %reshape3A_611 : vector<32x1024x1xi32> to vector<32x1024xi32>
    %gather3A_613 = tpu.dynamic_gather %get3A_603[%gather3A_612] in [1] : vector<32x128xi32>, vector<32x1024xi32> -> vector<32x1024xi32>
    %shift_left3A_614 = arith.shli %gather3A_613, %broadcast_in_dim3A_123 : vector<32x1024xi32>
    %and3A_615 = arith.constant -65536 : i32
    %and3A_616 = vector.broadcast %and3A_615 : i32 to vector<32x1024xi32>
    %and3A_617 = arith.andi %shift_left3A_614, %and3A_616 : vector<32x1024xi32>
    %bitcast_convert_type3A_618 = tpu.bitcast %and3A_617 : vector<32x1024xi32> -> vector<32x1024xf32>
    %add3A_619 = arith.addf %add3A_600, %bitcast_convert_type3A_618 : vector<32x1024xf32>
    %max3A_620 = arith.maximumf %max3A_563, %add3A_619 : vector<32x1024xf32>
    %get3A_621 = arith.constant 0 : index
    %get3A_622 = arith.constant 0 : index
    %get3A_623 = vector.load %arg4[%get3A_621, %get3A_622] : memref<96x128xi32, #tpu.memory_space<vmem>>, vector<32x128xi32>
    %lt3A_624 = arith.constant 0 : i32
    %lt3A_625 = vector.broadcast %lt3A_624 : i32 to vector<32x1024xi32>
    %lt3A_626 = arith.cmpi slt, %broadcast_in_dim3A_94, %lt3A_625 : vector<32x1024xi32>
    %add3A_627 = arith.constant 128 : i32
    %add3A_628 = vector.broadcast %add3A_627 : i32 to vector<32x1024xi32>
    %add3A_629 = arith.addi %broadcast_in_dim3A_94, %add3A_628 : vector<32x1024xi32>
    %select_n3A_630 = arith.select %lt3A_626, %add3A_629, %broadcast_in_dim3A_94 : vector<32x1024xi1>, vector<32x1024xi32>
    %reshape3A_631 = vector.shape_cast %select_n3A_630 : vector<32x1024xi32> to vector<32x1024x1xi32>
    %gather3A_632 = vector.shape_cast %reshape3A_631 : vector<32x1024x1xi32> to vector<32x1024xi32>
    %gather3A_633 = tpu.dynamic_gather %get3A_623[%gather3A_632] in [1] : vector<32x128xi32>, vector<32x1024xi32> -> vector<32x1024xi32>
    %shift_left3A_634 = arith.shli %gather3A_633, %broadcast_in_dim3A_105 : vector<32x1024xi32>
    %and3A_635 = arith.constant -65536 : i32
    %and3A_636 = vector.broadcast %and3A_635 : i32 to vector<32x1024xi32>
    %and3A_637 = arith.andi %shift_left3A_634, %and3A_636 : vector<32x1024xi32>
    %bitcast_convert_type3A_638 = tpu.bitcast %and3A_637 : vector<32x1024xi32> -> vector<32x1024xf32>
    %get3A_639 = arith.constant 32 : index
    %get3A_640 = arith.constant 0 : index
    %get3A_641 = vector.load %arg4[%get3A_639, %get3A_640] : memref<96x128xi32, #tpu.memory_space<vmem>>, vector<32x128xi32>
    %lt3A_642 = arith.constant 0 : i32
    %lt3A_643 = vector.broadcast %lt3A_642 : i32 to vector<32x1024xi32>
    %lt3A_644 = arith.cmpi slt, %broadcast_in_dim3A_112, %lt3A_643 : vector<32x1024xi32>
    %add3A_645 = arith.constant 128 : i32
    %add3A_646 = vector.broadcast %add3A_645 : i32 to vector<32x1024xi32>
    %add3A_647 = arith.addi %broadcast_in_dim3A_112, %add3A_646 : vector<32x1024xi32>
    %select_n3A_648 = arith.select %lt3A_644, %add3A_647, %broadcast_in_dim3A_112 : vector<32x1024xi1>, vector<32x1024xi32>
    %reshape3A_649 = vector.shape_cast %select_n3A_648 : vector<32x1024xi32> to vector<32x1024x1xi32>
    %gather3A_650 = vector.shape_cast %reshape3A_649 : vector<32x1024x1xi32> to vector<32x1024xi32>
    %gather3A_651 = tpu.dynamic_gather %get3A_641[%gather3A_650] in [1] : vector<32x128xi32>, vector<32x1024xi32> -> vector<32x1024xi32>
    %shift_left3A_652 = arith.shli %gather3A_651, %broadcast_in_dim3A_123 : vector<32x1024xi32>
    %and3A_653 = arith.constant -65536 : i32
    %and3A_654 = vector.broadcast %and3A_653 : i32 to vector<32x1024xi32>
    %and3A_655 = arith.andi %shift_left3A_652, %and3A_654 : vector<32x1024xi32>
    %bitcast_convert_type3A_656 = tpu.bitcast %and3A_655 : vector<32x1024xi32> -> vector<32x1024xf32>
    %add3A_657 = arith.addf %bitcast_convert_type3A_638, %bitcast_convert_type3A_656 : vector<32x1024xf32>
    %get3A_658 = arith.constant 64 : index
    %get3A_659 = arith.constant 0 : index
    %get3A_660 = vector.load %arg4[%get3A_658, %get3A_659] : memref<96x128xi32, #tpu.memory_space<vmem>>, vector<32x128xi32>
    %lt3A_661 = arith.constant 0 : i32
    %lt3A_662 = vector.broadcast %lt3A_661 : i32 to vector<32x1024xi32>
    %lt3A_663 = arith.cmpi slt, %broadcast_in_dim3A_130, %lt3A_662 : vector<32x1024xi32>
    %add3A_664 = arith.constant 128 : i32
    %add3A_665 = vector.broadcast %add3A_664 : i32 to vector<32x1024xi32>
    %add3A_666 = arith.addi %broadcast_in_dim3A_130, %add3A_665 : vector<32x1024xi32>
    %select_n3A_667 = arith.select %lt3A_663, %add3A_666, %broadcast_in_dim3A_130 : vector<32x1024xi1>, vector<32x1024xi32>
    %reshape3A_668 = vector.shape_cast %select_n3A_667 : vector<32x1024xi32> to vector<32x1024x1xi32>
    %gather3A_669 = vector.shape_cast %reshape3A_668 : vector<32x1024x1xi32> to vector<32x1024xi32>
    %gather3A_670 = tpu.dynamic_gather %get3A_660[%gather3A_669] in [1] : vector<32x128xi32>, vector<32x1024xi32> -> vector<32x1024xi32>
    %shift_left3A_671 = arith.shli %gather3A_670, %broadcast_in_dim3A_141 : vector<32x1024xi32>
    %and3A_672 = arith.constant -65536 : i32
    %and3A_673 = vector.broadcast %and3A_672 : i32 to vector<32x1024xi32>
    %and3A_674 = arith.andi %shift_left3A_671, %and3A_673 : vector<32x1024xi32>
    %bitcast_convert_type3A_675 = tpu.bitcast %and3A_674 : vector<32x1024xi32> -> vector<32x1024xf32>
    %add3A_676 = arith.addf %add3A_657, %bitcast_convert_type3A_675 : vector<32x1024xf32>
    %max3A_677 = arith.maximumf %max3A_620, %add3A_676 : vector<32x1024xf32>
    %get3A_678 = arith.constant 0 : index
    %get3A_679 = arith.constant 0 : index
    %get3A_680 = vector.load %arg4[%get3A_678, %get3A_679] : memref<96x128xi32, #tpu.memory_space<vmem>>, vector<32x128xi32>
    %lt3A_681 = arith.constant 0 : i32
    %lt3A_682 = vector.broadcast %lt3A_681 : i32 to vector<32x1024xi32>
    %lt3A_683 = arith.cmpi slt, %broadcast_in_dim3A_112, %lt3A_682 : vector<32x1024xi32>
    %add3A_684 = arith.constant 128 : i32
    %add3A_685 = vector.broadcast %add3A_684 : i32 to vector<32x1024xi32>
    %add3A_686 = arith.addi %broadcast_in_dim3A_112, %add3A_685 : vector<32x1024xi32>
    %select_n3A_687 = arith.select %lt3A_683, %add3A_686, %broadcast_in_dim3A_112 : vector<32x1024xi1>, vector<32x1024xi32>
    %reshape3A_688 = vector.shape_cast %select_n3A_687 : vector<32x1024xi32> to vector<32x1024x1xi32>
    %gather3A_689 = vector.shape_cast %reshape3A_688 : vector<32x1024x1xi32> to vector<32x1024xi32>
    %gather3A_690 = tpu.dynamic_gather %get3A_680[%gather3A_689] in [1] : vector<32x128xi32>, vector<32x1024xi32> -> vector<32x1024xi32>
    %shift_left3A_691 = arith.shli %gather3A_690, %broadcast_in_dim3A_123 : vector<32x1024xi32>
    %and3A_692 = arith.constant -65536 : i32
    %and3A_693 = vector.broadcast %and3A_692 : i32 to vector<32x1024xi32>
    %and3A_694 = arith.andi %shift_left3A_691, %and3A_693 : vector<32x1024xi32>
    %bitcast_convert_type3A_695 = tpu.bitcast %and3A_694 : vector<32x1024xi32> -> vector<32x1024xf32>
    %get3A_696 = arith.constant 32 : index
    %get3A_697 = arith.constant 0 : index
    %get3A_698 = vector.load %arg4[%get3A_696, %get3A_697] : memref<96x128xi32, #tpu.memory_space<vmem>>, vector<32x128xi32>
    %lt3A_699 = arith.constant 0 : i32
    %lt3A_700 = vector.broadcast %lt3A_699 : i32 to vector<32x1024xi32>
    %lt3A_701 = arith.cmpi slt, %broadcast_in_dim3A_130, %lt3A_700 : vector<32x1024xi32>
    %add3A_702 = arith.constant 128 : i32
    %add3A_703 = vector.broadcast %add3A_702 : i32 to vector<32x1024xi32>
    %add3A_704 = arith.addi %broadcast_in_dim3A_130, %add3A_703 : vector<32x1024xi32>
    %select_n3A_705 = arith.select %lt3A_701, %add3A_704, %broadcast_in_dim3A_130 : vector<32x1024xi1>, vector<32x1024xi32>
    %reshape3A_706 = vector.shape_cast %select_n3A_705 : vector<32x1024xi32> to vector<32x1024x1xi32>
    %gather3A_707 = vector.shape_cast %reshape3A_706 : vector<32x1024x1xi32> to vector<32x1024xi32>
    %gather3A_708 = tpu.dynamic_gather %get3A_698[%gather3A_707] in [1] : vector<32x128xi32>, vector<32x1024xi32> -> vector<32x1024xi32>
    %shift_left3A_709 = arith.shli %gather3A_708, %broadcast_in_dim3A_141 : vector<32x1024xi32>
    %and3A_710 = arith.constant -65536 : i32
    %and3A_711 = vector.broadcast %and3A_710 : i32 to vector<32x1024xi32>
    %and3A_712 = arith.andi %shift_left3A_709, %and3A_711 : vector<32x1024xi32>
    %bitcast_convert_type3A_713 = tpu.bitcast %and3A_712 : vector<32x1024xi32> -> vector<32x1024xf32>
    %add3A_714 = arith.addf %bitcast_convert_type3A_695, %bitcast_convert_type3A_713 : vector<32x1024xf32>
    %get3A_715 = arith.constant 64 : index
    %get3A_716 = arith.constant 0 : index
    %get3A_717 = vector.load %arg4[%get3A_715, %get3A_716] : memref<96x128xi32, #tpu.memory_space<vmem>>, vector<32x128xi32>
    %lt3A_718 = arith.constant 0 : i32
    %lt3A_719 = vector.broadcast %lt3A_718 : i32 to vector<32x1024xi32>
    %lt3A_720 = arith.cmpi slt, %broadcast_in_dim3A_148, %lt3A_719 : vector<32x1024xi32>
    %add3A_721 = arith.constant 128 : i32
    %add3A_722 = vector.broadcast %add3A_721 : i32 to vector<32x1024xi32>
    %add3A_723 = arith.addi %broadcast_in_dim3A_148, %add3A_722 : vector<32x1024xi32>
    %select_n3A_724 = arith.select %lt3A_720, %add3A_723, %broadcast_in_dim3A_148 : vector<32x1024xi1>, vector<32x1024xi32>
    %reshape3A_725 = vector.shape_cast %select_n3A_724 : vector<32x1024xi32> to vector<32x1024x1xi32>
    %gather3A_726 = vector.shape_cast %reshape3A_725 : vector<32x1024x1xi32> to vector<32x1024xi32>
    %gather3A_727 = tpu.dynamic_gather %get3A_717[%gather3A_726] in [1] : vector<32x128xi32>, vector<32x1024xi32> -> vector<32x1024xi32>
    %shift_left3A_728 = arith.shli %gather3A_727, %broadcast_in_dim3A_159 : vector<32x1024xi32>
    %and3A_729 = arith.constant -65536 : i32
    %and3A_730 = vector.broadcast %and3A_729 : i32 to vector<32x1024xi32>
    %and3A_731 = arith.andi %shift_left3A_728, %and3A_730 : vector<32x1024xi32>
    %bitcast_convert_type3A_732 = tpu.bitcast %and3A_731 : vector<32x1024xi32> -> vector<32x1024xf32>
    %add3A_733 = arith.addf %add3A_714, %bitcast_convert_type3A_732 : vector<32x1024xf32>
    %max3A_734 = arith.maximumf %max3A_677, %add3A_733 : vector<32x1024xf32>
    %get3A_735 = arith.constant 0 : index
    %get3A_736 = arith.constant 0 : index
    %get3A_737 = vector.load %arg4[%get3A_735, %get3A_736] : memref<96x128xi32, #tpu.memory_space<vmem>>, vector<32x128xi32>
    %lt3A_738 = arith.constant 0 : i32
    %lt3A_739 = vector.broadcast %lt3A_738 : i32 to vector<32x1024xi32>
    %lt3A_740 = arith.cmpi slt, %broadcast_in_dim3A_130, %lt3A_739 : vector<32x1024xi32>
    %add3A_741 = arith.constant 128 : i32
    %add3A_742 = vector.broadcast %add3A_741 : i32 to vector<32x1024xi32>
    %add3A_743 = arith.addi %broadcast_in_dim3A_130, %add3A_742 : vector<32x1024xi32>
    %select_n3A_744 = arith.select %lt3A_740, %add3A_743, %broadcast_in_dim3A_130 : vector<32x1024xi1>, vector<32x1024xi32>
    %reshape3A_745 = vector.shape_cast %select_n3A_744 : vector<32x1024xi32> to vector<32x1024x1xi32>
    %gather3A_746 = vector.shape_cast %reshape3A_745 : vector<32x1024x1xi32> to vector<32x1024xi32>
    %gather3A_747 = tpu.dynamic_gather %get3A_737[%gather3A_746] in [1] : vector<32x128xi32>, vector<32x1024xi32> -> vector<32x1024xi32>
    %shift_left3A_748 = arith.shli %gather3A_747, %broadcast_in_dim3A_141 : vector<32x1024xi32>
    %and3A_749 = arith.constant -65536 : i32
    %and3A_750 = vector.broadcast %and3A_749 : i32 to vector<32x1024xi32>
    %and3A_751 = arith.andi %shift_left3A_748, %and3A_750 : vector<32x1024xi32>
    %bitcast_convert_type3A_752 = tpu.bitcast %and3A_751 : vector<32x1024xi32> -> vector<32x1024xf32>
    %get3A_753 = arith.constant 32 : index
    %get3A_754 = arith.constant 0 : index
    %get3A_755 = vector.load %arg4[%get3A_753, %get3A_754] : memref<96x128xi32, #tpu.memory_space<vmem>>, vector<32x128xi32>
    %lt3A_756 = arith.constant 0 : i32
    %lt3A_757 = vector.broadcast %lt3A_756 : i32 to vector<32x1024xi32>
    %lt3A_758 = arith.cmpi slt, %broadcast_in_dim3A_148, %lt3A_757 : vector<32x1024xi32>
    %add3A_759 = arith.constant 128 : i32
    %add3A_760 = vector.broadcast %add3A_759 : i32 to vector<32x1024xi32>
    %add3A_761 = arith.addi %broadcast_in_dim3A_148, %add3A_760 : vector<32x1024xi32>
    %select_n3A_762 = arith.select %lt3A_758, %add3A_761, %broadcast_in_dim3A_148 : vector<32x1024xi1>, vector<32x1024xi32>
    %reshape3A_763 = vector.shape_cast %select_n3A_762 : vector<32x1024xi32> to vector<32x1024x1xi32>
    %gather3A_764 = vector.shape_cast %reshape3A_763 : vector<32x1024x1xi32> to vector<32x1024xi32>
    %gather3A_765 = tpu.dynamic_gather %get3A_755[%gather3A_764] in [1] : vector<32x128xi32>, vector<32x1024xi32> -> vector<32x1024xi32>
    %shift_left3A_766 = arith.shli %gather3A_765, %broadcast_in_dim3A_159 : vector<32x1024xi32>
    %and3A_767 = arith.constant -65536 : i32
    %and3A_768 = vector.broadcast %and3A_767 : i32 to vector<32x1024xi32>
    %and3A_769 = arith.andi %shift_left3A_766, %and3A_768 : vector<32x1024xi32>
    %bitcast_convert_type3A_770 = tpu.bitcast %and3A_769 : vector<32x1024xi32> -> vector<32x1024xf32>
    %add3A_771 = arith.addf %bitcast_convert_type3A_752, %bitcast_convert_type3A_770 : vector<32x1024xf32>
    %get3A_772 = arith.constant 64 : index
    %get3A_773 = arith.constant 0 : index
    %get3A_774 = vector.load %arg4[%get3A_772, %get3A_773] : memref<96x128xi32, #tpu.memory_space<vmem>>, vector<32x128xi32>
    %lt3A_775 = arith.constant 0 : i32
    %lt3A_776 = vector.broadcast %lt3A_775 : i32 to vector<32x1024xi32>
    %lt3A_777 = arith.cmpi slt, %broadcast_in_dim3A_166, %lt3A_776 : vector<32x1024xi32>
    %add3A_778 = arith.constant 128 : i32
    %add3A_779 = vector.broadcast %add3A_778 : i32 to vector<32x1024xi32>
    %add3A_780 = arith.addi %broadcast_in_dim3A_166, %add3A_779 : vector<32x1024xi32>
    %select_n3A_781 = arith.select %lt3A_777, %add3A_780, %broadcast_in_dim3A_166 : vector<32x1024xi1>, vector<32x1024xi32>
    %reshape3A_782 = vector.shape_cast %select_n3A_781 : vector<32x1024xi32> to vector<32x1024x1xi32>
    %gather3A_783 = vector.shape_cast %reshape3A_782 : vector<32x1024x1xi32> to vector<32x1024xi32>
    %gather3A_784 = tpu.dynamic_gather %get3A_774[%gather3A_783] in [1] : vector<32x128xi32>, vector<32x1024xi32> -> vector<32x1024xi32>
    %shift_left3A_785 = arith.shli %gather3A_784, %broadcast_in_dim3A_177 : vector<32x1024xi32>
    %and3A_786 = arith.constant -65536 : i32
    %and3A_787 = vector.broadcast %and3A_786 : i32 to vector<32x1024xi32>
    %and3A_788 = arith.andi %shift_left3A_785, %and3A_787 : vector<32x1024xi32>
    %bitcast_convert_type3A_789 = tpu.bitcast %and3A_788 : vector<32x1024xi32> -> vector<32x1024xf32>
    %add3A_790 = arith.addf %add3A_771, %bitcast_convert_type3A_789 : vector<32x1024xf32>
    %max3A_791 = arith.maximumf %max3A_734, %add3A_790 : vector<32x1024xf32>
    %get3A_792 = arith.constant 0 : index
    %get3A_793 = arith.constant 0 : index
    %get3A_794 = vector.load %arg4[%get3A_792, %get3A_793] : memref<96x128xi32, #tpu.memory_space<vmem>>, vector<32x128xi32>
    %lt3A_795 = arith.constant 0 : i32
    %lt3A_796 = vector.broadcast %lt3A_795 : i32 to vector<32x1024xi32>
    %lt3A_797 = arith.cmpi slt, %broadcast_in_dim3A_148, %lt3A_796 : vector<32x1024xi32>
    %add3A_798 = arith.constant 128 : i32
    %add3A_799 = vector.broadcast %add3A_798 : i32 to vector<32x1024xi32>
    %add3A_800 = arith.addi %broadcast_in_dim3A_148, %add3A_799 : vector<32x1024xi32>
    %select_n3A_801 = arith.select %lt3A_797, %add3A_800, %broadcast_in_dim3A_148 : vector<32x1024xi1>, vector<32x1024xi32>
    %reshape3A_802 = vector.shape_cast %select_n3A_801 : vector<32x1024xi32> to vector<32x1024x1xi32>
    %gather3A_803 = vector.shape_cast %reshape3A_802 : vector<32x1024x1xi32> to vector<32x1024xi32>
    %gather3A_804 = tpu.dynamic_gather %get3A_794[%gather3A_803] in [1] : vector<32x128xi32>, vector<32x1024xi32> -> vector<32x1024xi32>
    %shift_left3A_805 = arith.shli %gather3A_804, %broadcast_in_dim3A_159 : vector<32x1024xi32>
    %and3A_806 = arith.constant -65536 : i32
    %and3A_807 = vector.broadcast %and3A_806 : i32 to vector<32x1024xi32>
    %and3A_808 = arith.andi %shift_left3A_805, %and3A_807 : vector<32x1024xi32>
    %bitcast_convert_type3A_809 = tpu.bitcast %and3A_808 : vector<32x1024xi32> -> vector<32x1024xf32>
    %get3A_810 = arith.constant 32 : index
    %get3A_811 = arith.constant 0 : index
    %get3A_812 = vector.load %arg4[%get3A_810, %get3A_811] : memref<96x128xi32, #tpu.memory_space<vmem>>, vector<32x128xi32>
    %lt3A_813 = arith.constant 0 : i32
    %lt3A_814 = vector.broadcast %lt3A_813 : i32 to vector<32x1024xi32>
    %lt3A_815 = arith.cmpi slt, %broadcast_in_dim3A_166, %lt3A_814 : vector<32x1024xi32>
    %add3A_816 = arith.constant 128 : i32
    %add3A_817 = vector.broadcast %add3A_816 : i32 to vector<32x1024xi32>
    %add3A_818 = arith.addi %broadcast_in_dim3A_166, %add3A_817 : vector<32x1024xi32>
    %select_n3A_819 = arith.select %lt3A_815, %add3A_818, %broadcast_in_dim3A_166 : vector<32x1024xi1>, vector<32x1024xi32>
    %reshape3A_820 = vector.shape_cast %select_n3A_819 : vector<32x1024xi32> to vector<32x1024x1xi32>
    %gather3A_821 = vector.shape_cast %reshape3A_820 : vector<32x1024x1xi32> to vector<32x1024xi32>
    %gather3A_822 = tpu.dynamic_gather %get3A_812[%gather3A_821] in [1] : vector<32x128xi32>, vector<32x1024xi32> -> vector<32x1024xi32>
    %shift_left3A_823 = arith.shli %gather3A_822, %broadcast_in_dim3A_177 : vector<32x1024xi32>
    %and3A_824 = arith.constant -65536 : i32
    %and3A_825 = vector.broadcast %and3A_824 : i32 to vector<32x1024xi32>
    %and3A_826 = arith.andi %shift_left3A_823, %and3A_825 : vector<32x1024xi32>
    %bitcast_convert_type3A_827 = tpu.bitcast %and3A_826 : vector<32x1024xi32> -> vector<32x1024xf32>
    %add3A_828 = arith.addf %bitcast_convert_type3A_809, %bitcast_convert_type3A_827 : vector<32x1024xf32>
    %get3A_829 = arith.constant 64 : index
    %get3A_830 = arith.constant 0 : index
    %get3A_831 = vector.load %arg4[%get3A_829, %get3A_830] : memref<96x128xi32, #tpu.memory_space<vmem>>, vector<32x128xi32>
    %lt3A_832 = arith.constant 0 : i32
    %lt3A_833 = vector.broadcast %lt3A_832 : i32 to vector<32x1024xi32>
    %lt3A_834 = arith.cmpi slt, %broadcast_in_dim3A_184, %lt3A_833 : vector<32x1024xi32>
    %add3A_835 = arith.constant 128 : i32
    %add3A_836 = vector.broadcast %add3A_835 : i32 to vector<32x1024xi32>
    %add3A_837 = arith.addi %broadcast_in_dim3A_184, %add3A_836 : vector<32x1024xi32>
    %select_n3A_838 = arith.select %lt3A_834, %add3A_837, %broadcast_in_dim3A_184 : vector<32x1024xi1>, vector<32x1024xi32>
    %reshape3A_839 = vector.shape_cast %select_n3A_838 : vector<32x1024xi32> to vector<32x1024x1xi32>
    %gather3A_840 = vector.shape_cast %reshape3A_839 : vector<32x1024x1xi32> to vector<32x1024xi32>
    %gather3A_841 = tpu.dynamic_gather %get3A_831[%gather3A_840] in [1] : vector<32x128xi32>, vector<32x1024xi32> -> vector<32x1024xi32>
    %shift_left3A_842 = arith.shli %gather3A_841, %broadcast_in_dim3A_195 : vector<32x1024xi32>
    %and3A_843 = arith.constant -65536 : i32
    %and3A_844 = vector.broadcast %and3A_843 : i32 to vector<32x1024xi32>
    %and3A_845 = arith.andi %shift_left3A_842, %and3A_844 : vector<32x1024xi32>
    %bitcast_convert_type3A_846 = tpu.bitcast %and3A_845 : vector<32x1024xi32> -> vector<32x1024xf32>
    %add3A_847 = arith.addf %add3A_828, %bitcast_convert_type3A_846 : vector<32x1024xf32>
    %max3A_848 = arith.maximumf %max3A_791, %add3A_847 : vector<32x1024xf32>
    %get3A_849 = arith.constant 0 : index
    %get3A_850 = arith.constant 0 : index
    %get3A_851 = vector.load %arg4[%get3A_849, %get3A_850] : memref<96x128xi32, #tpu.memory_space<vmem>>, vector<32x128xi32>
    %lt3A_852 = arith.constant 0 : i32
    %lt3A_853 = vector.broadcast %lt3A_852 : i32 to vector<32x1024xi32>
    %lt3A_854 = arith.cmpi slt, %broadcast_in_dim3A_166, %lt3A_853 : vector<32x1024xi32>
    %add3A_855 = arith.constant 128 : i32
    %add3A_856 = vector.broadcast %add3A_855 : i32 to vector<32x1024xi32>
    %add3A_857 = arith.addi %broadcast_in_dim3A_166, %add3A_856 : vector<32x1024xi32>
    %select_n3A_858 = arith.select %lt3A_854, %add3A_857, %broadcast_in_dim3A_166 : vector<32x1024xi1>, vector<32x1024xi32>
    %reshape3A_859 = vector.shape_cast %select_n3A_858 : vector<32x1024xi32> to vector<32x1024x1xi32>
    %gather3A_860 = vector.shape_cast %reshape3A_859 : vector<32x1024x1xi32> to vector<32x1024xi32>
    %gather3A_861 = tpu.dynamic_gather %get3A_851[%gather3A_860] in [1] : vector<32x128xi32>, vector<32x1024xi32> -> vector<32x1024xi32>
    %shift_left3A_862 = arith.shli %gather3A_861, %broadcast_in_dim3A_177 : vector<32x1024xi32>
    %and3A_863 = arith.constant -65536 : i32
    %and3A_864 = vector.broadcast %and3A_863 : i32 to vector<32x1024xi32>
    %and3A_865 = arith.andi %shift_left3A_862, %and3A_864 : vector<32x1024xi32>
    %bitcast_convert_type3A_866 = tpu.bitcast %and3A_865 : vector<32x1024xi32> -> vector<32x1024xf32>
    %get3A_867 = arith.constant 32 : index
    %get3A_868 = arith.constant 0 : index
    %get3A_869 = vector.load %arg4[%get3A_867, %get3A_868] : memref<96x128xi32, #tpu.memory_space<vmem>>, vector<32x128xi32>
    %lt3A_870 = arith.constant 0 : i32
    %lt3A_871 = vector.broadcast %lt3A_870 : i32 to vector<32x1024xi32>
    %lt3A_872 = arith.cmpi slt, %broadcast_in_dim3A_184, %lt3A_871 : vector<32x1024xi32>
    %add3A_873 = arith.constant 128 : i32
    %add3A_874 = vector.broadcast %add3A_873 : i32 to vector<32x1024xi32>
    %add3A_875 = arith.addi %broadcast_in_dim3A_184, %add3A_874 : vector<32x1024xi32>
    %select_n3A_876 = arith.select %lt3A_872, %add3A_875, %broadcast_in_dim3A_184 : vector<32x1024xi1>, vector<32x1024xi32>
    %reshape3A_877 = vector.shape_cast %select_n3A_876 : vector<32x1024xi32> to vector<32x1024x1xi32>
    %gather3A_878 = vector.shape_cast %reshape3A_877 : vector<32x1024x1xi32> to vector<32x1024xi32>
    %gather3A_879 = tpu.dynamic_gather %get3A_869[%gather3A_878] in [1] : vector<32x128xi32>, vector<32x1024xi32> -> vector<32x1024xi32>
    %shift_left3A_880 = arith.shli %gather3A_879, %broadcast_in_dim3A_195 : vector<32x1024xi32>
    %and3A_881 = arith.constant -65536 : i32
    %and3A_882 = vector.broadcast %and3A_881 : i32 to vector<32x1024xi32>
    %and3A_883 = arith.andi %shift_left3A_880, %and3A_882 : vector<32x1024xi32>
    %bitcast_convert_type3A_884 = tpu.bitcast %and3A_883 : vector<32x1024xi32> -> vector<32x1024xf32>
    %add3A_885 = arith.addf %bitcast_convert_type3A_866, %bitcast_convert_type3A_884 : vector<32x1024xf32>
    %get3A_886 = arith.constant 64 : index
    %get3A_887 = arith.constant 0 : index
    %get3A_888 = vector.load %arg4[%get3A_886, %get3A_887] : memref<96x128xi32, #tpu.memory_space<vmem>>, vector<32x128xi32>
    %lt3A_889 = arith.constant 0 : i32
    %lt3A_890 = vector.broadcast %lt3A_889 : i32 to vector<32x1024xi32>
    %lt3A_891 = arith.cmpi slt, %broadcast_in_dim3A_202, %lt3A_890 : vector<32x1024xi32>
    %add3A_892 = arith.constant 128 : i32
    %add3A_893 = vector.broadcast %add3A_892 : i32 to vector<32x1024xi32>
    %add3A_894 = arith.addi %broadcast_in_dim3A_202, %add3A_893 : vector<32x1024xi32>
    %select_n3A_895 = arith.select %lt3A_891, %add3A_894, %broadcast_in_dim3A_202 : vector<32x1024xi1>, vector<32x1024xi32>
    %reshape3A_896 = vector.shape_cast %select_n3A_895 : vector<32x1024xi32> to vector<32x1024x1xi32>
    %gather3A_897 = vector.shape_cast %reshape3A_896 : vector<32x1024x1xi32> to vector<32x1024xi32>
    %gather3A_898 = tpu.dynamic_gather %get3A_888[%gather3A_897] in [1] : vector<32x128xi32>, vector<32x1024xi32> -> vector<32x1024xi32>
    %shift_left3A_899 = arith.shli %gather3A_898, %broadcast_in_dim3A_213 : vector<32x1024xi32>
    %and3A_900 = arith.constant -65536 : i32
    %and3A_901 = vector.broadcast %and3A_900 : i32 to vector<32x1024xi32>
    %and3A_902 = arith.andi %shift_left3A_899, %and3A_901 : vector<32x1024xi32>
    %bitcast_convert_type3A_903 = tpu.bitcast %and3A_902 : vector<32x1024xi32> -> vector<32x1024xf32>
    %add3A_904 = arith.addf %add3A_885, %bitcast_convert_type3A_903 : vector<32x1024xf32>
    %max3A_905 = arith.maximumf %max3A_848, %add3A_904 : vector<32x1024xf32>
    %get3A_906 = arith.constant 0 : index
    %get3A_907 = arith.constant 0 : index
    %get3A_908 = vector.load %arg4[%get3A_906, %get3A_907] : memref<96x128xi32, #tpu.memory_space<vmem>>, vector<32x128xi32>
    %lt3A_909 = arith.constant 0 : i32
    %lt3A_910 = vector.broadcast %lt3A_909 : i32 to vector<32x1024xi32>
    %lt3A_911 = arith.cmpi slt, %broadcast_in_dim3A_184, %lt3A_910 : vector<32x1024xi32>
    %add3A_912 = arith.constant 128 : i32
    %add3A_913 = vector.broadcast %add3A_912 : i32 to vector<32x1024xi32>
    %add3A_914 = arith.addi %broadcast_in_dim3A_184, %add3A_913 : vector<32x1024xi32>
    %select_n3A_915 = arith.select %lt3A_911, %add3A_914, %broadcast_in_dim3A_184 : vector<32x1024xi1>, vector<32x1024xi32>
    %reshape3A_916 = vector.shape_cast %select_n3A_915 : vector<32x1024xi32> to vector<32x1024x1xi32>
    %gather3A_917 = vector.shape_cast %reshape3A_916 : vector<32x1024x1xi32> to vector<32x1024xi32>
    %gather3A_918 = tpu.dynamic_gather %get3A_908[%gather3A_917] in [1] : vector<32x128xi32>, vector<32x1024xi32> -> vector<32x1024xi32>
    %shift_left3A_919 = arith.shli %gather3A_918, %broadcast_in_dim3A_195 : vector<32x1024xi32>
    %and3A_920 = arith.constant -65536 : i32
    %and3A_921 = vector.broadcast %and3A_920 : i32 to vector<32x1024xi32>
    %and3A_922 = arith.andi %shift_left3A_919, %and3A_921 : vector<32x1024xi32>
    %bitcast_convert_type3A_923 = tpu.bitcast %and3A_922 : vector<32x1024xi32> -> vector<32x1024xf32>
    %get3A_924 = arith.constant 32 : index
    %get3A_925 = arith.constant 0 : index
    %get3A_926 = vector.load %arg4[%get3A_924, %get3A_925] : memref<96x128xi32, #tpu.memory_space<vmem>>, vector<32x128xi32>
    %lt3A_927 = arith.constant 0 : i32
    %lt3A_928 = vector.broadcast %lt3A_927 : i32 to vector<32x1024xi32>
    %lt3A_929 = arith.cmpi slt, %broadcast_in_dim3A_202, %lt3A_928 : vector<32x1024xi32>
    %add3A_930 = arith.constant 128 : i32
    %add3A_931 = vector.broadcast %add3A_930 : i32 to vector<32x1024xi32>
    %add3A_932 = arith.addi %broadcast_in_dim3A_202, %add3A_931 : vector<32x1024xi32>
    %select_n3A_933 = arith.select %lt3A_929, %add3A_932, %broadcast_in_dim3A_202 : vector<32x1024xi1>, vector<32x1024xi32>
    %reshape3A_934 = vector.shape_cast %select_n3A_933 : vector<32x1024xi32> to vector<32x1024x1xi32>
    %gather3A_935 = vector.shape_cast %reshape3A_934 : vector<32x1024x1xi32> to vector<32x1024xi32>
    %gather3A_936 = tpu.dynamic_gather %get3A_926[%gather3A_935] in [1] : vector<32x128xi32>, vector<32x1024xi32> -> vector<32x1024xi32>
    %shift_left3A_937 = arith.shli %gather3A_936, %broadcast_in_dim3A_213 : vector<32x1024xi32>
    %and3A_938 = arith.constant -65536 : i32
    %and3A_939 = vector.broadcast %and3A_938 : i32 to vector<32x1024xi32>
    %and3A_940 = arith.andi %shift_left3A_937, %and3A_939 : vector<32x1024xi32>
    %bitcast_convert_type3A_941 = tpu.bitcast %and3A_940 : vector<32x1024xi32> -> vector<32x1024xf32>
    %add3A_942 = arith.addf %bitcast_convert_type3A_923, %bitcast_convert_type3A_941 : vector<32x1024xf32>
    %get3A_943 = arith.constant 64 : index
    %get3A_944 = arith.constant 0 : index
    %get3A_945 = vector.load %arg4[%get3A_943, %get3A_944] : memref<96x128xi32, #tpu.memory_space<vmem>>, vector<32x128xi32>
    %lt3A_946 = arith.constant 0 : i32
    %lt3A_947 = vector.broadcast %lt3A_946 : i32 to vector<32x1024xi32>
    %lt3A_948 = arith.cmpi slt, %broadcast_in_dim3A_220, %lt3A_947 : vector<32x1024xi32>
    %add3A_949 = arith.constant 128 : i32
    %add3A_950 = vector.broadcast %add3A_949 : i32 to vector<32x1024xi32>
    %add3A_951 = arith.addi %broadcast_in_dim3A_220, %add3A_950 : vector<32x1024xi32>
    %select_n3A_952 = arith.select %lt3A_948, %add3A_951, %broadcast_in_dim3A_220 : vector<32x1024xi1>, vector<32x1024xi32>
    %reshape3A_953 = vector.shape_cast %select_n3A_952 : vector<32x1024xi32> to vector<32x1024x1xi32>
    %gather3A_954 = vector.shape_cast %reshape3A_953 : vector<32x1024x1xi32> to vector<32x1024xi32>
    %gather3A_955 = tpu.dynamic_gather %get3A_945[%gather3A_954] in [1] : vector<32x128xi32>, vector<32x1024xi32> -> vector<32x1024xi32>
    %shift_left3A_956 = arith.shli %gather3A_955, %broadcast_in_dim3A_231 : vector<32x1024xi32>
    %and3A_957 = arith.constant -65536 : i32
    %and3A_958 = vector.broadcast %and3A_957 : i32 to vector<32x1024xi32>
    %and3A_959 = arith.andi %shift_left3A_956, %and3A_958 : vector<32x1024xi32>
    %bitcast_convert_type3A_960 = tpu.bitcast %and3A_959 : vector<32x1024xi32> -> vector<32x1024xf32>
    %add3A_961 = arith.addf %add3A_942, %bitcast_convert_type3A_960 : vector<32x1024xf32>
    %max3A_962 = arith.maximumf %max3A_905, %add3A_961 : vector<32x1024xf32>
    %get3A_963 = arith.constant 0 : index
    %get3A_964 = arith.constant 0 : index
    %get3A_965 = vector.load %arg4[%get3A_963, %get3A_964] : memref<96x128xi32, #tpu.memory_space<vmem>>, vector<32x128xi32>
    %lt3A_966 = arith.constant 0 : i32
    %lt3A_967 = vector.broadcast %lt3A_966 : i32 to vector<32x1024xi32>
    %lt3A_968 = arith.cmpi slt, %broadcast_in_dim3A_202, %lt3A_967 : vector<32x1024xi32>
    %add3A_969 = arith.constant 128 : i32
    %add3A_970 = vector.broadcast %add3A_969 : i32 to vector<32x1024xi32>
    %add3A_971 = arith.addi %broadcast_in_dim3A_202, %add3A_970 : vector<32x1024xi32>
    %select_n3A_972 = arith.select %lt3A_968, %add3A_971, %broadcast_in_dim3A_202 : vector<32x1024xi1>, vector<32x1024xi32>
    %reshape3A_973 = vector.shape_cast %select_n3A_972 : vector<32x1024xi32> to vector<32x1024x1xi32>
    %gather3A_974 = vector.shape_cast %reshape3A_973 : vector<32x1024x1xi32> to vector<32x1024xi32>
    %gather3A_975 = tpu.dynamic_gather %get3A_965[%gather3A_974] in [1] : vector<32x128xi32>, vector<32x1024xi32> -> vector<32x1024xi32>
    %shift_left3A_976 = arith.shli %gather3A_975, %broadcast_in_dim3A_213 : vector<32x1024xi32>
    %and3A_977 = arith.constant -65536 : i32
    %and3A_978 = vector.broadcast %and3A_977 : i32 to vector<32x1024xi32>
    %and3A_979 = arith.andi %shift_left3A_976, %and3A_978 : vector<32x1024xi32>
    %bitcast_convert_type3A_980 = tpu.bitcast %and3A_979 : vector<32x1024xi32> -> vector<32x1024xf32>
    %get3A_981 = arith.constant 32 : index
    %get3A_982 = arith.constant 0 : index
    %get3A_983 = vector.load %arg4[%get3A_981, %get3A_982] : memref<96x128xi32, #tpu.memory_space<vmem>>, vector<32x128xi32>
    %lt3A_984 = arith.constant 0 : i32
    %lt3A_985 = vector.broadcast %lt3A_984 : i32 to vector<32x1024xi32>
    %lt3A_986 = arith.cmpi slt, %broadcast_in_dim3A_220, %lt3A_985 : vector<32x1024xi32>
    %add3A_987 = arith.constant 128 : i32
    %add3A_988 = vector.broadcast %add3A_987 : i32 to vector<32x1024xi32>
    %add3A_989 = arith.addi %broadcast_in_dim3A_220, %add3A_988 : vector<32x1024xi32>
    %select_n3A_990 = arith.select %lt3A_986, %add3A_989, %broadcast_in_dim3A_220 : vector<32x1024xi1>, vector<32x1024xi32>
    %reshape3A_991 = vector.shape_cast %select_n3A_990 : vector<32x1024xi32> to vector<32x1024x1xi32>
    %gather3A_992 = vector.shape_cast %reshape3A_991 : vector<32x1024x1xi32> to vector<32x1024xi32>
    %gather3A_993 = tpu.dynamic_gather %get3A_983[%gather3A_992] in [1] : vector<32x128xi32>, vector<32x1024xi32> -> vector<32x1024xi32>
    %shift_left3A_994 = arith.shli %gather3A_993, %broadcast_in_dim3A_231 : vector<32x1024xi32>
    %and3A_995 = arith.constant -65536 : i32
    %and3A_996 = vector.broadcast %and3A_995 : i32 to vector<32x1024xi32>
    %and3A_997 = arith.andi %shift_left3A_994, %and3A_996 : vector<32x1024xi32>
    %bitcast_convert_type3A_998 = tpu.bitcast %and3A_997 : vector<32x1024xi32> -> vector<32x1024xf32>
    %add3A_999 = arith.addf %bitcast_convert_type3A_980, %bitcast_convert_type3A_998 : vector<32x1024xf32>
    %get3A_1000 = arith.constant 64 : index
    %get3A_1001 = arith.constant 0 : index
    %get3A_1002 = vector.load %arg4[%get3A_1000, %get3A_1001] : memref<96x128xi32, #tpu.memory_space<vmem>>, vector<32x128xi32>
    %lt3A_1003 = arith.constant 0 : i32
    %lt3A_1004 = vector.broadcast %lt3A_1003 : i32 to vector<32x1024xi32>
    %lt3A_1005 = arith.cmpi slt, %broadcast_in_dim3A_238, %lt3A_1004 : vector<32x1024xi32>
    %add3A_1006 = arith.constant 128 : i32
    %add3A_1007 = vector.broadcast %add3A_1006 : i32 to vector<32x1024xi32>
    %add3A_1008 = arith.addi %broadcast_in_dim3A_238, %add3A_1007 : vector<32x1024xi32>
    %select_n3A_1009 = arith.select %lt3A_1005, %add3A_1008, %broadcast_in_dim3A_238 : vector<32x1024xi1>, vector<32x1024xi32>
    %reshape3A_1010 = vector.shape_cast %select_n3A_1009 : vector<32x1024xi32> to vector<32x1024x1xi32>
    %gather3A_1011 = vector.shape_cast %reshape3A_1010 : vector<32x1024x1xi32> to vector<32x1024xi32>
    %gather3A_1012 = tpu.dynamic_gather %get3A_1002[%gather3A_1011] in [1] : vector<32x128xi32>, vector<32x1024xi32> -> vector<32x1024xi32>
    %shift_left3A_1013 = arith.shli %gather3A_1012, %broadcast_in_dim3A_249 : vector<32x1024xi32>
    %and3A_1014 = arith.constant -65536 : i32
    %and3A_1015 = vector.broadcast %and3A_1014 : i32 to vector<32x1024xi32>
    %and3A_1016 = arith.andi %shift_left3A_1013, %and3A_1015 : vector<32x1024xi32>
    %bitcast_convert_type3A_1017 = tpu.bitcast %and3A_1016 : vector<32x1024xi32> -> vector<32x1024xf32>
    %add3A_1018 = arith.addf %add3A_999, %bitcast_convert_type3A_1017 : vector<32x1024xf32>
    %max3A_1019 = arith.maximumf %max3A_962, %add3A_1018 : vector<32x1024xf32>
    %get3A_1020 = arith.constant 0 : index
    %get3A_1021 = arith.constant 0 : index
    %get3A_1022 = vector.load %arg4[%get3A_1020, %get3A_1021] : memref<96x128xi32, #tpu.memory_space<vmem>>, vector<32x128xi32>
    %lt3A_1023 = arith.constant 0 : i32
    %lt3A_1024 = vector.broadcast %lt3A_1023 : i32 to vector<32x1024xi32>
    %lt3A_1025 = arith.cmpi slt, %broadcast_in_dim3A_220, %lt3A_1024 : vector<32x1024xi32>
    %add3A_1026 = arith.constant 128 : i32
    %add3A_1027 = vector.broadcast %add3A_1026 : i32 to vector<32x1024xi32>
    %add3A_1028 = arith.addi %broadcast_in_dim3A_220, %add3A_1027 : vector<32x1024xi32>
    %select_n3A_1029 = arith.select %lt3A_1025, %add3A_1028, %broadcast_in_dim3A_220 : vector<32x1024xi1>, vector<32x1024xi32>
    %reshape3A_1030 = vector.shape_cast %select_n3A_1029 : vector<32x1024xi32> to vector<32x1024x1xi32>
    %gather3A_1031 = vector.shape_cast %reshape3A_1030 : vector<32x1024x1xi32> to vector<32x1024xi32>
    %gather3A_1032 = tpu.dynamic_gather %get3A_1022[%gather3A_1031] in [1] : vector<32x128xi32>, vector<32x1024xi32> -> vector<32x1024xi32>
    %shift_left3A_1033 = arith.shli %gather3A_1032, %broadcast_in_dim3A_231 : vector<32x1024xi32>
    %and3A_1034 = arith.constant -65536 : i32
    %and3A_1035 = vector.broadcast %and3A_1034 : i32 to vector<32x1024xi32>
    %and3A_1036 = arith.andi %shift_left3A_1033, %and3A_1035 : vector<32x1024xi32>
    %bitcast_convert_type3A_1037 = tpu.bitcast %and3A_1036 : vector<32x1024xi32> -> vector<32x1024xf32>
    %get3A_1038 = arith.constant 32 : index
    %get3A_1039 = arith.constant 0 : index
    %get3A_1040 = vector.load %arg4[%get3A_1038, %get3A_1039] : memref<96x128xi32, #tpu.memory_space<vmem>>, vector<32x128xi32>
    %lt3A_1041 = arith.constant 0 : i32
    %lt3A_1042 = vector.broadcast %lt3A_1041 : i32 to vector<32x1024xi32>
    %lt3A_1043 = arith.cmpi slt, %broadcast_in_dim3A_238, %lt3A_1042 : vector<32x1024xi32>
    %add3A_1044 = arith.constant 128 : i32
    %add3A_1045 = vector.broadcast %add3A_1044 : i32 to vector<32x1024xi32>
    %add3A_1046 = arith.addi %broadcast_in_dim3A_238, %add3A_1045 : vector<32x1024xi32>
    %select_n3A_1047 = arith.select %lt3A_1043, %add3A_1046, %broadcast_in_dim3A_238 : vector<32x1024xi1>, vector<32x1024xi32>
    %reshape3A_1048 = vector.shape_cast %select_n3A_1047 : vector<32x1024xi32> to vector<32x1024x1xi32>
    %gather3A_1049 = vector.shape_cast %reshape3A_1048 : vector<32x1024x1xi32> to vector<32x1024xi32>
    %gather3A_1050 = tpu.dynamic_gather %get3A_1040[%gather3A_1049] in [1] : vector<32x128xi32>, vector<32x1024xi32> -> vector<32x1024xi32>
    %shift_left3A_1051 = arith.shli %gather3A_1050, %broadcast_in_dim3A_249 : vector<32x1024xi32>
    %and3A_1052 = arith.constant -65536 : i32
    %and3A_1053 = vector.broadcast %and3A_1052 : i32 to vector<32x1024xi32>
    %and3A_1054 = arith.andi %shift_left3A_1051, %and3A_1053 : vector<32x1024xi32>
    %bitcast_convert_type3A_1055 = tpu.bitcast %and3A_1054 : vector<32x1024xi32> -> vector<32x1024xf32>
    %add3A_1056 = arith.addf %bitcast_convert_type3A_1037, %bitcast_convert_type3A_1055 : vector<32x1024xf32>
    %get3A_1057 = arith.constant 64 : index
    %get3A_1058 = arith.constant 0 : index
    %get3A_1059 = vector.load %arg4[%get3A_1057, %get3A_1058] : memref<96x128xi32, #tpu.memory_space<vmem>>, vector<32x128xi32>
    %lt3A_1060 = arith.constant 0 : i32
    %lt3A_1061 = vector.broadcast %lt3A_1060 : i32 to vector<32x1024xi32>
    %lt3A_1062 = arith.cmpi slt, %broadcast_in_dim3A_256, %lt3A_1061 : vector<32x1024xi32>
    %add3A_1063 = arith.constant 128 : i32
    %add3A_1064 = vector.broadcast %add3A_1063 : i32 to vector<32x1024xi32>
    %add3A_1065 = arith.addi %broadcast_in_dim3A_256, %add3A_1064 : vector<32x1024xi32>
    %select_n3A_1066 = arith.select %lt3A_1062, %add3A_1065, %broadcast_in_dim3A_256 : vector<32x1024xi1>, vector<32x1024xi32>
    %reshape3A_1067 = vector.shape_cast %select_n3A_1066 : vector<32x1024xi32> to vector<32x1024x1xi32>
    %gather3A_1068 = vector.shape_cast %reshape3A_1067 : vector<32x1024x1xi32> to vector<32x1024xi32>
    %gather3A_1069 = tpu.dynamic_gather %get3A_1059[%gather3A_1068] in [1] : vector<32x128xi32>, vector<32x1024xi32> -> vector<32x1024xi32>
    %shift_left3A_1070 = arith.shli %gather3A_1069, %broadcast_in_dim3A_267 : vector<32x1024xi32>
    %and3A_1071 = arith.constant -65536 : i32
    %and3A_1072 = vector.broadcast %and3A_1071 : i32 to vector<32x1024xi32>
    %and3A_1073 = arith.andi %shift_left3A_1070, %and3A_1072 : vector<32x1024xi32>
    %bitcast_convert_type3A_1074 = tpu.bitcast %and3A_1073 : vector<32x1024xi32> -> vector<32x1024xf32>
    %add3A_1075 = arith.addf %add3A_1056, %bitcast_convert_type3A_1074 : vector<32x1024xf32>
    %max3A_1076 = arith.maximumf %max3A_1019, %add3A_1075 : vector<32x1024xf32>
    %get3A_1077 = arith.constant 0 : index
    %get3A_1078 = arith.constant 0 : index
    %get3A_1079 = vector.load %arg4[%get3A_1077, %get3A_1078] : memref<96x128xi32, #tpu.memory_space<vmem>>, vector<32x128xi32>
    %lt3A_1080 = arith.constant 0 : i32
    %lt3A_1081 = vector.broadcast %lt3A_1080 : i32 to vector<32x1024xi32>
    %lt3A_1082 = arith.cmpi slt, %broadcast_in_dim3A_238, %lt3A_1081 : vector<32x1024xi32>
    %add3A_1083 = arith.constant 128 : i32
    %add3A_1084 = vector.broadcast %add3A_1083 : i32 to vector<32x1024xi32>
    %add3A_1085 = arith.addi %broadcast_in_dim3A_238, %add3A_1084 : vector<32x1024xi32>
    %select_n3A_1086 = arith.select %lt3A_1082, %add3A_1085, %broadcast_in_dim3A_238 : vector<32x1024xi1>, vector<32x1024xi32>
    %reshape3A_1087 = vector.shape_cast %select_n3A_1086 : vector<32x1024xi32> to vector<32x1024x1xi32>
    %gather3A_1088 = vector.shape_cast %reshape3A_1087 : vector<32x1024x1xi32> to vector<32x1024xi32>
    %gather3A_1089 = tpu.dynamic_gather %get3A_1079[%gather3A_1088] in [1] : vector<32x128xi32>, vector<32x1024xi32> -> vector<32x1024xi32>
    %shift_left3A_1090 = arith.shli %gather3A_1089, %broadcast_in_dim3A_249 : vector<32x1024xi32>
    %and3A_1091 = arith.constant -65536 : i32
    %and3A_1092 = vector.broadcast %and3A_1091 : i32 to vector<32x1024xi32>
    %and3A_1093 = arith.andi %shift_left3A_1090, %and3A_1092 : vector<32x1024xi32>
    %bitcast_convert_type3A_1094 = tpu.bitcast %and3A_1093 : vector<32x1024xi32> -> vector<32x1024xf32>
    %get3A_1095 = arith.constant 32 : index
    %get3A_1096 = arith.constant 0 : index
    %get3A_1097 = vector.load %arg4[%get3A_1095, %get3A_1096] : memref<96x128xi32, #tpu.memory_space<vmem>>, vector<32x128xi32>
    %lt3A_1098 = arith.constant 0 : i32
    %lt3A_1099 = vector.broadcast %lt3A_1098 : i32 to vector<32x1024xi32>
    %lt3A_1100 = arith.cmpi slt, %broadcast_in_dim3A_256, %lt3A_1099 : vector<32x1024xi32>
    %add3A_1101 = arith.constant 128 : i32
    %add3A_1102 = vector.broadcast %add3A_1101 : i32 to vector<32x1024xi32>
    %add3A_1103 = arith.addi %broadcast_in_dim3A_256, %add3A_1102 : vector<32x1024xi32>
    %select_n3A_1104 = arith.select %lt3A_1100, %add3A_1103, %broadcast_in_dim3A_256 : vector<32x1024xi1>, vector<32x1024xi32>
    %reshape3A_1105 = vector.shape_cast %select_n3A_1104 : vector<32x1024xi32> to vector<32x1024x1xi32>
    %gather3A_1106 = vector.shape_cast %reshape3A_1105 : vector<32x1024x1xi32> to vector<32x1024xi32>
    %gather3A_1107 = tpu.dynamic_gather %get3A_1097[%gather3A_1106] in [1] : vector<32x128xi32>, vector<32x1024xi32> -> vector<32x1024xi32>
    %shift_left3A_1108 = arith.shli %gather3A_1107, %broadcast_in_dim3A_267 : vector<32x1024xi32>
    %and3A_1109 = arith.constant -65536 : i32
    %and3A_1110 = vector.broadcast %and3A_1109 : i32 to vector<32x1024xi32>
    %and3A_1111 = arith.andi %shift_left3A_1108, %and3A_1110 : vector<32x1024xi32>
    %bitcast_convert_type3A_1112 = tpu.bitcast %and3A_1111 : vector<32x1024xi32> -> vector<32x1024xf32>
    %add3A_1113 = arith.addf %bitcast_convert_type3A_1094, %bitcast_convert_type3A_1112 : vector<32x1024xf32>
    %get3A_1114 = arith.constant 64 : index
    %get3A_1115 = arith.constant 0 : index
    %get3A_1116 = vector.load %arg4[%get3A_1114, %get3A_1115] : memref<96x128xi32, #tpu.memory_space<vmem>>, vector<32x128xi32>
    %lt3A_1117 = arith.constant 0 : i32
    %lt3A_1118 = vector.broadcast %lt3A_1117 : i32 to vector<32x1024xi32>
    %lt3A_1119 = arith.cmpi slt, %broadcast_in_dim3A_274, %lt3A_1118 : vector<32x1024xi32>
    %add3A_1120 = arith.constant 128 : i32
    %add3A_1121 = vector.broadcast %add3A_1120 : i32 to vector<32x1024xi32>
    %add3A_1122 = arith.addi %broadcast_in_dim3A_274, %add3A_1121 : vector<32x1024xi32>
    %select_n3A_1123 = arith.select %lt3A_1119, %add3A_1122, %broadcast_in_dim3A_274 : vector<32x1024xi1>, vector<32x1024xi32>
    %reshape3A_1124 = vector.shape_cast %select_n3A_1123 : vector<32x1024xi32> to vector<32x1024x1xi32>
    %gather3A_1125 = vector.shape_cast %reshape3A_1124 : vector<32x1024x1xi32> to vector<32x1024xi32>
    %gather3A_1126 = tpu.dynamic_gather %get3A_1116[%gather3A_1125] in [1] : vector<32x128xi32>, vector<32x1024xi32> -> vector<32x1024xi32>
    %shift_left3A_1127 = arith.shli %gather3A_1126, %broadcast_in_dim3A_285 : vector<32x1024xi32>
    %and3A_1128 = arith.constant -65536 : i32
    %and3A_1129 = vector.broadcast %and3A_1128 : i32 to vector<32x1024xi32>
    %and3A_1130 = arith.andi %shift_left3A_1127, %and3A_1129 : vector<32x1024xi32>
    %bitcast_convert_type3A_1131 = tpu.bitcast %and3A_1130 : vector<32x1024xi32> -> vector<32x1024xf32>
    %add3A_1132 = arith.addf %add3A_1113, %bitcast_convert_type3A_1131 : vector<32x1024xf32>
    %max3A_1133 = arith.maximumf %max3A_1076, %add3A_1132 : vector<32x1024xf32>
    %get3A_1134 = arith.constant 0 : index
    %get3A_1135 = arith.constant 0 : index
    %get3A_1136 = vector.load %arg4[%get3A_1134, %get3A_1135] : memref<96x128xi32, #tpu.memory_space<vmem>>, vector<32x128xi32>
    %lt3A_1137 = arith.constant 0 : i32
    %lt3A_1138 = vector.broadcast %lt3A_1137 : i32 to vector<32x1024xi32>
    %lt3A_1139 = arith.cmpi slt, %broadcast_in_dim3A_256, %lt3A_1138 : vector<32x1024xi32>
    %add3A_1140 = arith.constant 128 : i32
    %add3A_1141 = vector.broadcast %add3A_1140 : i32 to vector<32x1024xi32>
    %add3A_1142 = arith.addi %broadcast_in_dim3A_256, %add3A_1141 : vector<32x1024xi32>
    %select_n3A_1143 = arith.select %lt3A_1139, %add3A_1142, %broadcast_in_dim3A_256 : vector<32x1024xi1>, vector<32x1024xi32>
    %reshape3A_1144 = vector.shape_cast %select_n3A_1143 : vector<32x1024xi32> to vector<32x1024x1xi32>
    %gather3A_1145 = vector.shape_cast %reshape3A_1144 : vector<32x1024x1xi32> to vector<32x1024xi32>
    %gather3A_1146 = tpu.dynamic_gather %get3A_1136[%gather3A_1145] in [1] : vector<32x128xi32>, vector<32x1024xi32> -> vector<32x1024xi32>
    %shift_left3A_1147 = arith.shli %gather3A_1146, %broadcast_in_dim3A_267 : vector<32x1024xi32>
    %and3A_1148 = arith.constant -65536 : i32
    %and3A_1149 = vector.broadcast %and3A_1148 : i32 to vector<32x1024xi32>
    %and3A_1150 = arith.andi %shift_left3A_1147, %and3A_1149 : vector<32x1024xi32>
    %bitcast_convert_type3A_1151 = tpu.bitcast %and3A_1150 : vector<32x1024xi32> -> vector<32x1024xf32>
    %get3A_1152 = arith.constant 32 : index
    %get3A_1153 = arith.constant 0 : index
    %get3A_1154 = vector.load %arg4[%get3A_1152, %get3A_1153] : memref<96x128xi32, #tpu.memory_space<vmem>>, vector<32x128xi32>
    %lt3A_1155 = arith.constant 0 : i32
    %lt3A_1156 = vector.broadcast %lt3A_1155 : i32 to vector<32x1024xi32>
    %lt3A_1157 = arith.cmpi slt, %broadcast_in_dim3A_274, %lt3A_1156 : vector<32x1024xi32>
    %add3A_1158 = arith.constant 128 : i32
    %add3A_1159 = vector.broadcast %add3A_1158 : i32 to vector<32x1024xi32>
    %add3A_1160 = arith.addi %broadcast_in_dim3A_274, %add3A_1159 : vector<32x1024xi32>
    %select_n3A_1161 = arith.select %lt3A_1157, %add3A_1160, %broadcast_in_dim3A_274 : vector<32x1024xi1>, vector<32x1024xi32>
    %reshape3A_1162 = vector.shape_cast %select_n3A_1161 : vector<32x1024xi32> to vector<32x1024x1xi32>
    %gather3A_1163 = vector.shape_cast %reshape3A_1162 : vector<32x1024x1xi32> to vector<32x1024xi32>
    %gather3A_1164 = tpu.dynamic_gather %get3A_1154[%gather3A_1163] in [1] : vector<32x128xi32>, vector<32x1024xi32> -> vector<32x1024xi32>
    %shift_left3A_1165 = arith.shli %gather3A_1164, %broadcast_in_dim3A_285 : vector<32x1024xi32>
    %and3A_1166 = arith.constant -65536 : i32
    %and3A_1167 = vector.broadcast %and3A_1166 : i32 to vector<32x1024xi32>
    %and3A_1168 = arith.andi %shift_left3A_1165, %and3A_1167 : vector<32x1024xi32>
    %bitcast_convert_type3A_1169 = tpu.bitcast %and3A_1168 : vector<32x1024xi32> -> vector<32x1024xf32>
    %add3A_1170 = arith.addf %bitcast_convert_type3A_1151, %bitcast_convert_type3A_1169 : vector<32x1024xf32>
    %max3A_1171 = arith.maximumf %max3A_1133, %add3A_1170 : vector<32x1024xf32>
    %get3A_1172 = arith.constant 0 : index
    %get3A_1173 = arith.constant 0 : index
    %get3A_1174 = vector.load %arg4[%get3A_1172, %get3A_1173] : memref<96x128xi32, #tpu.memory_space<vmem>>, vector<32x128xi32>
    %lt3A_1175 = arith.constant 0 : i32
    %lt3A_1176 = vector.broadcast %lt3A_1175 : i32 to vector<32x1024xi32>
    %lt3A_1177 = arith.cmpi slt, %broadcast_in_dim3A_274, %lt3A_1176 : vector<32x1024xi32>
    %add3A_1178 = arith.constant 128 : i32
    %add3A_1179 = vector.broadcast %add3A_1178 : i32 to vector<32x1024xi32>
    %add3A_1180 = arith.addi %broadcast_in_dim3A_274, %add3A_1179 : vector<32x1024xi32>
    %select_n3A_1181 = arith.select %lt3A_1177, %add3A_1180, %broadcast_in_dim3A_274 : vector<32x1024xi1>, vector<32x1024xi32>
    %reshape3A_1182 = vector.shape_cast %select_n3A_1181 : vector<32x1024xi32> to vector<32x1024x1xi32>
    %gather3A_1183 = vector.shape_cast %reshape3A_1182 : vector<32x1024x1xi32> to vector<32x1024xi32>
    %gather3A_1184 = tpu.dynamic_gather %get3A_1174[%gather3A_1183] in [1] : vector<32x128xi32>, vector<32x1024xi32> -> vector<32x1024xi32>
    %shift_left3A_1185 = arith.shli %gather3A_1184, %broadcast_in_dim3A_285 : vector<32x1024xi32>
    %and3A_1186 = arith.constant -65536 : i32
    %and3A_1187 = vector.broadcast %and3A_1186 : i32 to vector<32x1024xi32>
    %and3A_1188 = arith.andi %shift_left3A_1185, %and3A_1187 : vector<32x1024xi32>
    %bitcast_convert_type3A_1189 = tpu.bitcast %and3A_1188 : vector<32x1024xi32> -> vector<32x1024xf32>
    %max3A_1190 = arith.maximumf %max3A_1171, %bitcast_convert_type3A_1189 : vector<32x1024xf32>
    %transpose3A = tpu.transpose %max3A_1190, [1, 0] : vector<32x1024xf32> -> vector<1024x32xf32>
    %get3A_1191 = arith.constant 0 : index
    %get3A_1192 = arith.constant 0 : index
    %get3A_1193 = vector.load %arg5[%get3A_1191, %get3A_1192] : memref<1x32xf32, #tpu.memory_space<vmem>>, vector<1x32xf32>
    %add3A_1194 = vector.broadcast %get3A_1193 : vector<1x32xf32> to vector<1024x32xf32>
    %add3A_1195 = arith.addf %transpose3A, %add3A_1194 : vector<1024x32xf32>
    %tanh3A = math.tanh %add3A_1195 : vector<1024x32xf32>
    %get3A_1196 = arith.constant 0 : index
    %get3A_1197 = arith.constant 0 : index
    %get3A_1198 = arith.constant 0 : index
    %get3A_1199 = vector.load %arg3[%get3A_1196, %get3A_1197, %get3A_1198] : memref<1x1x1024xi32, #tpu.memory_space<vmem>>, vector<1x1x1024xi32>
    %get3A_1200 = vector.shape_cast %get3A_1199 : vector<1x1x1024xi32> to vector<1024xi32>
    %broadcast_in_dim3A_1201 = vector.shape_cast %get3A_1200 : vector<1024xi32> to vector<1024x1xi32>
    %iota3A = tpu.iota {dimensions = array<i32: 1>} : vector<1024x64xi32>
    %eq3A = vector.broadcast %broadcast_in_dim3A_1201 : vector<1024x1xi32> to vector<1024x64xi32>
    %eq3A_1202 = arith.cmpi eq, %eq3A, %iota3A : vector<1024x64xi32>
    %convert_element_type3A = arith.extui %eq3A_1202 : vector<1024x64xi1> to vector<1024x64xi32>
    %convert_element_type3A_1203 = arith.sitofp %convert_element_type3A : vector<1024x64xi32> to vector<1024x64xf32>
    %get3A_1204 = arith.constant 0 : index
    %get3A_1205 = arith.constant 0 : index
    %get3A_1206 = vector.load %arg6[%get3A_1204, %get3A_1205] : memref<64x32xf32, #tpu.memory_space<vmem>>, vector<64x32xf32>
    %dot_general3A = arith.constant dense<0.000000e+00> : vector<1024x32xf32>
    %dot_general3A_1207 = tpu.matmul %convert_element_type3A_1203, %get3A_1206, %dot_general3A {dimension_numbers = #tpu.dot_dimension_numbers<[1], [0], [0], [1], [0, 0, 1, 1], [], []>, transpose_lhs_hint = false} : vector<1024x64xf32>, vector<64x32xf32>, vector<1024x32xf32> -> vector<1024x32xf32>
    %iota3A_1208 = tpu.iota {dimensions = array<i32: 0>} : vector<1024x50xi32>
    %mul3A = arith.constant 1024 : i32
    %mul3A_1209 = arith.muli %arg0, %mul3A : i32
    %add3A_1210 = vector.broadcast %mul3A_1209 : i32 to vector<1024x50xi32>
    %add3A_1211 = arith.addi %iota3A_1208, %add3A_1210 : vector<1024x50xi32>
    %jit3A_1212 = arith.constant 50 : i32
    %eq3A_1213 = arith.constant 0 : i32
    %eq3A_1214 = arith.cmpi eq, %jit3A_1212, %eq3A_1213 : i32
    %jit3A_1215 = arith.constant 1 : i32
    %select_n3A_1216 = arith.select %eq3A_1214, %jit3A_1215, %jit3A_1212 : i32
    %rem3A = vector.broadcast %select_n3A_1216 : i32 to vector<1024x50xi32>
    %rem3A_1217 = arith.remsi %add3A_1211, %rem3A : vector<1024x50xi32>
    %ne3A = arith.constant 0 : i32
    %ne3A_1218 = vector.broadcast %ne3A : i32 to vector<1024x50xi32>
    %ne3A_1219 = arith.cmpi ne, %rem3A_1217, %ne3A_1218 : vector<1024x50xi32>
    %lt3A_1220 = arith.constant 0 : i32
    %lt3A_1221 = vector.broadcast %lt3A_1220 : i32 to vector<1024x50xi32>
    %lt3A_1222 = arith.cmpi slt, %rem3A_1217, %lt3A_1221 : vector<1024x50xi32>
    %lt3A_1223 = arith.constant 0 : i32
    %lt3A_1224 = arith.cmpi slt, %select_n3A_1216, %lt3A_1223 : i32
    %ne3A_1225 = vector.broadcast %lt3A_1224 : i1 to vector<1024x50xi1>
    %ne3A_1226 = vector.broadcast %ne3A_1225 : vector<1024x50xi1> to vector<1024x50xi1>
    %ne3A_1227 = arith.xori %lt3A_1222, %ne3A_1226 : vector<1024x50xi1>
    %and3A_1228 = arith.andi %ne3A_1227, %ne3A_1219 : vector<1024x50xi1>
    %add3A_1229 = vector.broadcast %select_n3A_1216 : i32 to vector<1024x50xi32>
    %add3A_1230 = arith.addi %rem3A_1217, %add3A_1229 : vector<1024x50xi32>
    %select_n3A_1231 = arith.select %and3A_1228, %add3A_1230, %rem3A_1217 : vector<1024x50xi1>, vector<1024x50xi32>
    %iota3A_1232 = tpu.iota {dimensions = array<i32: 1>} : vector<1024x50xi32>
    %eq3A_1233 = arith.cmpi eq, %select_n3A_1231, %iota3A_1232 : vector<1024x50xi32>
    %convert_element_type3A_1234 = arith.extui %eq3A_1233 : vector<1024x50xi1> to vector<1024x50xi32>
    %convert_element_type3A_1235 = arith.sitofp %convert_element_type3A_1234 : vector<1024x50xi32> to vector<1024x50xf32>
    %get3A_1236 = arith.constant 0 : index
    %get3A_1237 = arith.constant 0 : index
    %get3A_1238 = vector.load %arg7[%get3A_1236, %get3A_1237] : memref<50x50xf32, #tpu.memory_space<vmem>>, vector<50x50xf32>
    %dot_general3A_1239 = arith.constant dense<0.000000e+00> : vector<1024x50xf32>
    %dot_general3A_1240 = tpu.matmul %convert_element_type3A_1235, %get3A_1238, %dot_general3A_1239 {dimension_numbers = #tpu.dot_dimension_numbers<[1], [0], [0], [1], [0, 0, 1, 1], [], []>, transpose_lhs_hint = false} : vector<1024x50xf32>, vector<50x50xf32>, vector<1024x50xf32> -> vector<1024x50xf32>
    %get3A_1241 = arith.constant 0 : index
    %get3A_1242 = arith.constant 0 : index
    %get3A_1243 = vector.load %arg1[%get3A_1241, %get3A_1242] : memref<1024x128xf32, #tpu.memory_space<vmem>>, vector<1024x128xf32>
    %swap3A = arith.constant 0 : index
    %swap3A_1244 = arith.constant 0 : index
    %swap3A_1245 = vector.load %arg8[%swap3A, %swap3A_1244] : memref<1024x242xf32, #tpu.memory_space<vmem>>, vector<1024x128xf32>
    tpu.vector_store %arg8[%swap3A, %swap3A_1244], %get3A_1243 {strides = array<i32>} : memref<1024x242xf32, #tpu.memory_space<vmem>>, vector<1024x128xf32>,
    %swap3A_1246 = arith.constant 0 : index
    %swap3A_1247 = arith.constant 128 : index
    %swap3A_1248 = vector.load %arg8[%swap3A_1246, %swap3A_1247] : memref<1024x242xf32, #tpu.memory_space<vmem>>, vector<1024x32xf32>
    tpu.vector_store %arg8[%swap3A_1246, %swap3A_1247], %tanh3A {strides = array<i32>} : memref<1024x242xf32, #tpu.memory_space<vmem>>, vector<1024x32xf32>,
    %swap3A_1249 = arith.constant 0 : index
    %swap3A_1250 = arith.constant 160 : index
    %swap3A_1251 = vector.load %arg8[%swap3A_1249, %swap3A_1250] : memref<1024x242xf32, #tpu.memory_space<vmem>>, vector<1024x32xf32>
    tpu.vector_store %arg8[%swap3A_1249, %swap3A_1250], %dot_general3A_1207 {strides = array<i32>} : memref<1024x242xf32, #tpu.memory_space<vmem>>, vector<1024x32xf32>,
    %swap3A_1252 = arith.constant 0 : index
    %swap3A_1253 = arith.constant 192 : index
    %swap3A_1254 = vector.load %arg8[%swap3A_1252, %swap3A_1253] : memref<1024x242xf32, #tpu.memory_space<vmem>>, vector<1024x50xf32>
    tpu.vector_store %arg8[%swap3A_1252, %swap3A_1253], %dot_general3A_1240 {strides = array<i32>} : memref<1024x242xf32, #tpu.memory_space<vmem>>, vector<1024x50xf32>,
    return
  }
  func.func @transform_0(%arg0: i32) -> (i32, i32) {
    %c0_i32 = arith.constant 0 : i32
    %c0_i32_0 = arith.constant 0 : i32
    return %arg0, %c0_i32 : i32, i32
  }
  func.func @transform_1(%arg0: i32) -> (i32, i32, i32) {
    %c0_i32 = arith.constant 0 : i32
    %c0_i32_0 = arith.constant 0 : i32
    %c0_i32_1 = arith.constant 0 : i32
    return %arg0, %c0_i32, %c0_i32_0 : i32, i32, i32
  }
  func.func @transform_2(%arg0: i32) -> (i32, i32, i32) {
    %c0_i32 = arith.constant 0 : i32
    %c0_i32_0 = arith.constant 0 : i32
    %c0_i32_1 = arith.constant 0 : i32
    return %arg0, %c0_i32, %c0_i32_0 : i32, i32, i32
  }
  func.func @transform_3(%arg0: i32) -> (i32, i32) {
    %c0_i32 = arith.constant 0 : i32
    %c0_i32_0 = arith.constant 0 : i32
    %c0_i32_1 = arith.constant 0 : i32
    return %c0_i32, %c0_i32_0 : i32, i32
  }
  func.func @transform_4(%arg0: i32) -> (i32, i32) {
    %c0_i32 = arith.constant 0 : i32
    %c0_i32_0 = arith.constant 0 : i32
    %c0_i32_1 = arith.constant 0 : i32
    return %c0_i32, %c0_i32_0 : i32, i32
  }
  func.func @transform_5(%arg0: i32) -> (i32, i32) {
    %c0_i32 = arith.constant 0 : i32
    %c0_i32_0 = arith.constant 0 : i32
    %c0_i32_1 = arith.constant 0 : i32
    return %c0_i32, %c0_i32_0 : i32, i32
  }
  func.func @transform_6(%arg0: i32) -> (i32, i32) {
    %c0_i32 = arith.constant 0 : i32
    %c0_i32_0 = arith.constant 0 : i32
    %c0_i32_1 = arith.constant 0 : i32
    return %c0_i32, %c0_i32_0 : i32, i32
  }
  func.func @transform_7(%arg0: i32) -> (i32, i32) {
    %c0_i32 = arith.constant 0 : i32
    %c0_i32_0 = arith.constant 0 : i32
    return %arg0, %c0_i32 : i32, i32
  }
}

</mosaic_0001>

<sc_bundles>
// kernel: kernel.4.cloned.1.call-start
scs
__scs_entry_jumppad:
0x0: {  	(pc) =	sbr.rel $0x88, $3  }
0x1: {  	(tag) =	ssettag $0x0;
	lr =	simm.s32 $0x1  }
0x2: {  	[smem:$0x3F98] =	sst lr;
	_ =	strace $0xD0000000  }
0x3: {  	_ = 	snop  }
0x4: {  	_ = 	snop  }
0x5: {  	_ = 	snop  }
0x6: {  	_ = 	snop  }
0x7: {  	_ = 	snop  }
__scs_overlays_trampoline_lowered:
0x8: {  	[smem:$0x3FA7] =	sst s0  }
0x9: {  	[smem:$0x3FA8] =	sst s1  }
0xa: {  	[smem:$0x3FA9] =	sst s2  }
0xb: {  	[smem:$0x3FAA] =	sst s3  }
0xc: {  	[smem:$0x3FAB] =	sst s4  }
0xd: {  	[smem:$0x3FAC] =	sst s5  }
0xe: {  	[smem:$0x3FAD] =	sst s6  }
0xf: {  	[smem:$0x3FAE] =	sst s7  }
0x10: {  	[smem:$0x3FAF] =	sst s8  }
0x11: {  	[smem:$0x3FB0] =	sst s9;
	s0 =	simm.s32 @!p0 $0x0  }
0x12: {  	s1 =	sld [smem:$0x3F96];
	s0 =	simm.s32 @p0 $0x1  }
0x13: {  	[smem:$0x3FB1] =	sst s0;
	s0 =	simm.s32 @!p1 $0x0  }
0x14: {  	s2 =	sld [smem:$0x3F95];
	s0 =	simm.s32 @p1 $0x1  }
0x15: {  	[smem:$0x3FB2] =	sst s0;
	s0 =	simm.s32 @!p2 $0x0  }
0x16: {  	s3 =	sld [smem:$0x3FDB];
	s0 =	simm.s32 @p2 $0x1  }
0x17: {  	s4 =	simm.s32 $0x1BF5;
	[smem:$0x3FB4] =	sst s0  }
0x18: {  	s0 =	sld [smem:$0x3F97];
	_ =	swait.ge [sflag:s4], $0x0  }
0x19: {  	s7 =	sld [smem:$0x3F98]  }
0x1a: {  	s8 =	sadd.s32 $0xFFFFE003, lr  }
0x1b: {  	s9 =	sadd.s32 $0xFFFFFEF7, lr;
	s5 =	simm.s32 $0xFFFFFFFF;
	p2 =	slt.u32 s8, $0xFFFFF086  }
0x1c: {  	p1 =	slt.u32 s9, $0xF7A;
	s5 =	simm.s32 @!p2 $0x0  }
0x1d: {  	s5 =	simm.s32 @p1 $0x1;
	p0 =	seq.s32 s7, s2  }
0x1e: {  	s7 =	smul.u32 @!p0 $0xF7A, s2;
	p2 =	seq.s32 @!p0 s5, $0x0  }
0x1f: {  	s9 =	smul.u32 $0xF7A, s1;
	s8 =	simm.s32 @!p0 $0x1BF5;
	p2 =	por !p2, p0  }
0x20: {  	[sflag:s8] =	ssyncset.s32 @!p0 $0xFFFFF086;
	s6 =	sadd.s32 @!p0 s3, s7;
	s7 =	simm.s32 @!p0 $0x108  }
0x21: {  	s3 =	sadd.s32 s3, s9;
	s6 =	sadd.s32 @!p0 $0x88, s6;
	s7 =	simm.s32 @p2 $0x1082  }
0x22: {  	[simem:s7], [sflag:s8] =	dma.local @!p0 [hbm:s6], $0xF7A  }
0x23: {  	s9 =	sor.u32 $0xD0000000, s2;
	s6 =	simm.s32 $0x108;
	_ =	swait.ge @!p0 [sflag:s8], $0x0  }
0x24: {  	s3 =	sadd.s32 $0x88, s3;
	s6 =	simm.s32 @!p1 $0x1082;
	[sflag:s4] =	ssyncset.s32 $0xFFFFF086  }
0x25: {  	[simem:s6], [sflag:s4] =	dma.local [hbm:s3], $0xF7A  }
0x26: {  	[smem:$0x3F98] =	sst s1;
	(tag) =	ssettag s2;
	_ =	strace s9  }
0x27: {  	s1 =	sld [smem:$0x3FA8]  }
0x28: {  	s2 =	sld [smem:$0x3FA9]  }
0x29: {  	s4 =	sld [smem:$0x3FAB]  }
0x2a: {  	p0 =	seq.s32 s5, $0x0;
	s5 =	sld [smem:$0x3FAC]  }
0x2b: {  	s6 =	sld [smem:$0x3FAD]  }
0x2c: {  	s7 =	sld [smem:$0x3FAE]  }
0x2d: {  	s3 =	simm.s32 $0x108;
	s8 =	sld [smem:$0x3FAF]  }
0x2e: {  	s3 =	simm.s32 @!p0 $0x1082;
	s9 =	sld [smem:$0x3FB0]  }
0x2f: {  	lr =	sadd.s32 s0, s3;
	s0 =	sld [smem:$0x3FA7]  }
0x30: {  	s3 =	sld [smem:$0x3FAA]  }
0x31: {  	[smem:$0x3FB3] =	sst s10  }
0x32: {  	s10 =	sld [smem:$0x3FB1];
	_ =	sdelay $0x3  }
0x33: {  	p0 =	seq.s32 s10, $0x1;
	s10 =	sld [smem:$0x3FB3];
	_ =	sdelay $0x3  }
0x34: {  	[smem:$0x3FB3] =	sst s10  }
0x35: {  	s10 =	sld [smem:$0x3FB2];
	_ =	sdelay $0x3  }
0x36: {  	p1 =	seq.s32 s10, $0x1;
	s10 =	sld [smem:$0x3FB3];
	_ =	sdelay $0x3  }
0x37: {  	[smem:$0x3FB3] =	sst s10  }
0x38: {  	s10 =	sld [smem:$0x3FB4]  }
0x39: {  	_ = 	snop;
	(pc) =	sbr.ind lr, $3  }
0x3a: {  	_ = 	snop  }
0x3b: {  	_ = 	snop  }
0x3c: {  	p2 =	seq.s32 s10, $0x1;
	s10 =	sld [smem:$0x3FB3]  }
0x3d: {  	_ =	shalt  }
0x3e: {  	_ =	shalt  }
0x3f: {  	_ =	shalt  }
0x40: {  	_ =	shalt  }
0x41: {  	_ =	shalt  }
0x42: {  	_ =	shalt  }
0x43: {  	_ =	shalt  }
0x44: {  	_ =	shalt  }
0x45: {  	_ =	shalt  }
0x46: {  	_ =	shalt  }
0x47: {  	_ =	shalt  }
0x48: {  	_ =	shalt  }
0x49: {  	_ =	shalt  }
0x4a: {  	_ =	shalt  }
0x4b: {  	_ =	shalt  }
0x4c: {  	_ =	shalt  }
0x4d: {  	_ =	shalt  }
0x4e: {  	_ =	shalt  }
0x4f: {  	_ =	shalt  }
0x50: {  	_ =	shalt  }
0x51: {  	_ =	shalt  }
0x52: {  	_ =	shalt  }
0x53: {  	_ =	shalt  }
0x54: {  	_ =	shalt  }
0x55: {  	_ =	shalt  }
0x56: {  	_ =	shalt  }
0x57: {  	_ =	shalt  }
0x58: {  	_ =	shalt  }
0x59: {  	_ =	shalt  }
0x5a: {  	_ =	shalt  }
0x5b: {  	_ =	shalt  }
0x5c: {  	_ =	shalt  }
0x5d: {  	_ =	shalt  }
0x5e: {  	_ =	shalt  }
0x5f: {  	_ =	shalt  }
0x60: {  	_ =	shalt  }
0x61: {  	_ =	shalt  }
0x62: {  	_ =	shalt  }
0x63: {  	_ =	shalt  }
0x64: {  	_ =	shalt  }
0x65: {  	_ =	shalt  }
0x66: {  	_ =	shalt  }
0x67: {  	_ =	shalt  }
0x68: {  	_ =	shalt  }
0x69: {  	_ =	shalt  }
0x6a: {  	_ =	shalt  }
0x6b: {  	_ =	shalt  }
0x6c: {  	_ =	shalt  }
0x6d: {  	_ =	shalt  }
0x6e: {  	_ =	shalt  }
0x6f: {  	_ =	shalt  }
0x70: {  	_ =	shalt  }
0x71: {  	_ =	shalt  }
0x72: {  	_ =	shalt  }
0x73: {  	_ =	shalt  }
0x74: {  	_ =	shalt  }
0x75: {  	_ =	shalt  }
0x76: {  	_ =	shalt  }
0x77: {  	_ =	shalt  }
0x78: {  	_ =	shalt  }
0x79: {  	_ =	shalt  }
0x7a: {  	_ =	shalt  }
0x7b: {  	_ =	shalt  }
0x7c: {  	_ =	shalt  }
0x7d: {  	_ =	shalt  }
0x7e: {  	_ =	shalt  }
0x7f: {  	_ =	shalt  }
0x80: {  	_ =	shalt  }
0x81: {  	_ =	shalt  }
0x82: {  	_ =	shalt  }
0x83: {  	_ =	shalt  }
0x84: {  	_ =	shalt  }
0x85: {  	_ =	shalt  }
0x86: {  	_ =	shalt  }
0x87: {  	_ =	shalt  }
.Lfunc_end0:
.L_simem_size_0:
called_computation.1_lowered:
.L_overlay_start_0:
0x88: {  	s2 =	sld [smem:$0x3FD9]  }
0x89: {  	s3 =	sld [smem:$0x3FFE];
	_ =	sdelay $0x1  }
0x8a: {  	s1 =	srdreg.scid  }
0x8b: {  	s0 =	sand.u32 $0x1, s1  }
0x8c: {  	s17 =	sshll.u32 s0, $0xA;
	s2 =	sadd.s32 s3, s2  }
0x8d: {  	s2 =	sadd.s32 s2, s17  }
0x8e: {  	[smem:$0x3FBF] =	sst s2  }
0x8f: {  	_ = 	snop  }
0x90: {  	s2 =	sld [smem:$0x3FC6]  }
0x91: {  	s18 =	sld [smem:$0x3FD0];
	(tm) =	ssettm $0x1  }
0x92: {  	s4 =	sld [smem:$0x3FFB];
	_ =	sdelay $0x3  }
0x93: {  	_ =	strace s4  }
0x94: {  	s4 =	sld [smem:$0x3FFC];
	_ =	sdelay $0x3  }
0x95: {  	_ =	strace s4  }
0x96: {  	s4 =	sld [smem:$0x3FFD];
	_ =	sdelay $0x3  }
0x97: {  	_ =	strace s4  }
0x98: {  	_ =	strace $0x8FFFFFFF  }
0x99: {  	s19 =	sld [smem:$0x3FDB];
	_ =	sdelay $0x1  }
0x9a: {  	s5 =	simm.s32 $_scs_section_size  }
0x9b: {  	s6 =	simm.s32 $_size__tile_overlayer_lowered;
	s7 =	simm.s32 $_tile_overlayer_lowered  }
0x9c: {  	s22 =	simm.s32 $0x1BFF;
	s21 =	sshll.u32 s7, $0x1;
	s4 =	sadd.s32 s5, s19  }
0x9d: {  	s8 =	simm.s32 $0x0;
	s20 =	sshll.u32 s6, $0x1;
	s6 =	sadd.s32 s21, s4  }
0x9e: {  	[timem:s8], [sflag:s22] =	dma.local [hbm:s6], s20  }
0x9f: {  	_ =	swait.ge [sflag:s22], s20  }
0xa0: {  	s5 =	ssub.s32 $0x0, s20;
	[sflag:s22] =	ssyncset.done $0x0  }
0xa1: {  	[sflag:s22] =	ssyncadd.s32 s5;
	_ =	sdelay $0x1  }
0xa2: {  	s23 =	simm.s32 $0x1B8B  }
0xa3: {  	_ =	swait.ge [sflag:s23], $0x1  }
0xa4: {  	[sflag:s23] =	ssyncset.done $0x0  }
0xa5: {  	s25 =	simm.s32 $0x1B8E;
	s24 =	sld [smem:$0x3FFE];
	[sflag:s23] =	ssyncadd.s32 $0xFFFFFFFF  }
0xa6: {  	s26 =	simm.s32 $execute0_lowered;
	[smem:$0x3FD2] =	sst s25  }
0xa7: {  	s6 =	sshll.u32 s26, $0x1;
	_ =	strace $0x80000046;
	[dreg:$0x1] =	wrdreg $0xFFFFFFFF  }
0xa8: {  	s28 =	simm.s32 $_size_execute0_lowered;
	s4 =	sadd.s32 s4, s6;
	[dreg:$0x0] =	wrdreg $0x0  }
0xa9: {  	s6 =	sshll.u32 s28, $0x1;
	[dreg:$0x2] =	wrdreg s4  }
0xaa: {  	[dreg:$0x3] =	wrdreg s6  }
0xab: {  	[dreg:$0x4] =	wrdreg $0xC0  }
0xac: {  	_ =	task [dreg:s8], $0x5FFFF  }
0xad: {  	[dreg:$0x1] =	wrdreg $0xFFFFFFFF  }
0xae: {  	[dreg:$0x0] =	wrdreg $0x60  }
0xaf: {  	[dreg:$0x2] =	wrdreg s2  }
0xb0: {  	[dreg:$0x3] =	wrdreg s24  }
0xb1: {  	[dreg:$0x4] =	wrdreg s18  }
0xb2: {  	[dreg:$0x5] =	wrdreg $0x9  }
0xb3: {  	_ =	task.clear_ibuf [dreg:s8], $0x6FFFF;
	_ =	strace $0x90000046  }
0xb4: {  	s29 =	simm.s32 $0x9;
	_ =	strace $0x80000048  }
0xb5: {  	_ =	swait.ge [sflag:s29], $0x1  }
0xb6: {  	[sflag:s29] =	ssyncadd.s32 $0xFFFFFFFF  }
0xb7: {  	_ =	strace $0x90000048  }
0xb8: {  	_ =	sfence  }
0xb9: {  	s30 =	sld [smem:$0x0];
	_ =	sdelay $0x2  }
0xba: {  	s31 =	sshll.u32 s1, $0xD;
	s1 =	sshrl.u32 s1, $0x2  }
0xbb: {  	s3 =	sand.u32 $0x4000, s31;
	s1 =	sadd.s32 s1, s30  }
0xbc: {  	s0 =	sor.u32 s3, s0;
	s1 =	sshll.u32 s1, $0x11  }
0xbd: {  	s0 =	sor.u32 s1, s0  }
0xbe: {  	s0 =	sadd.s32 $0x8F2B, s0  }
0xbf: {  	[sflag:s0] =	ssyncadd.remote.s32 $0x1  }
0xc0: {  	_ =	sfence.sel $0xFFFF  }
0xc1: {  	[dreg:$0x0] =	wrdreg $0xFFFFFFFF;
	(pc) =	sbr.abs _section_cstart, $3  }
0xc2: {  	[dreg:$0x1] =	wrdreg $0xFFFFFFFF  }
0xc3: {  	_ =	task.clear_ibuf [dreg:s8], $0x2FFFF;
	_ =	strace $0x9FFFFFFF  }
0xc4: {  	(tm) =	ssettm $0x7FFFFFFF  }
0xc5: {  	_ =	shalt  }
tec
execute0_lowered:
.L_overlay_start_1:
0x0: {  	(tag) =	ssettag $0x1  }
0x1: {  	s4 =	rddreg [dreg:$0x0]  }
0x2: {  	s0 =	rddreg [dreg:$0x1]  }
0x3: {  	s1 =	rddreg [dreg:$0x2]  }
0x4: {  	s2 =	simm.s32 $0x0;
	s3 =	srdreg.scid;
	s5 =	stileid.u32  }
0x5: {  	s8 =	simm.s32 $0x64;
	s24 =	simm.s32 $0x80;
	s9 =	simm.s32 $0x3A00  }
0x6: {  	s25 =	simm.s32 $0x100;
	s10 =	simm.s32 $0x6C00;
	s26 =	simm.s32 $0x180  }
0x7: {  	s11 =	simm.s32 $0x9E00;
	s28 =	simm.s32 $0x200;
	s12 =	simm.s32 $0xD000  }
0x8: {  	s29 =	simm.s32 $0x280;
	s13 =	simm.s32 $0x10200;
	s30 =	simm.s32 $0x300  }
0x9: {  	s14 =	simm.s32 $0x13400;
	s31 =	simm.s32 $0x380;
	s15 =	simm.s32 $0x16600  }
0xa: {  	s16 =	simm.s32 $0x400;
	s17 =	simm.s32 $0x480;
	p0 =	por $0x0, $0x0  }
0xb: {  	s18 =	simm.s32 $0x500;
	s3 =	sand.u32 $0x1, s3;
	s5 =	sshll.u32 s5, $0x1  }
0xc: {  	[smem:$0x7FF] =	sst s2;
	s5 =	sor.u32 s3, s5;
	s3 =	ssub.s32 $0x2, s3  }
0xd: {  	s19 =	simm.s32 $0x580;
	_ =	strace $0x80000047;
	s20 =	sshrl.u32 s3, $0x1  }
0xe: {  	s6 =	sshll.u32 s5, $0x8;
	s7 =	smul.u32 $0x32000, s5;
	s3 =	ssub.s32 s3, s20  }
0xf: {  	s5 =	smul.u32 $0x6400, s5;
	s0 =	sadd.s32 s6, s0;
	s23 =	smax.u32 s3, $0x1  }
0x10: {  	s6 =	simm.s32 $0x800;
	s20 =	simm.s32 $0x600;
	p1 =	sne.s32 s23, $0x1  }
.Ltmp0:
0x11: {  	s0 =	sadd.s32 $0x1800, s0;
	s21 =	sshrl.u32 s7, $0x3;
	(pc) =	sbr.rel @!p1 .LBB2_3-.Ltmp0, $4  }
0x12: {  	s22 =	sadd.s32 s1, s5;
	s3 =	simm.s32 $0x2;
	[dreg:$0x4] =	wrdreg s0  }
0x13: {  	s7 =	simm.s32 $0x1;
	s1 =	sadd.s32 s1, s21;
	[dreg:$0x5] =	wrdreg s22  }
0x14: {  	s0 =	sadd.s32 $0xFFFFFFFF, s23;
	s21 =	simm.s32 $0x680;
	s22 =	simm.s32 $0x700  }
0x15: {  	s23 =	simm.s32 $0x780;
	s5 =	sadd.s32 $0x3200, s1;
	s1 =	rddreg [dreg:$0x4]  }
0x16: {  	[tilespmem:s2], [sflag:$0x2] =	stream.linear.gather [hbm4b:s1+s2], $0x800, $0x38;
	[tilespmem:$0x19800] =	vst v63  }
0x17: {  	_ =	swait.ge [sflag:s3], $0x800  }
0x18: {  	[sflag:s3] =	ssyncset.done $0x0  }
0x19: {  	[sflag:s3] =	ssyncadd.s32 $0xFFFFF800  }
0x1a: {  	[tilespmem:s6], [sflag:$0x1] =	stream.indirect.gather [hbm4b:s4+s8], $0x80, s2, s8, $0xb8;
	[tilespmem:$0x19800] =	vst v63  }
0x1b: {  	_ = 	snop  }
0x1c: {  	[tilespmem:s9], [sflag:$0x1] =	stream.indirect.gather [hbm4b:s4+s8], $0x80, s24, s8, $0xb8;
	[tilespmem:$0x19800] =	vst v63  }
0x1d: {  	_ = 	snop  }
0x1e: {  	[tilespmem:s10], [sflag:$0x1] =	stream.indirect.gather [hbm4b:s4+s8], $0x80, s25, s8, $0xb8;
	[tilespmem:$0x19800] =	vst v63  }
0x1f: {  	_ = 	snop  }
0x20: {  	[tilespmem:s11], [sflag:$0x1] =	stream.indirect.gather [hbm4b:s4+s8], $0x80, s26, s8, $0xb8;
	[tilespmem:$0x19800] =	vst v63  }
0x21: {  	_ = 	snop  }
0x22: {  	[tilespmem:s12], [sflag:$0x1] =	stream.indirect.gather [hbm4b:s4+s8], $0x80, s28, s8, $0xb8;
	[tilespmem:$0x19800] =	vst v63  }
0x23: {  	_ = 	snop  }
0x24: {  	[tilespmem:s13], [sflag:$0x1] =	stream.indirect.gather [hbm4b:s4+s8], $0x80, s29, s8, $0xb8;
	[tilespmem:$0x19800] =	vst v63  }
0x25: {  	_ = 	snop  }
0x26: {  	[tilespmem:s14], [sflag:$0x1] =	stream.indirect.gather [hbm4b:s4+s8], $0x80, s30, s8, $0xb8;
	[tilespmem:$0x19800] =	vst v63  }
0x27: {  	_ = 	snop  }
0x28: {  	[tilespmem:s15], [sflag:$0x1] =	stream.indirect.gather [hbm4b:s4+s8], $0x80, s31, s8, $0xb8;
	[tilespmem:$0x19800] =	vst v63  }
0x29: {  	_ =	swait.ge [sflag:s7], $0x3200  }
0x2a: {  	[sflag:s7] =	ssyncset.done $0x0  }
0x2b: {  	[sflag:s7] =	ssyncadd.s32 $0xFFFFCE00  }
0x2c: {  	_ =	swait.ge [sflag:s7], $0x3200  }
0x2d: {  	[sflag:s7] =	ssyncset.done $0x0  }
0x2e: {  	[sflag:s7] =	ssyncadd.s32 $0xFFFFCE00  }
0x2f: {  	_ =	swait.ge [sflag:s7], $0x3200  }
0x30: {  	[sflag:s7] =	ssyncset.done $0x0  }
0x31: {  	[sflag:s7] =	ssyncadd.s32 $0xFFFFCE00  }
0x32: {  	_ =	swait.ge [sflag:s7], $0x3200  }
0x33: {  	[sflag:s7] =	ssyncset.done $0x0  }
0x34: {  	[sflag:s7] =	ssyncadd.s32 $0xFFFFCE00  }
0x35: {  	_ =	swait.ge [sflag:s7], $0x3200  }
0x36: {  	[sflag:s7] =	ssyncset.done $0x0  }
0x37: {  	[sflag:s7] =	ssyncadd.s32 $0xFFFFCE00  }
0x38: {  	_ =	swait.ge [sflag:s7], $0x3200  }
0x39: {  	[sflag:s7] =	ssyncset.done $0x0  }
0x3a: {  	[sflag:s7] =	ssyncadd.s32 $0xFFFFCE00  }
0x3b: {  	_ =	swait.ge [sflag:s7], $0x3200  }
0x3c: {  	[sflag:s7] =	ssyncset.done $0x0  }
0x3d: {  	[sflag:s7] =	ssyncadd.s32 $0xFFFFCE00  }
0x3e: {  	_ =	swait.ge [sflag:s7], $0x3200  }
0x3f: {  	[sflag:s7] =	ssyncset.done $0x0  }
0x40: {  	s1 =	rddreg [dreg:$0x5];
	[sflag:s7] =	ssyncadd.s32 $0xFFFFCE00  }
0x41: {  	[hbm4b:s1+s2] =	stream.linear.scatter [tilespmem:s6], [sflag:$0x2], $0x19000, $0x38;
	[tilespmem:$0x19800] =	vst v63  }
0x42: {  	_ =	swait.ge [sflag:s3], $0x19000  }
0x43: {  	[sflag:s3] =	ssyncset.done $0x0  }
0x44: {  	[sflag:s3] =	ssyncadd.s32 $0xFFFE7000  }
0x45: {  	[tilespmem:s6], [sflag:$0x1] =	stream.indirect.gather [hbm4b:s4+s8], $0x80, s16, s8, $0xb8;
	[tilespmem:$0x19800] =	vst v63  }
0x46: {  	_ = 	snop  }
0x47: {  	[tilespmem:s9], [sflag:$0x1] =	stream.indirect.gather [hbm4b:s4+s8], $0x80, s17, s8, $0xb8;
	[tilespmem:$0x19800] =	vst v63  }
0x48: {  	_ = 	snop  }
0x49: {  	[tilespmem:s10], [sflag:$0x1] =	stream.indirect.gather [hbm4b:s4+s8], $0x80, s18, s8, $0xb8;
	[tilespmem:$0x19800] =	vst v63  }
0x4a: {  	_ = 	snop  }
0x4b: {  	[tilespmem:s11], [sflag:$0x1] =	stream.indirect.gather [hbm4b:s4+s8], $0x80, s19, s8, $0xb8;
	[tilespmem:$0x19800] =	vst v63  }
0x4c: {  	_ = 	snop  }
0x4d: {  	[tilespmem:s12], [sflag:$0x1] =	stream.indirect.gather [hbm4b:s4+s8], $0x80, s20, s8, $0xb8;
	[tilespmem:$0x19800] =	vst v63  }
0x4e: {  	_ = 	snop  }
0x4f: {  	[tilespmem:s13], [sflag:$0x1] =	stream.indirect.gather [hbm4b:s4+s8], $0x80, s21, s8, $0xb8;
	[tilespmem:$0x19800] =	vst v63  }
0x50: {  	_ = 	snop  }
0x51: {  	[tilespmem:s14], [sflag:$0x1] =	stream.indirect.gather [hbm4b:s4+s8], $0x80, s22, s8, $0xb8;
	[tilespmem:$0x19800] =	vst v63  }
0x52: {  	_ = 	snop  }
0x53: {  	[tilespmem:s15], [sflag:$0x1] =	stream.indirect.gather [hbm4b:s4+s8], $0x80, s23, s8, $0xb8;
	[tilespmem:$0x19800] =	vst v63  }
0x54: {  	_ =	swait.ge [sflag:s7], $0x3200  }
0x55: {  	[sflag:s7] =	ssyncset.done $0x0  }
0x56: {  	[sflag:s7] =	ssyncadd.s32 $0xFFFFCE00  }
0x57: {  	_ =	swait.ge [sflag:s7], $0x3200  }
0x58: {  	[sflag:s7] =	ssyncset.done $0x0  }
0x59: {  	[sflag:s7] =	ssyncadd.s32 $0xFFFFCE00  }
0x5a: {  	_ =	swait.ge [sflag:s7], $0x3200  }
0x5b: {  	[sflag:s7] =	ssyncset.done $0x0  }
0x5c: {  	[sflag:s7] =	ssyncadd.s32 $0xFFFFCE00  }
0x5d: {  	_ =	swait.ge [sflag:s7], $0x3200  }
0x5e: {  	[sflag:s7] =	ssyncset.done $0x0  }
0x5f: {  	[sflag:s7] =	ssyncadd.s32 $0xFFFFCE00  }
0x60: {  	_ =	swait.ge [sflag:s7], $0x3200  }
0x61: {  	[sflag:s7] =	ssyncset.done $0x0  }
0x62: {  	[sflag:s7] =	ssyncadd.s32 $0xFFFFCE00  }
0x63: {  	_ =	swait.ge [sflag:s7], $0x3200  }
0x64: {  	[sflag:s7] =	ssyncset.done $0x0  }
0x65: {  	[sflag:s7] =	ssyncadd.s32 $0xFFFFCE00  }
0x66: {  	_ =	swait.ge [sflag:s7], $0x3200  }
0x67: {  	[sflag:s7] =	ssyncset.done $0x0  }
0x68: {  	[sflag:s7] =	ssyncadd.s32 $0xFFFFCE00  }
0x69: {  	p1 =	sne.s32 s0, $0x1;
	_ =	swait.ge [sflag:s7], $0x3200  }
.Ltmp1:
0x6a: {  	[sflag:s7] =	ssyncset.done $0x0;
	(pc) =	sbr.rel @!p1 .LBB2_3-.Ltmp1, $4  }
0x6b: {  	[sflag:s7] =	ssyncadd.s32 $0xFFFFCE00  }
0x6c: {  	[hbm4b:s5+s2] =	stream.linear.scatter [tilespmem:s6], [sflag:$0x2], $0x19000, $0x38;
	[tilespmem:$0x19800] =	vst v63  }
0x6d: {  	s0 =	sadd.s32 $0xFFFFFFFF, s0;
	_ =	swait.ge [sflag:s3], $0x19000  }
0x6e: {  	p0 =	por $0x1, $0x1;
	s1 =	rddreg [dreg:$0x4];
	[sflag:s3] =	ssyncset.done $0x0  }
.LBB2_2:
0x6f: {  	[sflag:s3] =	ssyncadd.s32 $0xFFFE7000  }
0x70: {  	[tilespmem:s2], [sflag:$0x2] =	stream.linear.gather [hbm4b:s1+s2], $0x800, $0x38;
	[tilespmem:$0x19800] =	vst v63  }
0x71: {  	_ =	swait.ge [sflag:s3], $0x800  }
0x72: {  	[sflag:s3] =	ssyncset.done $0x0  }
0x73: {  	[sflag:s3] =	ssyncadd.s32 $0xFFFFF800  }
0x74: {  	[tilespmem:s6], [sflag:$0x1] =	stream.indirect.gather [hbm4b:s4+s8], $0x80, s2, s8, $0xb8;
	[tilespmem:$0x19800] =	vst v63  }
0x75: {  	_ = 	snop  }
0x76: {  	[tilespmem:s9], [sflag:$0x1] =	stream.indirect.gather [hbm4b:s4+s8], $0x80, s24, s8, $0xb8;
	[tilespmem:$0x19800] =	vst v63  }
0x77: {  	_ = 	snop  }
0x78: {  	[tilespmem:s10], [sflag:$0x1] =	stream.indirect.gather [hbm4b:s4+s8], $0x80, s25, s8, $0xb8;
	[tilespmem:$0x19800] =	vst v63  }
0x79: {  	_ = 	snop  }
0x7a: {  	[tilespmem:s11], [sflag:$0x1] =	stream.indirect.gather [hbm4b:s4+s8], $0x80, s26, s8, $0xb8;
	[tilespmem:$0x19800] =	vst v63  }
0x7b: {  	_ = 	snop  }
0x7c: {  	[tilespmem:s12], [sflag:$0x1] =	stream.indirect.gather [hbm4b:s4+s8], $0x80, s28, s8, $0xb8;
	[tilespmem:$0x19800] =	vst v63  }
0x7d: {  	_ = 	snop  }
0x7e: {  	[tilespmem:s13], [sflag:$0x1] =	stream.indirect.gather [hbm4b:s4+s8], $0x80, s29, s8, $0xb8;
	[tilespmem:$0x19800] =	vst v63  }
0x7f: {  	_ = 	snop  }
0x80: {  	[tilespmem:s14], [sflag:$0x1] =	stream.indirect.gather [hbm4b:s4+s8], $0x80, s30, s8, $0xb8;
	[tilespmem:$0x19800] =	vst v63  }
0x81: {  	_ = 	snop  }
0x82: {  	[tilespmem:s15], [sflag:$0x1] =	stream.indirect.gather [hbm4b:s4+s8], $0x80, s31, s8, $0xb8;
	[tilespmem:$0x19800] =	vst v63  }
0x83: {  	_ =	swait.ge [sflag:s7], $0x3200  }
0x84: {  	[sflag:s7] =	ssyncset.done $0x0  }
0x85: {  	[sflag:s7] =	ssyncadd.s32 $0xFFFFCE00  }
0x86: {  	_ =	swait.ge [sflag:s7], $0x3200  }
0x87: {  	[sflag:s7] =	ssyncset.done $0x0  }
0x88: {  	[sflag:s7] =	ssyncadd.s32 $0xFFFFCE00  }
0x89: {  	_ =	swait.ge [sflag:s7], $0x3200  }
0x8a: {  	[sflag:s7] =	ssyncset.done $0x0  }
0x8b: {  	[sflag:s7] =	ssyncadd.s32 $0xFFFFCE00  }
0x8c: {  	_ =	swait.ge [sflag:s7], $0x3200  }
0x8d: {  	[sflag:s7] =	ssyncset.done $0x0  }
0x8e: {  	[sflag:s7] =	ssyncadd.s32 $0xFFFFCE00  }
0x8f: {  	_ =	swait.ge [sflag:s7], $0x3200  }
0x90: {  	[sflag:s7] =	ssyncset.done $0x0  }
0x91: {  	[sflag:s7] =	ssyncadd.s32 $0xFFFFCE00  }
0x92: {  	_ =	swait.ge [sflag:s7], $0x3200  }
0x93: {  	[sflag:s7] =	ssyncset.done $0x0  }
0x94: {  	[sflag:s7] =	ssyncadd.s32 $0xFFFFCE00  }
0x95: {  	_ =	swait.ge [sflag:s7], $0x3200  }
0x96: {  	[sflag:s7] =	ssyncset.done $0x0  }
0x97: {  	[sflag:s7] =	ssyncadd.s32 $0xFFFFCE00  }
0x98: {  	_ =	swait.ge [sflag:s7], $0x3200  }
0x99: {  	[sflag:s7] =	ssyncset.done $0x0  }
0x9a: {  	s1 =	rddreg [dreg:$0x5];
	[sflag:s7] =	ssyncadd.s32 $0xFFFFCE00  }
0x9b: {  	[hbm4b:s1+s2] =	stream.linear.scatter [tilespmem:s6], [sflag:$0x2], $0x19000, $0x38;
	[tilespmem:$0x19800] =	vst v63  }
0x9c: {  	_ =	swait.ge [sflag:s3], $0x19000  }
0x9d: {  	[sflag:s3] =	ssyncset.done $0x0  }
0x9e: {  	[sflag:s3] =	ssyncadd.s32 $0xFFFE7000  }
0x9f: {  	[tilespmem:s6], [sflag:$0x1] =	stream.indirect.gather [hbm4b:s4+s8], $0x80, s16, s8, $0xb8;
	[tilespmem:$0x19800] =	vst v63  }
0xa0: {  	_ = 	snop  }
0xa1: {  	[tilespmem:s9], [sflag:$0x1] =	stream.indirect.gather [hbm4b:s4+s8], $0x80, s17, s8, $0xb8;
	[tilespmem:$0x19800] =	vst v63  }
0xa2: {  	_ = 	snop  }
0xa3: {  	[tilespmem:s10], [sflag:$0x1] =	stream.indirect.gather [hbm4b:s4+s8], $0x80, s18, s8, $0xb8;
	[tilespmem:$0x19800] =	vst v63  }
0xa4: {  	_ = 	snop  }
0xa5: {  	[tilespmem:s11], [sflag:$0x1] =	stream.indirect.gather [hbm4b:s4+s8], $0x80, s19, s8, $0xb8;
	[tilespmem:$0x19800] =	vst v63  }
0xa6: {  	_ = 	snop  }
0xa7: {  	[tilespmem:s12], [sflag:$0x1] =	stream.indirect.gather [hbm4b:s4+s8], $0x80, s20, s8, $0xb8;
	[tilespmem:$0x19800] =	vst v63  }
0xa8: {  	_ = 	snop  }
0xa9: {  	[tilespmem:s13], [sflag:$0x1] =	stream.indirect.gather [hbm4b:s4+s8], $0x80, s21, s8, $0xb8;
	[tilespmem:$0x19800] =	vst v63  }
0xaa: {  	_ = 	snop  }
0xab: {  	[tilespmem:s14], [sflag:$0x1] =	stream.indirect.gather [hbm4b:s4+s8], $0x80, s22, s8, $0xb8;
	[tilespmem:$0x19800] =	vst v63  }
0xac: {  	_ = 	snop  }
0xad: {  	[tilespmem:s15], [sflag:$0x1] =	stream.indirect.gather [hbm4b:s4+s8], $0x80, s23, s8, $0xb8;
	[tilespmem:$0x19800] =	vst v63  }
0xae: {  	_ =	swait.ge [sflag:s7], $0x3200  }
0xaf: {  	[sflag:s7] =	ssyncset.done $0x0  }
0xb0: {  	[sflag:s7] =	ssyncadd.s32 $0xFFFFCE00  }
0xb1: {  	_ =	swait.ge [sflag:s7], $0x3200  }
0xb2: {  	[sflag:s7] =	ssyncset.done $0x0  }
0xb3: {  	[sflag:s7] =	ssyncadd.s32 $0xFFFFCE00  }
0xb4: {  	_ =	swait.ge [sflag:s7], $0x3200  }
0xb5: {  	[sflag:s7] =	ssyncset.done $0x0  }
0xb6: {  	[sflag:s7] =	ssyncadd.s32 $0xFFFFCE00  }
0xb7: {  	_ =	swait.ge [sflag:s7], $0x3200  }
0xb8: {  	[sflag:s7] =	ssyncset.done $0x0  }
0xb9: {  	[sflag:s7] =	ssyncadd.s32 $0xFFFFCE00  }
0xba: {  	_ =	swait.ge [sflag:s7], $0x3200  }
0xbb: {  	[sflag:s7] =	ssyncset.done $0x0  }
0xbc: {  	[sflag:s7] =	ssyncadd.s32 $0xFFFFCE00  }
0xbd: {  	_ =	swait.ge [sflag:s7], $0x3200  }
0xbe: {  	[sflag:s7] =	ssyncset.done $0x0  }
0xbf: {  	[sflag:s7] =	ssyncadd.s32 $0xFFFFCE00  }
0xc0: {  	_ =	swait.ge [sflag:s7], $0x3200  }
0xc1: {  	[sflag:s7] =	ssyncset.done $0x0  }
0xc2: {  	[sflag:s7] =	ssyncadd.s32 $0xFFFFCE00  }
0xc3: {  	p1 =	sne.s32 s0, $0x1;
	_ =	swait.ge [sflag:s7], $0x3200  }
.Ltmp2:
0xc4: {  	[sflag:s7] =	ssyncset.done $0x0;
	(pc) =	sbr.rel @p1 .LBB2_2-.Ltmp2, $4  }
0xc5: {  	[sflag:s7] =	ssyncadd.s32 $0xFFFFCE00  }
0xc6: {  	[hbm4b:s5+s2] =	stream.linear.scatter [tilespmem:s6], [sflag:$0x2], $0x19000, $0x38;
	[tilespmem:$0x19800] =	vst v63  }
0xc7: {  	_ =	swait.ge [sflag:s3], $0x19000  }
0xc8: {  	s0 =	sadd.s32 $0xFFFFFFFF, s0;
	s1 =	rddreg [dreg:$0x4];
	[sflag:s3] =	ssyncset.done $0x0  }
.LBB2_3:
0xc9: {  	[sflag:s3] =	ssyncadd.s32 @p0 $0xFFFE7000  }
0xca: {  	[tilespmem:s2], [sflag:$0x2] =	stream.linear.gather [hbm4b:s1+s2], $0x800, $0x38;
	[tilespmem:$0x19800] =	vst v63  }
0xcb: {  	_ =	swait.ge [sflag:s3], $0x800  }
0xcc: {  	[sflag:s3] =	ssyncset.done $0x0  }
0xcd: {  	[sflag:s3] =	ssyncadd.s32 $0xFFFFF800  }
0xce: {  	[tilespmem:s6], [sflag:$0x1] =	stream.indirect.gather [hbm4b:s4+s8], $0x80, s2, s8, $0xb8;
	[tilespmem:$0x19800] =	vst v63  }
0xcf: {  	_ = 	snop  }
0xd0: {  	[tilespmem:s9], [sflag:$0x1] =	stream.indirect.gather [hbm4b:s4+s8], $0x80, s24, s8, $0xb8;
	[tilespmem:$0x19800] =	vst v63  }
0xd1: {  	_ = 	snop  }
0xd2: {  	[tilespmem:s10], [sflag:$0x1] =	stream.indirect.gather [hbm4b:s4+s8], $0x80, s25, s8, $0xb8;
	[tilespmem:$0x19800] =	vst v63  }
0xd3: {  	_ = 	snop  }
0xd4: {  	[tilespmem:s11], [sflag:$0x1] =	stream.indirect.gather [hbm4b:s4+s8], $0x80, s26, s8, $0xb8;
	[tilespmem:$0x19800] =	vst v63  }
0xd5: {  	_ = 	snop  }
0xd6: {  	[tilespmem:s12], [sflag:$0x1] =	stream.indirect.gather [hbm4b:s4+s8], $0x80, s28, s8, $0xb8;
	[tilespmem:$0x19800] =	vst v63  }
0xd7: {  	_ = 	snop  }
0xd8: {  	[tilespmem:s13], [sflag:$0x1] =	stream.indirect.gather [hbm4b:s4+s8], $0x80, s29, s8, $0xb8;
	[tilespmem:$0x19800] =	vst v63  }
0xd9: {  	_ = 	snop  }
0xda: {  	[tilespmem:s14], [sflag:$0x1] =	stream.indirect.gather [hbm4b:s4+s8], $0x80, s30, s8, $0xb8;
	[tilespmem:$0x19800] =	vst v63  }
0xdb: {  	_ = 	snop  }
0xdc: {  	[tilespmem:s15], [sflag:$0x1] =	stream.indirect.gather [hbm4b:s4+s8], $0x80, s31, s8, $0xb8;
	[tilespmem:$0x19800] =	vst v63  }
0xdd: {  	_ =	swait.ge [sflag:s7], $0x3200  }
0xde: {  	[sflag:s7] =	ssyncset.done $0x0  }
0xdf: {  	[sflag:s7] =	ssyncadd.s32 $0xFFFFCE00  }
0xe0: {  	_ =	swait.ge [sflag:s7], $0x3200  }
0xe1: {  	[sflag:s7] =	ssyncset.done $0x0  }
0xe2: {  	[sflag:s7] =	ssyncadd.s32 $0xFFFFCE00  }
0xe3: {  	_ =	swait.ge [sflag:s7], $0x3200  }
0xe4: {  	[sflag:s7] =	ssyncset.done $0x0  }
0xe5: {  	[sflag:s7] =	ssyncadd.s32 $0xFFFFCE00  }
0xe6: {  	_ =	swait.ge [sflag:s7], $0x3200  }
0xe7: {  	[sflag:s7] =	ssyncset.done $0x0  }
0xe8: {  	[sflag:s7] =	ssyncadd.s32 $0xFFFFCE00  }
0xe9: {  	_ =	swait.ge [sflag:s7], $0x3200  }
0xea: {  	[sflag:s7] =	ssyncset.done $0x0  }
0xeb: {  	[sflag:s7] =	ssyncadd.s32 $0xFFFFCE00  }
0xec: {  	_ =	swait.ge [sflag:s7], $0x3200  }
0xed: {  	[sflag:s7] =	ssyncset.done $0x0  }
0xee: {  	[sflag:s7] =	ssyncadd.s32 $0xFFFFCE00  }
0xef: {  	_ =	swait.ge [sflag:s7], $0x3200  }
0xf0: {  	[sflag:s7] =	ssyncset.done $0x0  }
0xf1: {  	[sflag:s7] =	ssyncadd.s32 $0xFFFFCE00  }
0xf2: {  	_ =	swait.ge [sflag:s7], $0x3200  }
0xf3: {  	[sflag:s7] =	ssyncset.done $0x0  }
0xf4: {  	s0 =	rddreg [dreg:$0x5];
	[sflag:s7] =	ssyncadd.s32 $0xFFFFCE00  }
0xf5: {  	[hbm4b:s0+s2] =	stream.linear.scatter [tilespmem:s6], [sflag:$0x2], $0x19000, $0x38;
	[tilespmem:$0x19800] =	vst v63  }
0xf6: {  	_ =	swait.ge [sflag:s3], $0x19000  }
0xf7: {  	[sflag:s3] =	ssyncset.done $0x0  }
0xf8: {  	[sflag:s3] =	ssyncadd.s32 $0xFFFE7000  }
0xf9: {  	[tilespmem:s6], [sflag:$0x1] =	stream.indirect.gather [hbm4b:s4+s8], $0x80, s16, s8, $0xb8;
	[tilespmem:$0x19800] =	vst v63  }
0xfa: {  	_ = 	snop  }
0xfb: {  	[tilespmem:s9], [sflag:$0x1] =	stream.indirect.gather [hbm4b:s4+s8], $0x80, s17, s8, $0xb8;
	[tilespmem:$0x19800] =	vst v63  }
0xfc: {  	_ = 	snop  }
0xfd: {  	[tilespmem:s10], [sflag:$0x1] =	stream.indirect.gather [hbm4b:s4+s8], $0x80, s18, s8, $0xb8;
	[tilespmem:$0x19800] =	vst v63  }
0xfe: {  	_ = 	snop  }
0xff: {  	[tilespmem:s11], [sflag:$0x1] =	stream.indirect.gather [hbm4b:s4+s8], $0x80, s19, s8, $0xb8;
	[tilespmem:$0x19800] =	vst v63  }
0x100: {  	_ = 	snop  }
0x101: {  	[tilespmem:s12], [sflag:$0x1] =	stream.indirect.gather [hbm4b:s4+s8], $0x80, s20, s8, $0xb8;
	[tilespmem:$0x19800] =	vst v63  }
0x102: {  	_ = 	snop  }
0x103: {  	[tilespmem:s13], [sflag:$0x1] =	stream.indirect.gather [hbm4b:s4+s8], $0x80, s21, s8, $0xb8;
	[tilespmem:$0x19800] =	vst v63  }
0x104: {  	_ = 	snop  }
0x105: {  	[tilespmem:s14], [sflag:$0x1] =	stream.indirect.gather [hbm4b:s4+s8], $0x80, s22, s8, $0xb8;
	[tilespmem:$0x19800] =	vst v63  }
0x106: {  	_ = 	snop  }
0x107: {  	[tilespmem:s15], [sflag:$0x1] =	stream.indirect.gather [hbm4b:s4+s8], $0x80, s23, s8, $0xb8;
	[tilespmem:$0x19800] =	vst v63  }
0x108: {  	_ =	swait.ge [sflag:s7], $0x3200  }
0x109: {  	[sflag:s7] =	ssyncset.done $0x0  }
0x10a: {  	[sflag:s7] =	ssyncadd.s32 $0xFFFFCE00  }
0x10b: {  	_ =	swait.ge [sflag:s7], $0x3200  }
0x10c: {  	[sflag:s7] =	ssyncset.done $0x0  }
0x10d: {  	[sflag:s7] =	ssyncadd.s32 $0xFFFFCE00  }
0x10e: {  	_ =	swait.ge [sflag:s7], $0x3200  }
0x10f: {  	[sflag:s7] =	ssyncset.done $0x0  }
0x110: {  	[sflag:s7] =	ssyncadd.s32 $0xFFFFCE00  }
0x111: {  	_ =	swait.ge [sflag:s7], $0x3200  }
0x112: {  	[sflag:s7] =	ssyncset.done $0x0  }
0x113: {  	[sflag:s7] =	ssyncadd.s32 $0xFFFFCE00  }
0x114: {  	_ =	swait.ge [sflag:s7], $0x3200  }
0x115: {  	[sflag:s7] =	ssyncset.done $0x0  }
0x116: {  	[sflag:s7] =	ssyncadd.s32 $0xFFFFCE00  }
0x117: {  	_ =	swait.ge [sflag:s7], $0x3200  }
0x118: {  	[sflag:s7] =	ssyncset.done $0x0  }
0x119: {  	[sflag:s7] =	ssyncadd.s32 $0xFFFFCE00  }
0x11a: {  	_ =	swait.ge [sflag:s7], $0x3200  }
0x11b: {  	[sflag:s7] =	ssyncset.done $0x0  }
0x11c: {  	[sflag:s7] =	ssyncadd.s32 $0xFFFFCE00  }
0x11d: {  	_ =	swait.ge [sflag:s7], $0x3200  }
0x11e: {  	[sflag:s7] =	ssyncset.done $0x0  }
0x11f: {  	[sflag:s7] =	ssyncadd.s32 $0xFFFFCE00  }
0x120: {  	[hbm4b:s5+s2] =	stream.linear.scatter [tilespmem:s6], [sflag:$0x2], $0x19000, $0x38;
	[tilespmem:$0x19800] =	vst v63  }
0x121: {  	_ =	swait.ge [sflag:s3], $0x19000  }
0x122: {  	[sflag:s3] =	ssyncset.done $0x0  }
0x123: {  	[sflag:s3] =	ssyncadd.s32 $0xFFFE7000  }
0x124: {  	_ =	sfence.sel $0x180000  }
0x125: {  	[bflag:$0x0] =	sbarrier.arrive $0xFFFF  }
0x126: {  	_ =	strace $0x90000047  }
0x127: {  	s31 =	stileid.u32;
	[bflag:$0x2] =	sbarrier.arrive $0xFFFF  }
0x128: {  	p0 =	sne.s32 s31, $0x0;
	s0 =	rddreg [dreg:$0x3]  }
0x129: {  	s0 =	sadd.s32 @!p0 $0x100000, s0  }
0x12a: {  	[sflag:s0] =	ssyncadd.tile.s32 @!p0 $0x1;
	_ =	shalt  }
.Lfunc_end2:
_tile_overlayer_lowered:
.L_overlay_start_2:
0x12b: {  	(tag) =	ssettag $0x2  }
0x12c: {  	s0 =	rddreg [dreg:$0x0];
	s2 =	stileid.u32  }
0x12d: {  	s1 =	rddreg [dreg:$0x1];
	p0 =	sne.s32 s2, $0x0  }
0x12e: {  	s3 =	rddreg [dreg:$0x2];
	[bflag:$0x3] =	sbarrier.arrive $0xFFFF;
	s2 =	simm.s32 @!p0 $0x1C02  }
0x12f: {  	[timem:s3], [sflag:s2] =	dma.local @!p0 [hbm:s0], s1  }
0x130: {  	s0 =	simm.s32 @!p0 $0x2  }
0x131: {  	_ =	swait.ge @!p0 [sflag:s0], s1  }
0x132: {  	s1 =	ssub.s32 @!p0 $0x0, s1;
	[sflag:s0] =	ssyncset.done @!p0 $0x0  }
0x133: {  	[sflag:s0] =	ssyncadd.s32 @!p0 s1  }
0x134: {  	[bflag:$0x3] =	sbarrier.arrive $0xFFFF  }
0x135: {  	_ =	shalt  }

// kernel: sparse-core-data-format-call.cloned.1.call-start
scs
called_computation_lowered:
.L_overlay_start_0:
0x0: {  	s2 =	sld [smem:$0x3FD9]  }
0x1: {  	s3 =	sld [smem:$0x3FFE];
	_ =	sdelay $0x1  }
0x2: {  	s1 =	srdreg.scid  }
0x3: {  	s0 =	sand.u32 $0x1, s1  }
0x4: {  	s18 =	sshll.u32 s0, $0xA;
	s2 =	sadd.s32 s3, s2  }
0x5: {  	s2 =	sadd.s32 s2, s18  }
0x6: {  	[smem:$0x3FBF] =	sst s2  }
0x7: {  	_ = 	snop  }
0x8: {  	s2 =	sld [smem:$0x3FD0];
	(tm) =	ssettm $0x1  }
0x9: {  	s19 =	sld [smem:$0x3FFB];
	_ =	sdelay $0x3  }
0xa: {  	_ =	strace s19  }
0xb: {  	s3 =	sld [smem:$0x3FFC];
	_ =	sdelay $0x3  }
0xc: {  	_ =	strace s3  }
0xd: {  	s3 =	sld [smem:$0x3FFD];
	_ =	sdelay $0x3  }
0xe: {  	_ =	strace s3  }
0xf: {  	_ =	strace $0x8FFFFFFF  }
0x10: {  	s20 =	sld [smem:$0x3FDB];
	_ =	sdelay $0x1  }
0x11: {  	s4 =	simm.s32 $_scs_section_size  }
0x12: {  	s5 =	simm.s32 $_size__tile_overlayer_lowered;
	s6 =	simm.s32 $_tile_overlayer_lowered  }
0x13: {  	s23 =	simm.s32 $0x1BFF;
	s22 =	sshll.u32 s6, $0x1;
	s3 =	sadd.s32 s4, s20  }
0x14: {  	s7 =	simm.s32 $0x0;
	s21 =	sshll.u32 s5, $0x1;
	s5 =	sadd.s32 s22, s3  }
0x15: {  	[timem:s7], [sflag:s23] =	dma.local [hbm:s5], s21  }
0x16: {  	_ =	swait.ge [sflag:s23], s21  }
0x17: {  	s4 =	ssub.s32 $0x0, s21;
	[sflag:s23] =	ssyncset.done $0x0  }
0x18: {  	[sflag:s23] =	ssyncadd.s32 s4;
	_ =	sdelay $0x1  }
0x19: {  	s24 =	simm.s32 $0x1B8B  }
0x1a: {  	_ =	swait.ge [sflag:s24], $0x1  }
0x1b: {  	[sflag:s24] =	ssyncset.done $0x0  }
0x1c: {  	s26 =	simm.s32 $0x1B8E;
	s25 =	sld [smem:$0x3FFE];
	[sflag:s24] =	ssyncadd.s32 $0xFFFFFFFF  }
0x1d: {  	s27 =	simm.s32 $execute0_lowered;
	[smem:$0x3FD2] =	sst s26  }
0x1e: {  	s5 =	sshll.u32 s27, $0x1;
	_ =	strace $0x80000049;
	[dreg:$0x1] =	wrdreg $0xFFFFFFFF  }
0x1f: {  	s28 =	simm.s32 $_size_execute0_lowered;
	s3 =	sadd.s32 s3, s5;
	[dreg:$0x0] =	wrdreg $0x0  }
0x20: {  	s5 =	sshll.u32 s28, $0x1;
	[dreg:$0x2] =	wrdreg s3  }
0x21: {  	[dreg:$0x3] =	wrdreg s5  }
0x22: {  	[dreg:$0x4] =	wrdreg $0xC0  }
0x23: {  	_ =	task [dreg:s7], $0x5FFFF  }
0x24: {  	[dreg:$0x1] =	wrdreg $0xFFFFFFFF  }
0x25: {  	[dreg:$0x0] =	wrdreg $0x60  }
0x26: {  	[dreg:$0x2] =	wrdreg s25  }
0x27: {  	[dreg:$0x3] =	wrdreg s2  }
0x28: {  	[dreg:$0x4] =	wrdreg $0x9  }
0x29: {  	_ =	task.clear_ibuf [dreg:s7], $0x5FFFF;
	_ =	strace $0x90000049  }
0x2a: {  	s29 =	simm.s32 $0x9;
	_ =	strace $0x8000004B  }
0x2b: {  	_ =	swait.ge [sflag:s29], $0x1  }
0x2c: {  	[sflag:s29] =	ssyncadd.s32 $0xFFFFFFFF  }
0x2d: {  	_ =	strace $0x9000004B  }
0x2e: {  	_ =	sfence  }
0x2f: {  	s30 =	sld [smem:$0x0];
	_ =	sdelay $0x2  }
0x30: {  	s31 =	sshll.u32 s1, $0xD;
	s1 =	sshrl.u32 s1, $0x2  }
0x31: {  	s3 =	sand.u32 $0x4000, s31;
	s1 =	sadd.s32 s1, s30  }
0x32: {  	s0 =	sor.u32 s3, s0;
	s1 =	sshll.u32 s1, $0x11  }
0x33: {  	s0 =	sor.u32 s1, s0  }
0x34: {  	s0 =	sadd.s32 $0x8F2B, s0  }
0x35: {  	[sflag:s0] =	ssyncadd.remote.s32 $0x1  }
0x36: {  	_ =	sfence.sel $0xFFFF  }
0x37: {  	[dreg:$0x0] =	wrdreg $0xFFFFFFFF;
	(pc) =	sbr.abs _section_cstart, $3  }
0x38: {  	[dreg:$0x1] =	wrdreg $0xFFFFFFFF  }
0x39: {  	_ =	task.clear_ibuf [dreg:s7], $0x2FFFF;
	_ =	strace $0x9FFFFFFF  }
0x3a: {  	(tm) =	ssettm $0x7FFFFFFF  }
0x3b: {  	_ =	shalt  }
tec
execute0_lowered:
.L_overlay_start_1:
0x0: {  	(tag) =	ssettag $0x1  }
0x1: {  	s4 =	rddreg [dreg:$0x0]  }
0x2: {  	s2 =	rddreg [dreg:$0x1];
	s1 =	stileid.u32  }
0x3: {  	s0 =	rddreg [dreg:$0x2];
	_ =	strace $0x8000004A;
	s10 =	srdreg.scid  }
0x4: {  	s31 =	simm.s32 $0x2;
	s18 =	simm.s32 $0x0;
	s11 =	simm.s32 $0x2000  }
0x5: {  	s19 =	simm.s32 $0x0;
	s20 =	simm.s32 $0x0;
	s12 =	simm.s32 $0x0  }
0x6: {  	s13 =	simm.s32 $0x0;
	s14 =	simm.s32 $0x0;
	s3 =	sshll.u32 s1, $0x7  }
0x7: {  	s17 =	simm.s32 $0x0;
	s4 =	sadd.s32 $0x191800, s4;
	s3 =	sand.u32 $0x380, s3  }
0x8: {  	s5 =	sshrl.u32 s1, $0x3;
	s30 =	sshll.u32 s10, $0x7;
	s6 =	ssub.s32 $0x400, s3  }
0x9: {  	s8 =	ssub.s32 $0x32, s5;
	s7 =	sshrl.u32 s6, $0xA;
	s6 =	sand.u32 $0x380, s6  }
0xa: {  	s9 =	sshrl.u32 s8, $0x1;
	p0 =	sne.s32 s6, $0x0;
	s6 =	simm.s32 $0x1  }
.Ltmp0:
0xb: {  	s8 =	sand.u32 $0x1, s8;
	s6 =	simm.s32 @!p0 $0x0;
	(pc) =	sbr.rel .LBB1_1-.Ltmp0, $4  }
0xc: {  	s15 =	smov.u32 s5;
	s8 =	sadd.s32 s8, s9;
	s7 =	sadd.s32 s6, s7  }
0xd: {  	s16 =	smov.u32 s3;
	s6 =	simm.s32 $0x1;
	s7 =	smul.u32 s8, s7  }
0xe: {  	p0 =	por $0x0, $0x0;
	s8 =	sand.u32 $0x80, s30;
	[sflag:s6] =	ssyncpa.u1 $0x0  }
0xf: {  	[sflag:s31] =	ssyncpa.u1 $0x0;
	s9 =	sshll.u32 s8, $0x3;
	s10 =	sadd.s32 $0x1, s7  }
.LBB1_4:
0x10: {  	s25 =	sshra.s32 s25, $0x2;
	s26 =	sshrl.u32 s14, $0x7;
	p1 =	sgt.s32 s14, $0x380  }
0x11: {  	s27 =	sshra.s32 s14, $0x1F;
	s29 =	smov.u32 s13;
	s31 =	sshra.s32 s13, $0x1F  }
0x12: {  	s24 =	sadd.s32 s25, s24;
	s30 =	sadd.s32 s26, s12;
	s26 =	smov.u32 s14  }
0x13: {  	v5 =	vld [tilespmem:s22+$0xFFFFFFD0];
	[tilespmem:s23+$0x2040 ss:$0x81] =	vst.msk $0xffff, v4;
	s27 =	sand.u32 s27, s14;
	s25 =	sand.u32 $0x3FFFFF, s30;
	s26 =	simm.s32 @!p1 $0x380  }
0x14: {  	v58 =	vld [tilespmem:s22+$0xFFFFFFE0];
	[tilespmem:s23+$0x2850 ss:$0x81] =	vst.msk $0xffff, v3;
	p1 =	sgt.s32 s13, $0x31;
	s28 =	smulhi.u32 $0x1084211, s25;
	s26 =	ssub.s32 s26, s27  }
0x15: {  	v59 =	vld [tilespmem:s22+$0xFFFFFFF0];
	[tilespmem:s23+$0x3060 ss:$0x81] =	vst.msk $0xffff, v2;
	s29 =	simm.s32 @!p1 $0x31;
	s27 =	sand.u32 s31, s13;
	p1 =	sgt.s32 s12, $0x78  }
0x16: {  	v60 =	vld [tilespmem:s22+$0x0];
	[tilespmem:s23+$0x0 ss:$0x81] =	vst.msk $0xffff, v1;
	s23 =	ssub.s32 s29, s27;
	s27 =	smov.u32 s12;
	s30 =	sadd.s32 $0xFFFFFC80, s26  }
0x17: {  	v61 =	vld [tilespmem:s22+$0x10];
	[tilespmem:s24+$0x3870 ss:$0x81] =	vst.msk $0xffff, v0;
	s26 =	ssub.s32 $0x400, s26;
	s27 =	simm.s32 @!p1 $0x78;
	p1 =	sgt.s32 s30, $0x7F  }
0x18: {  	v62 =	vld [tilespmem:s22+$0x20];
	s28 =	smul.u32 $0xF8, s28;
	[tilespmem:s24+$0x810 ss:$0x81] =	vst.msk $0xffff, v5;
	s27 =	ssub.s32 $0xF8, s27;
	s26 =	simm.s32 @p1 $0x0  }
0x19: {  	v63 =	vld [tilespmem:s22+$0xFFFFFFC0];
	s29 =	sand.u32 $0x7, s14;
	s31 =	sadd.s32 $0xFFFFFFCF, s23;
	[tilespmem:s24+$0x1020 ss:$0x81] =	vst.msk $0xffff, v58;
	s26 =	smul.u32 s27, s26  }
0x1a: {  	s22 =	ssub.s32 $0x32, s23;
	[tilespmem:s24+$0x1830 ss:$0x81] =	vst.msk $0xffff, v59;
	p1 =	sgt.s32 s31, $0x0;
	s27 =	smul.u32 $0x7C00, s13  }
0x1b: {  	[tilespmem:s24+$0x2040 ss:$0x81] =	vst.msk $0xffff, v60;
	s22 =	simm.s32 @p1 $0x0;
	s25 =	ssub.s32 s25, s28;
	s28 =	sshrl.u32 s14, $0x3  }
0x1c: {  	[tilespmem:s24+$0x2850 ss:$0x81] =	vst.msk $0xffff, v61;
	s23 =	sand.u32 $0xF, s28;
	s22 =	smul.u32 s22, s26;
	s26 =	sadd.s32 s2, s27  }
0x1d: {  	[tilespmem:s24+$0x3060 ss:$0x81] =	vst.msk $0xffff, v62;
	s30 =	sshll.u32 s29, $0x12;
	s25 =	sshll.u32 s25, $0x7;
	s23 =	sadd.s32 s23, s26  }
0x1e: {  	[tilespmem:s24+$0x0 ss:$0x81] =	vst.msk $0xffff, v63;
	s31 =	sor.u32 $0x400, s30;
	s22 =	sand.u32 $0x3FFFFFFF, s22;
	s23 =	sadd.s32 s25, s23  }
0x1f: {  	[hbm4b:s23+s31] =	stream.strided.scatter [tilespmem:s21], [sflag:$0x2], s22, s11, s31, $0x20;
	[tilespmem:$0x10100] =	vst v63  }
.LBB1_5:
0x20: {  	p1 =	slt.u32 s17, $0x2;
	s21 =	smov.u32 s19  }
0x21: {  	s22 =	smov.u32 s20;
	p2 =	sgt.s32 @!p1 s19, $0x31;
	p3 =	sgt.s32 @!p1 s20, $0x380  }
0x22: {  	s23 =	sshra.s32 @!p1 s20, $0x1F;
	p2 =	por !p2, p1;
	p3 =	por !p3, p1  }
0x23: {  	s20 =	sand.u32 @!p1 s23, s20;
	s21 =	simm.s32 @p2 $0x31;
	s22 =	simm.s32 @p3 $0x380  }
0x24: {  	p2 =	sgt.s32 @!p1 s18, $0x78;
	s20 =	ssub.s32 @!p1 s22, s20;
	s22 =	sshra.s32 @!p1 s19, $0x1F  }
0x25: {  	p2 =	por !p2, p1;
	s19 =	sand.u32 @!p1 s22, s19;
	s22 =	sadd.s32 @!p1 $0xFFFFFC80, s20  }
0x26: {  	s18 =	simm.s32 @p2 $0x78;
	s19 =	ssub.s32 @!p1 s21, s19;
	p2 =	sgt.s32 @!p1 s22, $0x7F  }
0x27: {  	s20 =	ssub.s32 @!p1 $0x400, s20;
	s21 =	sadd.s32 @!p1 $0xFFFFFFCF, s19;
	p2 =	por !p2, p1  }
0x28: {  	s18 =	ssub.s32 @!p1 $0xF8, s18;
	s20 =	simm.s32 @!p2 $0x0;
	p2 =	sgt.s32 @!p1 s21, $0x0  }
0x29: {  	s19 =	ssub.s32 @!p1 $0x32, s19;
	p2 =	por !p2, p1;
	s18 =	smul.u32 @!p1 s18, s20  }
0x2a: {  	s23 =	smov.u32 s16;
	s21 =	sadd.s32 $0x2, s15;
	s19 =	simm.s32 @!p2 $0x0  }
0x2b: {  	p2 =	sgt.s32 s21, $0x31;
	s18 =	smul.u32 @!p1 s19, s18;
	s19 =	sadd.s32 $0x400, s16  }
0x2c: {  	s25 =	sadd.s32 $0x1, s17;
	s23 =	smov.u32 @p2 s19  }
0x2d: {  	p0 =	por !p0, !p0;
	s21 =	smov.u32 @p2 s5;
	p2 =	sgt.s32 s23, $0x3FF  }
0x2e: {  	s22 =	simm.s32 @!p1 $0x2;
	s23 =	smov.u32 @p2 s3;
	p2 =	sne.s32 s17, s10  }
.Ltmp1:
0x2f: {  	s20 =	smov.u32 s14;
	s14 =	smov.u32 s16;
	(pc) =	sbr.rel @!p2 .LBB1_6-.Ltmp1, $4  }
0x30: {  	s19 =	smov.u32 s13;
	s13 =	smov.u32 s15;
	s18 =	sand.u32 @!p1 $0x3FFFFFFF, s18  }
0x31: {  	s15 =	smov.u32 s21;
	_ =	swait.ge @!p1 [sflag:s22], s18;
	s24 =	ssub.s32 @!p1 $0x0, s18  }
0x32: {  	s18 =	smov.u32 s12;
	s12 =	smov.u32 s8;
	[sflag:s22] =	ssyncset.done @!p1 $0x0  }
0x33: {  	s17 =	smov.u32 s25;
	s16 =	smov.u32 s23;
	[sflag:s22] =	ssyncadd.s32 @!p1 s24  }
.LBB1_1:
0x34: {  	p1 =	sge.u32 s17, s7  }
0x35: {  	s21 =	sshll.u32 @!p1 s15, $0x8  }
0x36: {  	s22 =	sshll.u32 @!p1 s15, $0x7;
	s21 =	sand.u32 @!p1 $0xFFFFF800, s21  }
0x37: {  	s22 =	sand.u32 @!p1 $0x300, s22;
	s21 =	sor.u32 @!p1 s9, s21  }
0x38: {  	s21 =	sor.u32 @!p1 s22, s21  }
0x39: {  	s21 =	sshrl.u32 @!p1 s21, $0x8  }
0x3a: {  	s22 =	smulhi.u32 @!p1 $0x4924925, s21;
	_ =	sdelay $0x1  }
0x3b: {  	s22 =	smul.u32 @!p1 $0x38, s22  }
0x3c: {  	s31 =	sadd.s32 $0xFFFFFFFF, s17;
	s23 =	smul.u32 @!p1 $0x700, s16  }
0x3d: {  	s24 =	sxor.u32 @!p1 $0xFFFFFFFF, s17;
	s21 =	ssub.s32 @!p1 s21, s22;
	s22 =	sshll.u32 @!p1 s15, $0x4  }
0x3e: {  	s24 =	sshll.u32 @!p1 s24, $0xE;
	s23 =	sadd.s32 @!p1 s4, s23;
	s22 =	sand.u32 @!p1 $0x10, s22  }
0x3f: {  	s24 =	sand.u32 @!p1 $0x4000, s24;
	s21 =	sshll.u32 @!p1 s21, $0x5;
	s22 =	sadd.s32 @!p1 s22, s23  }
0x40: {  	s23 =	simm.s32 @!p1 $0x3800;
	s21 =	sadd.s32 @!p1 s21, s22;
	s22 =	simm.s32 @!p1 $0x80  }
0x41: {  	[tilespmem:s24], [sflag:$0x1] =	stream.strided.gather @!p1 [hbm4b:s21+s22], $0x4000, s23, s22, $0x38;
	[tilespmem:$0x10100] =	vst v63  }
0x42: {  	p1 =	sge.u32 s31, s7  }
.Ltmp2:
0x43: {  	_ = 	snop;
	(pc) =	sbr.rel @p1 .LBB1_5-.Ltmp2, $1  }
0x44: {  	_ =	sdelay $0x3  }
0x45: {  	s21 =	simm.s32 $0x1  }
0x46: {  	_ =	swait.ge [sflag:s6], $0x4000;
	s21 =	simm.s32 @!p0 $0x0  }
0x47: {  	[sflag:s6] =	ssyncset.done $0x0;
	s22 =	sshll.u32 s21, $0xE  }
0x48: {  	[sflag:s6] =	ssyncadd.s32 $0xFFFFC000;
	s22 =	sor.u32 $0x40, s22  }
0x49: {  	s21 =	smul.u32 $0x10200, s21;
	v0 =	vld [tilespmem:s22+$0x30]  }
0x4a: {  	v1 =	vld [tilespmem:s22+$0xFFFFFFD0]  }
0x4b: {  	s21 =	sshrl.u32 s21, $0x2;
	v5 =	vld [tilespmem:s22+$0xFFFFFFE0]  }
0x4c: {  	v6 =	vld [tilespmem:s22+$0xFFFFFFF0];
	s24 =	sor.u32 $0x8000, s21  }
0x4d: {  	s31 =	sand.u32 $0x1, s17;
	v4 =	vld [tilespmem:s22+$0x0];
	s23 =	sadd.s32 $0x0, s24  }
0x4e: {  	v3 =	vld [tilespmem:s22+$0x10];
	s21 =	smul.u32 $0x10200, s31;
	[tilespmem:s23+$0x3870 ss:$0x81] =	vst.msk $0xffff, v0  }
0x4f: {  	v2 =	vld [tilespmem:s22+$0x20];
	[tilespmem:s23+$0x810 ss:$0x81] =	vst.msk $0xffff, v1  }
0x50: {  	s21 =	sshrl.u32 s21, $0x2;
	v1 =	vld [tilespmem:s22+$0xFFFFFFC0];
	[tilespmem:s23+$0x1020 ss:$0x81] =	vst.msk $0xffff, v5;
	s22 =	sadd.s32 $0x80, s22  }
0x51: {  	s25 =	simm.s32 $0x4;
	s26 =	simm.s32 $0x8;
	s21 =	sor.u32 $0x8000, s21;
	[tilespmem:s23+$0x1830 ss:$0x81] =	vst.msk $0xffff, v6;
	v0 =	vld [tilespmem:s22+$0x30]  }
.LBB1_3:
0x52: {  	p1 =	sne.s32 s26, $0x1FC;
	v5 =	vld [tilespmem:s22+$0xFFFFFFD0];
	[tilespmem:s23+$0x2040 ss:$0x81] =	vst.msk $0xffff, v4  }
0x53: {  	v6 =	vld [tilespmem:s22+$0xFFFFFFE0];
	[tilespmem:s23+$0x2850 ss:$0x81] =	vst.msk $0xffff, v3  }
0x54: {  	s27 =	sshra.s32 s25, $0x2;
	s25 =	smov.u32 s26;
	v7 =	vld [tilespmem:s22+$0xFFFFFFF0];
	[tilespmem:s23+$0x3060 ss:$0x81] =	vst.msk $0xffff, v2  }
.Ltmp3:
0x55: {  	v4 =	vld [tilespmem:s22+$0x0];
	[tilespmem:s23+$0x0 ss:$0x81] =	vst.msk $0xffff, v1;
	s23 =	sadd.s32 s27, s24;
	(pc) =	sbr.rel @p1 .LBB1_3-.Ltmp3, $4  }
0x56: {  	v3 =	vld [tilespmem:s22+$0x10];
	[tilespmem:s23+$0x3870 ss:$0x81] =	vst.msk $0xffff, v0  }
0x57: {  	[tilespmem:s23+$0x810 ss:$0x81] =	vst.msk $0xffff, v5;
	v2 =	vld [tilespmem:s22+$0x20]  }
0x58: {  	v1 =	vld [tilespmem:s22+$0xFFFFFFC0];
	[tilespmem:s23+$0x1020 ss:$0x81] =	vst.msk $0xffff, v6;
	s22 =	sadd.s32 $0x80, s22  }
0x59: {  	s26 =	sadd.s32 $0x4, s26;
	v0 =	vld [tilespmem:s22+$0x30];
	[tilespmem:s23+$0x1830 ss:$0x81] =	vst.msk $0xffff, v7  }
.Ltmp4:
0x5a: {  	_ = 	snop;
	(pc) =	sbr.rel .LBB1_4-.Ltmp4, $1  }
0x5b: {  	_ =	sdelay $0x3  }
.LBB1_6:
0x5c: {  	_ =	sfence.sel $0x180000  }
0x5d: {  	s2 =	simm.s32 $0x1;
	[bflag:$0x0] =	sbarrier.arrive $0xFFFF  }
0x5e: {  	s31 =	simm.s32 $0x2;
	[sflag:s2] =	ssyncpa.u1 $0x1  }
0x5f: {  	[sflag:s31] =	ssyncpa.u1 $0x1  }
0x60: {  	p0 =	sne.s32 s1, $0x0;
	_ =	strace $0x9000004A  }
0x61: {  	s0 =	sadd.s32 @!p0 $0x100000, s0;
	[bflag:$0x2] =	sbarrier.arrive $0xFFFF  }
0x62: {  	[sflag:s0] =	ssyncadd.tile.s32 @!p0 $0x1;
	_ =	shalt  }
.Lfunc_end1:
_tile_overlayer_lowered:
.L_overlay_start_2:
0x63: {  	(tag) =	ssettag $0x2  }
0x64: {  	s0 =	rddreg [dreg:$0x0];
	s2 =	stileid.u32  }
0x65: {  	s1 =	rddreg [dreg:$0x1];
	p0 =	sne.s32 s2, $0x0  }
0x66: {  	s3 =	rddreg [dreg:$0x2];
	[bflag:$0x3] =	sbarrier.arrive $0xFFFF;
	s2 =	simm.s32 @!p0 $0x1C01  }
0x67: {  	[timem:s3], [sflag:s2] =	dma.local @!p0 [hbm:s0], s1  }
0x68: {  	s0 =	simm.s32 @!p0 $0x1  }
0x69: {  	_ =	swait.ge @!p0 [sflag:s0], s1  }
0x6a: {  	s1 =	ssub.s32 @!p0 $0x0, s1;
	[sflag:s0] =	ssyncset.done @!p0 $0x0  }
0x6b: {  	[sflag:s0] =	ssyncadd.s32 @!p0 s1  }
0x6c: {  	[bflag:$0x3] =	sbarrier.arrive $0xFFFF  }
0x6d: {  	_ =	shalt  }

</sc_bundles>
